<compile_context>
chip_gen: v7x
topology: tpu7x:2x2x1
jax: 0.10.2.dev20260603
libtpu: 0.0.44.dev20260713+nightly
codegen_flags: <defaults>
</compile_context>

<pallas_src>
import functools
import math

import jax
import jax.numpy as jnp
from jax import lax
from jax.experimental import pallas as pl
from jax.experimental.pallas import tpu as pltpu
from jax.experimental.pallas import tpu_sc as plsc

_info = plsc.get_sparse_core_info()
_NC, _NS, _L = _info.num_cores, _info.num_subcores, _info.num_lanes
_NW = _NC * _NS

_CHUNK = 128
_NBUF = 4


@functools.lru_cache(maxsize=None)
def _make_kernel(B, D, scale):
    rows_per_w = B // _NW
    chunks_per_w = rows_per_w // _CHUNK
    assert chunks_per_w % _NBUF == 0

    mesh = plsc.VectorSubcoreMesh(core_axis_name="c", subcore_axis_name="s")

    @functools.partial(
        pl.kernel,
        mesh=mesh,
        out_type=jax.ShapeDtypeStruct((B, D), jnp.float32),
        scratch_types=[
            pltpu.VMEM((chunks_per_w, _CHUNK), jnp.int32),
            pltpu.VMEM((_NBUF, _CHUNK, D), jnp.float32),
            pltpu.VMEM((_NBUF, _CHUNK, D), jnp.float32),
        ]
        + [pltpu.SemaphoreType.DMA] * (2 * _NBUF + 1),
        compiler_params=pltpu.CompilerParams(use_tc_tiling_on_sc=False),
    )
    def k(idx_hbm, table_hbm, out_hbm, idx_v, gbuf, sbuf, *sems):
        isem = sems[0]
        gsems = sems[1 : 1 + _NBUF]
        ssems = sems[1 + _NBUF :]
        wid = lax.axis_index("s") * _NC + lax.axis_index("c")
        base = wid * rows_per_w

        pltpu.async_copy(idx_hbm.at[wid], idx_v, isem).wait()

        for b in range(_NBUF):
            pltpu.async_copy(table_hbm.at[idx_v.at[b]], gbuf.at[b], gsems[b])

        def outer(c0, carry):
            for b in range(_NBUF):
                c = c0 * _NBUF + b
                pltpu.make_async_copy(
                    table_hbm.at[idx_v.at[c]], gbuf.at[b], gsems[b]
                ).wait()

                @pl.when(c0 > 0)
                def _():
                    pltpu.make_async_copy(
                        sbuf.at[b],
                        out_hbm.at[pl.ds(base + (c - _NBUF) * _CHUNK, _CHUNK)],
                        ssems[b],
                    ).wait()

                def scale_body(r, acc):
                    for j in range(D // _L):
                        sbuf[b, r, pl.ds(j * _L, _L)] = (
                            gbuf[b, r, pl.ds(j * _L, _L)] * scale
                        )
                    return acc

                lax.fori_loop(0, _CHUNK, scale_body, 0, unroll=8)

                pltpu.async_copy(
                    sbuf.at[b],
                    out_hbm.at[pl.ds(base + c * _CHUNK, _CHUNK)],
                    ssems[b],
                )

                @pl.when(c + _NBUF < chunks_per_w)
                def _():
                    pltpu.async_copy(
                        table_hbm.at[idx_v.at[c + _NBUF]], gbuf.at[b], gsems[b]
                    )

            return carry

        lax.fori_loop(0, chunks_per_w // _NBUF, outer, 0)

        for b in range(_NBUF):
            c = chunks_per_w - _NBUF + b
            pltpu.make_async_copy(
                sbuf.at[b],
                out_hbm.at[pl.ds(base + c * _CHUNK, _CHUNK)],
                ssems[b],
            ).wait()

    return k


def kernel(x, lut):
    B = x.size
    D = lut.shape[1]
    scale = float(math.sqrt(D))
    idx = x.reshape(_NW, B // (_NW * _CHUNK), _CHUNK).astype(jnp.int32)
    out = _make_kernel(B, D, scale)(idx, lut)
    return out.reshape(x.shape + (D,))

# --- scband reference (transcript-rebuilt; emitter-appended) ---
"""Pipeline reference for scband-embeddings-81114752352804 (READ-ONLY COPY).

The authoritative reference and input builder live on the scoring server;
editing this copy changes nothing except your own understanding.
"""

import jax, jax.numpy as jnp
import numpy as np
import math

VOCAB = 1000000
DIM = 64

def setup_inputs(seed: int = 0) -> dict:
    key = jax.random.key(seed)
    k1, k2 = jax.random.split(key)
    x = jax.random.randint(k1, (4096, 200), 0, VOCAB, dtype=jnp.int64 if jax.config.jax_enable_x64 else jnp.int32)
    lut = jax.random.normal(k2, (VOCAB, DIM), dtype=jnp.float32)
    return {"x": x, "lut": lut}

def reference(x, lut):
    # Embeddings.forward: self.lut(x) * sqrt(dimension_for_model)
    emb = jnp.take(lut, x, axis=0)
    return emb * math.sqrt(DIM)

if __name__ == "__main__":
    import jax
    _d = setup_inputs()
    print(jax.jit(kernel)(*tuple(_d.values())))

</pallas_src>

<mosaic_0001>
#map = affine_map<(d0, d1) -> (0, 0, 0)>
#map1 = affine_map<(d0, d1) -> (0, 0)>
module attributes {stable_mosaic.version = 14 : i64} {
  func.func @k(%arg0: i32, %arg1: i32, %arg2: memref<32x200x128xi32, #tpu.memory_space<hbm>>, %arg3: memref<1000000x64xf32, #tpu.memory_space<hbm>>, %arg4: memref<819200x64xf32, #tpu.memory_space<hbm>>, %arg5: memref<200x128xi32, #tpu.memory_space<vmem>>, %arg6: memref<4x128x64xf32, #tpu.memory_space<vmem>>, %arg7: memref<4x128x64xf32, #tpu.memory_space<vmem>>, %arg8: memref<!tpu.dma_semaphore, #tpu.memory_space<semaphore_mem>>, %arg9: memref<!tpu.dma_semaphore, #tpu.memory_space<semaphore_mem>>, %arg10: memref<!tpu.dma_semaphore, #tpu.memory_space<semaphore_mem>>, %arg11: memref<!tpu.dma_semaphore, #tpu.memory_space<semaphore_mem>>, %arg12: memref<!tpu.dma_semaphore, #tpu.memory_space<semaphore_mem>>, %arg13: memref<!tpu.dma_semaphore, #tpu.memory_space<semaphore_mem>>, %arg14: memref<!tpu.dma_semaphore, #tpu.memory_space<semaphore_mem>>, %arg15: memref<!tpu.dma_semaphore, #tpu.memory_space<semaphore_mem>>, %arg16: memref<!tpu.dma_semaphore, #tpu.memory_space<semaphore_mem>>) attributes {dimension_semantics = [#tpu.dimension_semantics<core_parallel>, #tpu.dimension_semantics<subcore_parallel>], iteration_bounds = array<i64: 2, 16>, scalar_prefetch = 0 : i64, scratch_operands = 12 : i64, tpu.core_type = #tpu.core_type<sc_vector_subcore>, window_params = [{transform_indices = #map}, {transform_indices = #map1}, {transform_indices = #map1}]} {
    %mul3A = arith.constant 2 : i32
    %mul3A_0 = arith.muli %arg1, %mul3A : i32
    %add3A = arith.addi %mul3A_0, %arg0 : i32
    %mul3A_1 = arith.constant 25600 : i32
    %mul3A_2 = arith.muli %add3A, %mul3A_1 : i32
    %dma_start3A = arith.constant 0 : i32
    %dma_start3A_3 = arith.constant 0 : i32
    %dma_start3A_4 = tpu.memref_slice %arg2[%add3A, %dma_start3A, %dma_start3A_3] : memref<32x200x128xi32, #tpu.memory_space<hbm>> -> memref<1x200x128xi32, #tpu.memory_space<hbm>>
    %dma_start3A_5 = tpu.memref_squeeze %dma_start3A_4 : memref<1x200x128xi32, #tpu.memory_space<hbm>> -> memref<200x128xi32, #tpu.memory_space<hbm>>
    %dma_start3A_6 = arith.constant 0 : i32
    %dma_start3A_7 = arith.constant 0 : i32
    %dma_start3A_8 = tpu.memref_slice %arg2[%add3A, %dma_start3A_6, %dma_start3A_7] : memref<32x200x128xi32, #tpu.memory_space<hbm>> -> memref<1x200x128xi32, #tpu.memory_space<hbm>>
    %dma_start3A_9 = tpu.memref_squeeze %dma_start3A_8 : memref<1x200x128xi32, #tpu.memory_space<hbm>> -> memref<200x128xi32, #tpu.memory_space<hbm>>
    tpu.enqueue_dma source(%dma_start3A_9 : memref<200x128xi32, #tpu.memory_space<hbm>>) target(%arg5 : memref<200x128xi32, #tpu.memory_space<vmem>>) target_semaphore(%arg8 : memref<!tpu.dma_semaphore, #tpu.memory_space<semaphore_mem>>)
    %dma_wait3A = arith.constant 0 : i32
    %dma_wait3A_10 = arith.constant 0 : i32
    %dma_wait3A_11 = tpu.memref_slice %arg2[%add3A, %dma_wait3A, %dma_wait3A_10] : memref<32x200x128xi32, #tpu.memory_space<hbm>> -> memref<1x200x128xi32, #tpu.memory_space<hbm>>
    %dma_wait3A_12 = tpu.memref_squeeze %dma_wait3A_11 : memref<1x200x128xi32, #tpu.memory_space<hbm>> -> memref<200x128xi32, #tpu.memory_space<hbm>>
    %dma_wait3A_13 = arith.constant 0 : i32
    %dma_wait3A_14 = arith.constant 0 : i32
    %dma_wait3A_15 = tpu.memref_slice %arg2[%add3A, %dma_wait3A_13, %dma_wait3A_14] : memref<32x200x128xi32, #tpu.memory_space<hbm>> -> memref<1x200x128xi32, #tpu.memory_space<hbm>>
    %dma_wait3A_16 = tpu.memref_squeeze %dma_wait3A_15 : memref<1x200x128xi32, #tpu.memory_space<hbm>> -> memref<200x128xi32, #tpu.memory_space<hbm>>
    tpu.wait_dma2 semaphore(%arg8 : memref<!tpu.dma_semaphore, #tpu.memory_space<semaphore_mem>>) src(%dma_wait3A_16 : memref<200x128xi32, #tpu.memory_space<hbm>>) dst(%arg5 : memref<200x128xi32, #tpu.memory_space<vmem>>)
    %dma_start3A_17 = arith.constant 0 : i32
    %dma_start3A_18 = arith.constant 0 : i32
    %dma_start3A_19 = arith.constant 0 : i32
    %dma_start3A_20 = arith.constant 0 : i32
    %dma_start3A_21 = tpu.memref_slice %arg6[%dma_start3A_18, %dma_start3A_19, %dma_start3A_20] : memref<4x128x64xf32, #tpu.memory_space<vmem>> -> memref<1x128x64xf32, #tpu.memory_space<vmem>>
    %dma_start3A_22 = tpu.memref_squeeze %dma_start3A_21 : memref<1x128x64xf32, #tpu.memory_space<vmem>> -> memref<128x64xf32, #tpu.memory_space<vmem>>
    %dma_start3A_23 = arith.constant 0 : i32
    %dma_start3A_24 = tpu.memref_slice %arg5[%dma_start3A_17, %dma_start3A_23] : memref<200x128xi32, #tpu.memory_space<vmem>> -> memref<1x128xi32, #tpu.memory_space<vmem>>
    %dma_start3A_25 = tpu.memref_squeeze %dma_start3A_24 : memref<1x128xi32, #tpu.memory_space<vmem>> -> memref<128xi32, #tpu.memory_space<vmem>>
    %dma_start3A_26 = arith.constant 0 : i32
    %dma_start3A_27 = arith.constant 0 : i32
    %dma_start3A_28 = tpu.memref_slice %arg3[%dma_start3A_26, %dma_start3A_27] : memref<1000000x64xf32, #tpu.memory_space<hbm>> -> memref<1000000x64xf32, #tpu.memory_space<hbm>>
    tpu.enqueue_indirect_dma source(%dma_start3A_28 : memref<1000000x64xf32, #tpu.memory_space<hbm>>) target(%dma_start3A_22 : memref<128x64xf32, #tpu.memory_space<vmem>>) offsets(%dma_start3A_25 : memref<128xi32, #tpu.memory_space<vmem>>) semaphore(%arg9 : memref<!tpu.dma_semaphore, #tpu.memory_space<semaphore_mem>>)
    %dma_start3A_29 = arith.constant 1 : i32
    %dma_start3A_30 = arith.constant 1 : i32
    %dma_start3A_31 = arith.constant 0 : i32
    %dma_start3A_32 = arith.constant 0 : i32
    %dma_start3A_33 = tpu.memref_slice %arg6[%dma_start3A_30, %dma_start3A_31, %dma_start3A_32] : memref<4x128x64xf32, #tpu.memory_space<vmem>> -> memref<1x128x64xf32, #tpu.memory_space<vmem>>
    %dma_start3A_34 = tpu.memref_squeeze %dma_start3A_33 : memref<1x128x64xf32, #tpu.memory_space<vmem>> -> memref<128x64xf32, #tpu.memory_space<vmem>>
    %dma_start3A_35 = arith.constant 0 : i32
    %dma_start3A_36 = tpu.memref_slice %arg5[%dma_start3A_29, %dma_start3A_35] : memref<200x128xi32, #tpu.memory_space<vmem>> -> memref<1x128xi32, #tpu.memory_space<vmem>>
    %dma_start3A_37 = tpu.memref_squeeze %dma_start3A_36 : memref<1x128xi32, #tpu.memory_space<vmem>> -> memref<128xi32, #tpu.memory_space<vmem>>
    %dma_start3A_38 = arith.constant 0 : i32
    %dma_start3A_39 = arith.constant 0 : i32
    %dma_start3A_40 = tpu.memref_slice %arg3[%dma_start3A_38, %dma_start3A_39] : memref<1000000x64xf32, #tpu.memory_space<hbm>> -> memref<1000000x64xf32, #tpu.memory_space<hbm>>
    tpu.enqueue_indirect_dma source(%dma_start3A_40 : memref<1000000x64xf32, #tpu.memory_space<hbm>>) target(%dma_start3A_34 : memref<128x64xf32, #tpu.memory_space<vmem>>) offsets(%dma_start3A_37 : memref<128xi32, #tpu.memory_space<vmem>>) semaphore(%arg10 : memref<!tpu.dma_semaphore, #tpu.memory_space<semaphore_mem>>)
    %dma_start3A_41 = arith.constant 2 : i32
    %dma_start3A_42 = arith.constant 2 : i32
    %dma_start3A_43 = arith.constant 0 : i32
    %dma_start3A_44 = arith.constant 0 : i32
    %dma_start3A_45 = tpu.memref_slice %arg6[%dma_start3A_42, %dma_start3A_43, %dma_start3A_44] : memref<4x128x64xf32, #tpu.memory_space<vmem>> -> memref<1x128x64xf32, #tpu.memory_space<vmem>>
    %dma_start3A_46 = tpu.memref_squeeze %dma_start3A_45 : memref<1x128x64xf32, #tpu.memory_space<vmem>> -> memref<128x64xf32, #tpu.memory_space<vmem>>
    %dma_start3A_47 = arith.constant 0 : i32
    %dma_start3A_48 = tpu.memref_slice %arg5[%dma_start3A_41, %dma_start3A_47] : memref<200x128xi32, #tpu.memory_space<vmem>> -> memref<1x128xi32, #tpu.memory_space<vmem>>
    %dma_start3A_49 = tpu.memref_squeeze %dma_start3A_48 : memref<1x128xi32, #tpu.memory_space<vmem>> -> memref<128xi32, #tpu.memory_space<vmem>>
    %dma_start3A_50 = arith.constant 0 : i32
    %dma_start3A_51 = arith.constant 0 : i32
    %dma_start3A_52 = tpu.memref_slice %arg3[%dma_start3A_50, %dma_start3A_51] : memref<1000000x64xf32, #tpu.memory_space<hbm>> -> memref<1000000x64xf32, #tpu.memory_space<hbm>>
    tpu.enqueue_indirect_dma source(%dma_start3A_52 : memref<1000000x64xf32, #tpu.memory_space<hbm>>) target(%dma_start3A_46 : memref<128x64xf32, #tpu.memory_space<vmem>>) offsets(%dma_start3A_49 : memref<128xi32, #tpu.memory_space<vmem>>) semaphore(%arg11 : memref<!tpu.dma_semaphore, #tpu.memory_space<semaphore_mem>>)
    %dma_start3A_53 = arith.constant 3 : i32
    %dma_start3A_54 = arith.constant 3 : i32
    %dma_start3A_55 = arith.constant 0 : i32
    %dma_start3A_56 = arith.constant 0 : i32
    %dma_start3A_57 = tpu.memref_slice %arg6[%dma_start3A_54, %dma_start3A_55, %dma_start3A_56] : memref<4x128x64xf32, #tpu.memory_space<vmem>> -> memref<1x128x64xf32, #tpu.memory_space<vmem>>
    %dma_start3A_58 = tpu.memref_squeeze %dma_start3A_57 : memref<1x128x64xf32, #tpu.memory_space<vmem>> -> memref<128x64xf32, #tpu.memory_space<vmem>>
    %dma_start3A_59 = arith.constant 0 : i32
    %dma_start3A_60 = tpu.memref_slice %arg5[%dma_start3A_53, %dma_start3A_59] : memref<200x128xi32, #tpu.memory_space<vmem>> -> memref<1x128xi32, #tpu.memory_space<vmem>>
    %dma_start3A_61 = tpu.memref_squeeze %dma_start3A_60 : memref<1x128xi32, #tpu.memory_space<vmem>> -> memref<128xi32, #tpu.memory_space<vmem>>
    %dma_start3A_62 = arith.constant 0 : i32
    %dma_start3A_63 = arith.constant 0 : i32
    %dma_start3A_64 = tpu.memref_slice %arg3[%dma_start3A_62, %dma_start3A_63] : memref<1000000x64xf32, #tpu.memory_space<hbm>> -> memref<1000000x64xf32, #tpu.memory_space<hbm>>
    tpu.enqueue_indirect_dma source(%dma_start3A_64 : memref<1000000x64xf32, #tpu.memory_space<hbm>>) target(%dma_start3A_58 : memref<128x64xf32, #tpu.memory_space<vmem>>) offsets(%dma_start3A_61 : memref<128xi32, #tpu.memory_space<vmem>>) semaphore(%arg12 : memref<!tpu.dma_semaphore, #tpu.memory_space<semaphore_mem>>)
    %scan3A = arith.constant 0 : i32
    %scan3A_65 = arith.constant 0 : i32
    %scan3A_66 = arith.constant 50 : i32
    %scan3A_67 = arith.addi %scan3A_65, %scan3A_66 : i32
    %scan3A_68 = arith.constant 1 : i32
    scf.for %scan3A_130 = %scan3A_65 to %scan3A_67 step %scan3A_68  : i32 {
      %mul3A_131 = arith.constant 4 : i32
      %mul3A_132 = arith.muli %scan3A_130, %mul3A_131 : i32
      %add3A_133 = arith.constant 0 : i32
      %add3A_134 = arith.addi %mul3A_132, %add3A_133 : i32
      %dma_wait3A_135 = arith.constant 0 : i32
      %dma_wait3A_136 = arith.constant 0 : i32
      %dma_wait3A_137 = arith.constant 0 : i32
      %dma_wait3A_138 = tpu.memref_slice %arg6[%dma_wait3A_135, %dma_wait3A_136, %dma_wait3A_137] : memref<4x128x64xf32, #tpu.memory_space<vmem>> -> memref<1x128x64xf32, #tpu.memory_space<vmem>>
      %dma_wait3A_139 = tpu.memref_squeeze %dma_wait3A_138 : memref<1x128x64xf32, #tpu.memory_space<vmem>> -> memref<128x64xf32, #tpu.memory_space<vmem>>
      %dma_wait3A_140 = arith.constant 0 : i32
      %dma_wait3A_141 = tpu.memref_slice %arg5[%add3A_134, %dma_wait3A_140] : memref<200x128xi32, #tpu.memory_space<vmem>> -> memref<1x128xi32, #tpu.memory_space<vmem>>
      %dma_wait3A_142 = tpu.memref_squeeze %dma_wait3A_141 : memref<1x128xi32, #tpu.memory_space<vmem>> -> memref<128xi32, #tpu.memory_space<vmem>>
      %dma_wait3A_143 = arith.constant 0 : i32
      %dma_wait3A_144 = arith.constant 0 : i32
      %dma_wait3A_145 = tpu.memref_slice %arg3[%dma_wait3A_143, %dma_wait3A_144] : memref<1000000x64xf32, #tpu.memory_space<hbm>> -> memref<1000000x64xf32, #tpu.memory_space<hbm>>
      tpu.wait_indirect_dma semaphore(%arg9 : memref<!tpu.dma_semaphore, #tpu.memory_space<semaphore_mem>>) src(%dma_wait3A_145 : memref<1000000x64xf32, #tpu.memory_space<hbm>>) dst(%dma_wait3A_139 : memref<128x64xf32, #tpu.memory_space<vmem>>)
      %gt3A = arith.constant 0 : i32
      %gt3A_146 = arith.cmpi sgt, %scan3A_130, %gt3A : i32
      %convert_element_type3A = arith.extui %gt3A_146 : i1 to i32
      %cond3A = arith.constant 0 : i32
      %cond3A_147 = arith.cmpi ne, %convert_element_type3A, %cond3A : i32
      scf.if %cond3A_147 {
        %sub3A = arith.constant 4 : i32
        %sub3A_323 = arith.subi %add3A_134, %sub3A : i32
        %mul3A_324 = arith.constant 128 : i32
        %mul3A_325 = arith.muli %sub3A_323, %mul3A_324 : i32
        %add3A_326 = arith.addi %mul3A_2, %mul3A_325 : i32
        %dma_wait3A_327 = arith.constant 0 : i32
        %dma_wait3A_328 = arith.constant 0 : i32
        %dma_wait3A_329 = arith.constant 0 : i32
        %dma_wait3A_330 = tpu.memref_slice %arg7[%dma_wait3A_327, %dma_wait3A_328, %dma_wait3A_329] : memref<4x128x64xf32, #tpu.memory_space<vmem>> -> memref<1x128x64xf32, #tpu.memory_space<vmem>>
        %dma_wait3A_331 = tpu.memref_squeeze %dma_wait3A_330 : memref<1x128x64xf32, #tpu.memory_space<vmem>> -> memref<128x64xf32, #tpu.memory_space<vmem>>
        %dma_wait3A_332 = arith.constant 0 : i32
        %dma_wait3A_333 = tpu.memref_slice %arg4[%add3A_326, %dma_wait3A_332] : memref<819200x64xf32, #tpu.memory_space<hbm>> -> memref<128x64xf32, #tpu.memory_space<hbm>>
        %dma_wait3A_334 = arith.constant 0 : i32
        %dma_wait3A_335 = tpu.memref_slice %arg4[%add3A_326, %dma_wait3A_334] : memref<819200x64xf32, #tpu.memory_space<hbm>> -> memref<128x64xf32, #tpu.memory_space<hbm>>
        %dma_wait3A_336 = arith.constant 0 : i32
        %dma_wait3A_337 = arith.constant 0 : i32
        %dma_wait3A_338 = tpu.memref_slice %arg7[%dma_wait3A_327, %dma_wait3A_336, %dma_wait3A_337] : memref<4x128x64xf32, #tpu.memory_space<vmem>> -> memref<1x128x64xf32, #tpu.memory_space<vmem>>
        %dma_wait3A_339 = tpu.memref_squeeze %dma_wait3A_338 : memref<1x128x64xf32, #tpu.memory_space<vmem>> -> memref<128x64xf32, #tpu.memory_space<vmem>>
        tpu.wait_dma2 semaphore(%arg13 : memref<!tpu.dma_semaphore, #tpu.memory_space<semaphore_mem>>) src(%dma_wait3A_339 : memref<128x64xf32, #tpu.memory_space<vmem>>) dst(%dma_wait3A_335 : memref<128x64xf32, #tpu.memory_space<hbm>>)
      } else {
      }
      %scan3A_148 = arith.constant 0 : i32
      %scan3A_149 = arith.constant 0 : i32
      %scan3A_150 = arith.constant 128 : i32
      %scan3A_151 = arith.addi %scan3A_149, %scan3A_150 : i32
      %scan3A_152 = arith.constant 8 : i32
      scf.for %scan3A_323 = %scan3A_149 to %scan3A_151 step %scan3A_152  : i32 {
        %get3A = arith.constant 0 : i32
        %get3A_324 = arith.index_cast %get3A : i32 to index
        %get3A_325 = arith.index_cast %scan3A_323 : i32 to index
        %get3A_326 = arith.constant 0 : index
        %get3A_327 = tpu.vector_load %arg6[%get3A_324, %get3A_325, %get3A_326] {strides = array<i32>} : memref<4x128x64xf32, #tpu.memory_space<vmem>>, vector<1x1x16xf32>,
        %get3A_328 = vector.shape_cast %get3A_327 : vector<1x1x16xf32> to vector<16xf32>
        %mul3A_329 = arith.constant 8.000000e+00 : f32
        %mul3A_330 = vector.broadcast %mul3A_329 : f32 to vector<16xf32>
        %mul3A_331 = arith.mulf %get3A_328, %mul3A_330 : vector<16xf32>
        %swap3A = arith.constant 0 : i32
        %swap3A_332 = arith.index_cast %swap3A : i32 to index
        %swap3A_333 = arith.index_cast %scan3A_323 : i32 to index
        %swap3A_334 = arith.constant 0 : index
        %swap3A_335 = tpu.vector_load %arg7[%swap3A_332, %swap3A_333, %swap3A_334] {strides = array<i32>} : memref<4x128x64xf32, #tpu.memory_space<vmem>>, vector<1x1x16xf32>,
        %swap3A_336 = vector.shape_cast %swap3A_335 : vector<1x1x16xf32> to vector<16xf32>
        %swap3A_337 = vector.shape_cast %mul3A_331 : vector<16xf32> to vector<1x1x16xf32>
        tpu.vector_store %arg7[%swap3A_332, %swap3A_333, %swap3A_334], %swap3A_337 {strides = array<i32>} : memref<4x128x64xf32, #tpu.memory_space<vmem>>, vector<1x1x16xf32>,
        %get3A_338 = arith.constant 0 : i32
        %get3A_339 = arith.index_cast %get3A_338 : i32 to index
        %get3A_340 = arith.index_cast %scan3A_323 : i32 to index
        %get3A_341 = arith.constant 16 : index
        %get3A_342 = tpu.vector_load %arg6[%get3A_339, %get3A_340, %get3A_341] {strides = array<i32>} : memref<4x128x64xf32, #tpu.memory_space<vmem>>, vector<1x1x16xf32>,
        %get3A_343 = vector.shape_cast %get3A_342 : vector<1x1x16xf32> to vector<16xf32>
        %mul3A_344 = arith.constant 8.000000e+00 : f32
        %mul3A_345 = vector.broadcast %mul3A_344 : f32 to vector<16xf32>
        %mul3A_346 = arith.mulf %get3A_343, %mul3A_345 : vector<16xf32>
        %swap3A_347 = arith.constant 0 : i32
        %swap3A_348 = arith.index_cast %swap3A_347 : i32 to index
        %swap3A_349 = arith.index_cast %scan3A_323 : i32 to index
        %swap3A_350 = arith.constant 16 : index
        %swap3A_351 = tpu.vector_load %arg7[%swap3A_348, %swap3A_349, %swap3A_350] {strides = array<i32>} : memref<4x128x64xf32, #tpu.memory_space<vmem>>, vector<1x1x16xf32>,
        %swap3A_352 = vector.shape_cast %swap3A_351 : vector<1x1x16xf32> to vector<16xf32>
        %swap3A_353 = vector.shape_cast %mul3A_346 : vector<16xf32> to vector<1x1x16xf32>
        tpu.vector_store %arg7[%swap3A_348, %swap3A_349, %swap3A_350], %swap3A_353 {strides = array<i32>} : memref<4x128x64xf32, #tpu.memory_space<vmem>>, vector<1x1x16xf32>,
        %get3A_354 = arith.constant 0 : i32
        %get3A_355 = arith.index_cast %get3A_354 : i32 to index
        %get3A_356 = arith.index_cast %scan3A_323 : i32 to index
        %get3A_357 = arith.constant 32 : index
        %get3A_358 = tpu.vector_load %arg6[%get3A_355, %get3A_356, %get3A_357] {strides = array<i32>} : memref<4x128x64xf32, #tpu.memory_space<vmem>>, vector<1x1x16xf32>,
        %get3A_359 = vector.shape_cast %get3A_358 : vector<1x1x16xf32> to vector<16xf32>
        %mul3A_360 = arith.constant 8.000000e+00 : f32
        %mul3A_361 = vector.broadcast %mul3A_360 : f32 to vector<16xf32>
        %mul3A_362 = arith.mulf %get3A_359, %mul3A_361 : vector<16xf32>
        %swap3A_363 = arith.constant 0 : i32
        %swap3A_364 = arith.index_cast %swap3A_363 : i32 to index
        %swap3A_365 = arith.index_cast %scan3A_323 : i32 to index
        %swap3A_366 = arith.constant 32 : index
        %swap3A_367 = tpu.vector_load %arg7[%swap3A_364, %swap3A_365, %swap3A_366] {strides = array<i32>} : memref<4x128x64xf32, #tpu.memory_space<vmem>>, vector<1x1x16xf32>,
        %swap3A_368 = vector.shape_cast %swap3A_367 : vector<1x1x16xf32> to vector<16xf32>
        %swap3A_369 = vector.shape_cast %mul3A_362 : vector<16xf32> to vector<1x1x16xf32>
        tpu.vector_store %arg7[%swap3A_364, %swap3A_365, %swap3A_366], %swap3A_369 {strides = array<i32>} : memref<4x128x64xf32, #tpu.memory_space<vmem>>, vector<1x1x16xf32>,
        %get3A_370 = arith.constant 0 : i32
        %get3A_371 = arith.index_cast %get3A_370 : i32 to index
        %get3A_372 = arith.index_cast %scan3A_323 : i32 to index
        %get3A_373 = arith.constant 48 : index
        %get3A_374 = tpu.vector_load %arg6[%get3A_371, %get3A_372, %get3A_373] {strides = array<i32>} : memref<4x128x64xf32, #tpu.memory_space<vmem>>, vector<1x1x16xf32>,
        %get3A_375 = vector.shape_cast %get3A_374 : vector<1x1x16xf32> to vector<16xf32>
        %mul3A_376 = arith.constant 8.000000e+00 : f32
        %mul3A_377 = vector.broadcast %mul3A_376 : f32 to vector<16xf32>
        %mul3A_378 = arith.mulf %get3A_375, %mul3A_377 : vector<16xf32>
        %swap3A_379 = arith.constant 0 : i32
        %swap3A_380 = arith.index_cast %swap3A_379 : i32 to index
        %swap3A_381 = arith.index_cast %scan3A_323 : i32 to index
        %swap3A_382 = arith.constant 48 : index
        %swap3A_383 = tpu.vector_load %arg7[%swap3A_380, %swap3A_381, %swap3A_382] {strides = array<i32>} : memref<4x128x64xf32, #tpu.memory_space<vmem>>, vector<1x1x16xf32>,
        %swap3A_384 = vector.shape_cast %swap3A_383 : vector<1x1x16xf32> to vector<16xf32>
        %swap3A_385 = vector.shape_cast %mul3A_378 : vector<16xf32> to vector<1x1x16xf32>
        tpu.vector_store %arg7[%swap3A_380, %swap3A_381, %swap3A_382], %swap3A_385 {strides = array<i32>} : memref<4x128x64xf32, #tpu.memory_space<vmem>>, vector<1x1x16xf32>,
        %scan3A_386 = arith.constant 1 : i32
        %scan3A_387 = arith.addi %scan3A_323, %scan3A_386 : i32
        %get3A_388 = arith.constant 0 : i32
        %get3A_389 = arith.index_cast %get3A_388 : i32 to index
        %get3A_390 = arith.index_cast %scan3A_387 : i32 to index
        %get3A_391 = arith.constant 0 : index
        %get3A_392 = tpu.vector_load %arg6[%get3A_389, %get3A_390, %get3A_391] {strides = array<i32>} : memref<4x128x64xf32, #tpu.memory_space<vmem>>, vector<1x1x16xf32>,
        %get3A_393 = vector.shape_cast %get3A_392 : vector<1x1x16xf32> to vector<16xf32>
        %mul3A_394 = arith.constant 8.000000e+00 : f32
        %mul3A_395 = vector.broadcast %mul3A_394 : f32 to vector<16xf32>
        %mul3A_396 = arith.mulf %get3A_393, %mul3A_395 : vector<16xf32>
        %swap3A_397 = arith.constant 0 : i32
        %swap3A_398 = arith.index_cast %swap3A_397 : i32 to index
        %swap3A_399 = arith.index_cast %scan3A_387 : i32 to index
        %swap3A_400 = arith.constant 0 : index
        %swap3A_401 = tpu.vector_load %arg7[%swap3A_398, %swap3A_399, %swap3A_400] {strides = array<i32>} : memref<4x128x64xf32, #tpu.memory_space<vmem>>, vector<1x1x16xf32>,
        %swap3A_402 = vector.shape_cast %swap3A_401 : vector<1x1x16xf32> to vector<16xf32>
        %swap3A_403 = vector.shape_cast %mul3A_396 : vector<16xf32> to vector<1x1x16xf32>
        tpu.vector_store %arg7[%swap3A_398, %swap3A_399, %swap3A_400], %swap3A_403 {strides = array<i32>} : memref<4x128x64xf32, #tpu.memory_space<vmem>>, vector<1x1x16xf32>,
        %get3A_404 = arith.constant 0 : i32
        %get3A_405 = arith.index_cast %get3A_404 : i32 to index
        %get3A_406 = arith.index_cast %scan3A_387 : i32 to index
        %get3A_407 = arith.constant 16 : index
        %get3A_408 = tpu.vector_load %arg6[%get3A_405, %get3A_406, %get3A_407] {strides = array<i32>} : memref<4x128x64xf32, #tpu.memory_space<vmem>>, vector<1x1x16xf32>,
        %get3A_409 = vector.shape_cast %get3A_408 : vector<1x1x16xf32> to vector<16xf32>
        %mul3A_410 = arith.constant 8.000000e+00 : f32
        %mul3A_411 = vector.broadcast %mul3A_410 : f32 to vector<16xf32>
        %mul3A_412 = arith.mulf %get3A_409, %mul3A_411 : vector<16xf32>
        %swap3A_413 = arith.constant 0 : i32
        %swap3A_414 = arith.index_cast %swap3A_413 : i32 to index
        %swap3A_415 = arith.index_cast %scan3A_387 : i32 to index
        %swap3A_416 = arith.constant 16 : index
        %swap3A_417 = tpu.vector_load %arg7[%swap3A_414, %swap3A_415, %swap3A_416] {strides = array<i32>} : memref<4x128x64xf32, #tpu.memory_space<vmem>>, vector<1x1x16xf32>,
        %swap3A_418 = vector.shape_cast %swap3A_417 : vector<1x1x16xf32> to vector<16xf32>
        %swap3A_419 = vector.shape_cast %mul3A_412 : vector<16xf32> to vector<1x1x16xf32>
        tpu.vector_store %arg7[%swap3A_414, %swap3A_415, %swap3A_416], %swap3A_419 {strides = array<i32>} : memref<4x128x64xf32, #tpu.memory_space<vmem>>, vector<1x1x16xf32>,
        %get3A_420 = arith.constant 0 : i32
        %get3A_421 = arith.index_cast %get3A_420 : i32 to index
        %get3A_422 = arith.index_cast %scan3A_387 : i32 to index
        %get3A_423 = arith.constant 32 : index
        %get3A_424 = tpu.vector_load %arg6[%get3A_421, %get3A_422, %get3A_423] {strides = array<i32>} : memref<4x128x64xf32, #tpu.memory_space<vmem>>, vector<1x1x16xf32>,
        %get3A_425 = vector.shape_cast %get3A_424 : vector<1x1x16xf32> to vector<16xf32>
        %mul3A_426 = arith.constant 8.000000e+00 : f32
        %mul3A_427 = vector.broadcast %mul3A_426 : f32 to vector<16xf32>
        %mul3A_428 = arith.mulf %get3A_425, %mul3A_427 : vector<16xf32>
        %swap3A_429 = arith.constant 0 : i32
        %swap3A_430 = arith.index_cast %swap3A_429 : i32 to index
        %swap3A_431 = arith.index_cast %scan3A_387 : i32 to index
        %swap3A_432 = arith.constant 32 : index
        %swap3A_433 = tpu.vector_load %arg7[%swap3A_430, %swap3A_431, %swap3A_432] {strides = array<i32>} : memref<4x128x64xf32, #tpu.memory_space<vmem>>, vector<1x1x16xf32>,
        %swap3A_434 = vector.shape_cast %swap3A_433 : vector<1x1x16xf32> to vector<16xf32>
        %swap3A_435 = vector.shape_cast %mul3A_428 : vector<16xf32> to vector<1x1x16xf32>
        tpu.vector_store %arg7[%swap3A_430, %swap3A_431, %swap3A_432], %swap3A_435 {strides = array<i32>} : memref<4x128x64xf32, #tpu.memory_space<vmem>>, vector<1x1x16xf32>,
        %get3A_436 = arith.constant 0 : i32
        %get3A_437 = arith.index_cast %get3A_436 : i32 to index
        %get3A_438 = arith.index_cast %scan3A_387 : i32 to index
        %get3A_439 = arith.constant 48 : index
        %get3A_440 = tpu.vector_load %arg6[%get3A_437, %get3A_438, %get3A_439] {strides = array<i32>} : memref<4x128x64xf32, #tpu.memory_space<vmem>>, vector<1x1x16xf32>,
        %get3A_441 = vector.shape_cast %get3A_440 : vector<1x1x16xf32> to vector<16xf32>
        %mul3A_442 = arith.constant 8.000000e+00 : f32
        %mul3A_443 = vector.broadcast %mul3A_442 : f32 to vector<16xf32>
        %mul3A_444 = arith.mulf %get3A_441, %mul3A_443 : vector<16xf32>
        %swap3A_445 = arith.constant 0 : i32
        %swap3A_446 = arith.index_cast %swap3A_445 : i32 to index
        %swap3A_447 = arith.index_cast %scan3A_387 : i32 to index
        %swap3A_448 = arith.constant 48 : index
        %swap3A_449 = tpu.vector_load %arg7[%swap3A_446, %swap3A_447, %swap3A_448] {strides = array<i32>} : memref<4x128x64xf32, #tpu.memory_space<vmem>>, vector<1x1x16xf32>,
        %swap3A_450 = vector.shape_cast %swap3A_449 : vector<1x1x16xf32> to vector<16xf32>
        %swap3A_451 = vector.shape_cast %mul3A_444 : vector<16xf32> to vector<1x1x16xf32>
        tpu.vector_store %arg7[%swap3A_446, %swap3A_447, %swap3A_448], %swap3A_451 {strides = array<i32>} : memref<4x128x64xf32, #tpu.memory_space<vmem>>, vector<1x1x16xf32>,
        %scan3A_452 = arith.constant 2 : i32
        %scan3A_453 = arith.addi %scan3A_323, %scan3A_452 : i32
        %get3A_454 = arith.constant 0 : i32
        %get3A_455 = arith.index_cast %get3A_454 : i32 to index
        %get3A_456 = arith.index_cast %scan3A_453 : i32 to index
        %get3A_457 = arith.constant 0 : index
        %get3A_458 = tpu.vector_load %arg6[%get3A_455, %get3A_456, %get3A_457] {strides = array<i32>} : memref<4x128x64xf32, #tpu.memory_space<vmem>>, vector<1x1x16xf32>,
        %get3A_459 = vector.shape_cast %get3A_458 : vector<1x1x16xf32> to vector<16xf32>
        %mul3A_460 = arith.constant 8.000000e+00 : f32
        %mul3A_461 = vector.broadcast %mul3A_460 : f32 to vector<16xf32>
        %mul3A_462 = arith.mulf %get3A_459, %mul3A_461 : vector<16xf32>
        %swap3A_463 = arith.constant 0 : i32
        %swap3A_464 = arith.index_cast %swap3A_463 : i32 to index
        %swap3A_465 = arith.index_cast %scan3A_453 : i32 to index
        %swap3A_466 = arith.constant 0 : index
        %swap3A_467 = tpu.vector_load %arg7[%swap3A_464, %swap3A_465, %swap3A_466] {strides = array<i32>} : memref<4x128x64xf32, #tpu.memory_space<vmem>>, vector<1x1x16xf32>,
        %swap3A_468 = vector.shape_cast %swap3A_467 : vector<1x1x16xf32> to vector<16xf32>
        %swap3A_469 = vector.shape_cast %mul3A_462 : vector<16xf32> to vector<1x1x16xf32>
        tpu.vector_store %arg7[%swap3A_464, %swap3A_465, %swap3A_466], %swap3A_469 {strides = array<i32>} : memref<4x128x64xf32, #tpu.memory_space<vmem>>, vector<1x1x16xf32>,
        %get3A_470 = arith.constant 0 : i32
        %get3A_471 = arith.index_cast %get3A_470 : i32 to index
        %get3A_472 = arith.index_cast %scan3A_453 : i32 to index
        %get3A_473 = arith.constant 16 : index
        %get3A_474 = tpu.vector_load %arg6[%get3A_471, %get3A_472, %get3A_473] {strides = array<i32>} : memref<4x128x64xf32, #tpu.memory_space<vmem>>, vector<1x1x16xf32>,
        %get3A_475 = vector.shape_cast %get3A_474 : vector<1x1x16xf32> to vector<16xf32>
        %mul3A_476 = arith.constant 8.000000e+00 : f32
        %mul3A_477 = vector.broadcast %mul3A_476 : f32 to vector<16xf32>
        %mul3A_478 = arith.mulf %get3A_475, %mul3A_477 : vector<16xf32>
        %swap3A_479 = arith.constant 0 : i32
        %swap3A_480 = arith.index_cast %swap3A_479 : i32 to index
        %swap3A_481 = arith.index_cast %scan3A_453 : i32 to index
        %swap3A_482 = arith.constant 16 : index
        %swap3A_483 = tpu.vector_load %arg7[%swap3A_480, %swap3A_481, %swap3A_482] {strides = array<i32>} : memref<4x128x64xf32, #tpu.memory_space<vmem>>, vector<1x1x16xf32>,
        %swap3A_484 = vector.shape_cast %swap3A_483 : vector<1x1x16xf32> to vector<16xf32>
        %swap3A_485 = vector.shape_cast %mul3A_478 : vector<16xf32> to vector<1x1x16xf32>
        tpu.vector_store %arg7[%swap3A_480, %swap3A_481, %swap3A_482], %swap3A_485 {strides = array<i32>} : memref<4x128x64xf32, #tpu.memory_space<vmem>>, vector<1x1x16xf32>,
        %get3A_486 = arith.constant 0 : i32
        %get3A_487 = arith.index_cast %get3A_486 : i32 to index
        %get3A_488 = arith.index_cast %scan3A_453 : i32 to index
        %get3A_489 = arith.constant 32 : index
        %get3A_490 = tpu.vector_load %arg6[%get3A_487, %get3A_488, %get3A_489] {strides = array<i32>} : memref<4x128x64xf32, #tpu.memory_space<vmem>>, vector<1x1x16xf32>,
        %get3A_491 = vector.shape_cast %get3A_490 : vector<1x1x16xf32> to vector<16xf32>
        %mul3A_492 = arith.constant 8.000000e+00 : f32
        %mul3A_493 = vector.broadcast %mul3A_492 : f32 to vector<16xf32>
        %mul3A_494 = arith.mulf %get3A_491, %mul3A_493 : vector<16xf32>
        %swap3A_495 = arith.constant 0 : i32
        %swap3A_496 = arith.index_cast %swap3A_495 : i32 to index
        %swap3A_497 = arith.index_cast %scan3A_453 : i32 to index
        %swap3A_498 = arith.constant 32 : index
        %swap3A_499 = tpu.vector_load %arg7[%swap3A_496, %swap3A_497, %swap3A_498] {strides = array<i32>} : memref<4x128x64xf32, #tpu.memory_space<vmem>>, vector<1x1x16xf32>,
        %swap3A_500 = vector.shape_cast %swap3A_499 : vector<1x1x16xf32> to vector<16xf32>
        %swap3A_501 = vector.shape_cast %mul3A_494 : vector<16xf32> to vector<1x1x16xf32>
        tpu.vector_store %arg7[%swap3A_496, %swap3A_497, %swap3A_498], %swap3A_501 {strides = array<i32>} : memref<4x128x64xf32, #tpu.memory_space<vmem>>, vector<1x1x16xf32>,
        %get3A_502 = arith.constant 0 : i32
        %get3A_503 = arith.index_cast %get3A_502 : i32 to index
        %get3A_504 = arith.index_cast %scan3A_453 : i32 to index
        %get3A_505 = arith.constant 48 : index
        %get3A_506 = tpu.vector_load %arg6[%get3A_503, %get3A_504, %get3A_505] {strides = array<i32>} : memref<4x128x64xf32, #tpu.memory_space<vmem>>, vector<1x1x16xf32>,
        %get3A_507 = vector.shape_cast %get3A_506 : vector<1x1x16xf32> to vector<16xf32>
        %mul3A_508 = arith.constant 8.000000e+00 : f32
        %mul3A_509 = vector.broadcast %mul3A_508 : f32 to vector<16xf32>
        %mul3A_510 = arith.mulf %get3A_507, %mul3A_509 : vector<16xf32>
        %swap3A_511 = arith.constant 0 : i32
        %swap3A_512 = arith.index_cast %swap3A_511 : i32 to index
        %swap3A_513 = arith.index_cast %scan3A_453 : i32 to index
        %swap3A_514 = arith.constant 48 : index
        %swap3A_515 = tpu.vector_load %arg7[%swap3A_512, %swap3A_513, %swap3A_514] {strides = array<i32>} : memref<4x128x64xf32, #tpu.memory_space<vmem>>, vector<1x1x16xf32>,
        %swap3A_516 = vector.shape_cast %swap3A_515 : vector<1x1x16xf32> to vector<16xf32>
        %swap3A_517 = vector.shape_cast %mul3A_510 : vector<16xf32> to vector<1x1x16xf32>
        tpu.vector_store %arg7[%swap3A_512, %swap3A_513, %swap3A_514], %swap3A_517 {strides = array<i32>} : memref<4x128x64xf32, #tpu.memory_space<vmem>>, vector<1x1x16xf32>,
        %scan3A_518 = arith.constant 3 : i32
        %scan3A_519 = arith.addi %scan3A_323, %scan3A_518 : i32
        %get3A_520 = arith.constant 0 : i32
        %get3A_521 = arith.index_cast %get3A_520 : i32 to index
        %get3A_522 = arith.index_cast %scan3A_519 : i32 to index
        %get3A_523 = arith.constant 0 : index
        %get3A_524 = tpu.vector_load %arg6[%get3A_521, %get3A_522, %get3A_523] {strides = array<i32>} : memref<4x128x64xf32, #tpu.memory_space<vmem>>, vector<1x1x16xf32>,
        %get3A_525 = vector.shape_cast %get3A_524 : vector<1x1x16xf32> to vector<16xf32>
        %mul3A_526 = arith.constant 8.000000e+00 : f32
        %mul3A_527 = vector.broadcast %mul3A_526 : f32 to vector<16xf32>
        %mul3A_528 = arith.mulf %get3A_525, %mul3A_527 : vector<16xf32>
        %swap3A_529 = arith.constant 0 : i32
        %swap3A_530 = arith.index_cast %swap3A_529 : i32 to index
        %swap3A_531 = arith.index_cast %scan3A_519 : i32 to index
        %swap3A_532 = arith.constant 0 : index
        %swap3A_533 = tpu.vector_load %arg7[%swap3A_530, %swap3A_531, %swap3A_532] {strides = array<i32>} : memref<4x128x64xf32, #tpu.memory_space<vmem>>, vector<1x1x16xf32>,
        %swap3A_534 = vector.shape_cast %swap3A_533 : vector<1x1x16xf32> to vector<16xf32>
        %swap3A_535 = vector.shape_cast %mul3A_528 : vector<16xf32> to vector<1x1x16xf32>
        tpu.vector_store %arg7[%swap3A_530, %swap3A_531, %swap3A_532], %swap3A_535 {strides = array<i32>} : memref<4x128x64xf32, #tpu.memory_space<vmem>>, vector<1x1x16xf32>,
        %get3A_536 = arith.constant 0 : i32
        %get3A_537 = arith.index_cast %get3A_536 : i32 to index
        %get3A_538 = arith.index_cast %scan3A_519 : i32 to index
        %get3A_539 = arith.constant 16 : index
        %get3A_540 = tpu.vector_load %arg6[%get3A_537, %get3A_538, %get3A_539] {strides = array<i32>} : memref<4x128x64xf32, #tpu.memory_space<vmem>>, vector<1x1x16xf32>,
        %get3A_541 = vector.shape_cast %get3A_540 : vector<1x1x16xf32> to vector<16xf32>
        %mul3A_542 = arith.constant 8.000000e+00 : f32
        %mul3A_543 = vector.broadcast %mul3A_542 : f32 to vector<16xf32>
        %mul3A_544 = arith.mulf %get3A_541, %mul3A_543 : vector<16xf32>
        %swap3A_545 = arith.constant 0 : i32
        %swap3A_546 = arith.index_cast %swap3A_545 : i32 to index
        %swap3A_547 = arith.index_cast %scan3A_519 : i32 to index
        %swap3A_548 = arith.constant 16 : index
        %swap3A_549 = tpu.vector_load %arg7[%swap3A_546, %swap3A_547, %swap3A_548] {strides = array<i32>} : memref<4x128x64xf32, #tpu.memory_space<vmem>>, vector<1x1x16xf32>,
        %swap3A_550 = vector.shape_cast %swap3A_549 : vector<1x1x16xf32> to vector<16xf32>
        %swap3A_551 = vector.shape_cast %mul3A_544 : vector<16xf32> to vector<1x1x16xf32>
        tpu.vector_store %arg7[%swap3A_546, %swap3A_547, %swap3A_548], %swap3A_551 {strides = array<i32>} : memref<4x128x64xf32, #tpu.memory_space<vmem>>, vector<1x1x16xf32>,
        %get3A_552 = arith.constant 0 : i32
        %get3A_553 = arith.index_cast %get3A_552 : i32 to index
        %get3A_554 = arith.index_cast %scan3A_519 : i32 to index
        %get3A_555 = arith.constant 32 : index
        %get3A_556 = tpu.vector_load %arg6[%get3A_553, %get3A_554, %get3A_555] {strides = array<i32>} : memref<4x128x64xf32, #tpu.memory_space<vmem>>, vector<1x1x16xf32>,
        %get3A_557 = vector.shape_cast %get3A_556 : vector<1x1x16xf32> to vector<16xf32>
        %mul3A_558 = arith.constant 8.000000e+00 : f32
        %mul3A_559 = vector.broadcast %mul3A_558 : f32 to vector<16xf32>
        %mul3A_560 = arith.mulf %get3A_557, %mul3A_559 : vector<16xf32>
        %swap3A_561 = arith.constant 0 : i32
        %swap3A_562 = arith.index_cast %swap3A_561 : i32 to index
        %swap3A_563 = arith.index_cast %scan3A_519 : i32 to index
        %swap3A_564 = arith.constant 32 : index
        %swap3A_565 = tpu.vector_load %arg7[%swap3A_562, %swap3A_563, %swap3A_564] {strides = array<i32>} : memref<4x128x64xf32, #tpu.memory_space<vmem>>, vector<1x1x16xf32>,
        %swap3A_566 = vector.shape_cast %swap3A_565 : vector<1x1x16xf32> to vector<16xf32>
        %swap3A_567 = vector.shape_cast %mul3A_560 : vector<16xf32> to vector<1x1x16xf32>
        tpu.vector_store %arg7[%swap3A_562, %swap3A_563, %swap3A_564], %swap3A_567 {strides = array<i32>} : memref<4x128x64xf32, #tpu.memory_space<vmem>>, vector<1x1x16xf32>,
        %get3A_568 = arith.constant 0 : i32
        %get3A_569 = arith.index_cast %get3A_568 : i32 to index
        %get3A_570 = arith.index_cast %scan3A_519 : i32 to index
        %get3A_571 = arith.constant 48 : index
        %get3A_572 = tpu.vector_load %arg6[%get3A_569, %get3A_570, %get3A_571] {strides = array<i32>} : memref<4x128x64xf32, #tpu.memory_space<vmem>>, vector<1x1x16xf32>,
        %get3A_573 = vector.shape_cast %get3A_572 : vector<1x1x16xf32> to vector<16xf32>
        %mul3A_574 = arith.constant 8.000000e+00 : f32
        %mul3A_575 = vector.broadcast %mul3A_574 : f32 to vector<16xf32>
        %mul3A_576 = arith.mulf %get3A_573, %mul3A_575 : vector<16xf32>
        %swap3A_577 = arith.constant 0 : i32
        %swap3A_578 = arith.index_cast %swap3A_577 : i32 to index
        %swap3A_579 = arith.index_cast %scan3A_519 : i32 to index
        %swap3A_580 = arith.constant 48 : index
        %swap3A_581 = tpu.vector_load %arg7[%swap3A_578, %swap3A_579, %swap3A_580] {strides = array<i32>} : memref<4x128x64xf32, #tpu.memory_space<vmem>>, vector<1x1x16xf32>,
        %swap3A_582 = vector.shape_cast %swap3A_581 : vector<1x1x16xf32> to vector<16xf32>
        %swap3A_583 = vector.shape_cast %mul3A_576 : vector<16xf32> to vector<1x1x16xf32>
        tpu.vector_store %arg7[%swap3A_578, %swap3A_579, %swap3A_580], %swap3A_583 {strides = array<i32>} : memref<4x128x64xf32, #tpu.memory_space<vmem>>, vector<1x1x16xf32>,
        %scan3A_584 = arith.constant 4 : i32
        %scan3A_585 = arith.addi %scan3A_323, %scan3A_584 : i32
        %get3A_586 = arith.constant 0 : i32
        %get3A_587 = arith.index_cast %get3A_586 : i32 to index
        %get3A_588 = arith.index_cast %scan3A_585 : i32 to index
        %get3A_589 = arith.constant 0 : index
        %get3A_590 = tpu.vector_load %arg6[%get3A_587, %get3A_588, %get3A_589] {strides = array<i32>} : memref<4x128x64xf32, #tpu.memory_space<vmem>>, vector<1x1x16xf32>,
        %get3A_591 = vector.shape_cast %get3A_590 : vector<1x1x16xf32> to vector<16xf32>
        %mul3A_592 = arith.constant 8.000000e+00 : f32
        %mul3A_593 = vector.broadcast %mul3A_592 : f32 to vector<16xf32>
        %mul3A_594 = arith.mulf %get3A_591, %mul3A_593 : vector<16xf32>
        %swap3A_595 = arith.constant 0 : i32
        %swap3A_596 = arith.index_cast %swap3A_595 : i32 to index
        %swap3A_597 = arith.index_cast %scan3A_585 : i32 to index
        %swap3A_598 = arith.constant 0 : index
        %swap3A_599 = tpu.vector_load %arg7[%swap3A_596, %swap3A_597, %swap3A_598] {strides = array<i32>} : memref<4x128x64xf32, #tpu.memory_space<vmem>>, vector<1x1x16xf32>,
        %swap3A_600 = vector.shape_cast %swap3A_599 : vector<1x1x16xf32> to vector<16xf32>
        %swap3A_601 = vector.shape_cast %mul3A_594 : vector<16xf32> to vector<1x1x16xf32>
        tpu.vector_store %arg7[%swap3A_596, %swap3A_597, %swap3A_598], %swap3A_601 {strides = array<i32>} : memref<4x128x64xf32, #tpu.memory_space<vmem>>, vector<1x1x16xf32>,
        %get3A_602 = arith.constant 0 : i32
        %get3A_603 = arith.index_cast %get3A_602 : i32 to index
        %get3A_604 = arith.index_cast %scan3A_585 : i32 to index
        %get3A_605 = arith.constant 16 : index
        %get3A_606 = tpu.vector_load %arg6[%get3A_603, %get3A_604, %get3A_605] {strides = array<i32>} : memref<4x128x64xf32, #tpu.memory_space<vmem>>, vector<1x1x16xf32>,
        %get3A_607 = vector.shape_cast %get3A_606 : vector<1x1x16xf32> to vector<16xf32>
        %mul3A_608 = arith.constant 8.000000e+00 : f32
        %mul3A_609 = vector.broadcast %mul3A_608 : f32 to vector<16xf32>
        %mul3A_610 = arith.mulf %get3A_607, %mul3A_609 : vector<16xf32>
        %swap3A_611 = arith.constant 0 : i32
        %swap3A_612 = arith.index_cast %swap3A_611 : i32 to index
        %swap3A_613 = arith.index_cast %scan3A_585 : i32 to index
        %swap3A_614 = arith.constant 16 : index
        %swap3A_615 = tpu.vector_load %arg7[%swap3A_612, %swap3A_613, %swap3A_614] {strides = array<i32>} : memref<4x128x64xf32, #tpu.memory_space<vmem>>, vector<1x1x16xf32>,
        %swap3A_616 = vector.shape_cast %swap3A_615 : vector<1x1x16xf32> to vector<16xf32>
        %swap3A_617 = vector.shape_cast %mul3A_610 : vector<16xf32> to vector<1x1x16xf32>
        tpu.vector_store %arg7[%swap3A_612, %swap3A_613, %swap3A_614], %swap3A_617 {strides = array<i32>} : memref<4x128x64xf32, #tpu.memory_space<vmem>>, vector<1x1x16xf32>,
        %get3A_618 = arith.constant 0 : i32
        %get3A_619 = arith.index_cast %get3A_618 : i32 to index
        %get3A_620 = arith.index_cast %scan3A_585 : i32 to index
        %get3A_621 = arith.constant 32 : index
        %get3A_622 = tpu.vector_load %arg6[%get3A_619, %get3A_620, %get3A_621] {strides = array<i32>} : memref<4x128x64xf32, #tpu.memory_space<vmem>>, vector<1x1x16xf32>,
        %get3A_623 = vector.shape_cast %get3A_622 : vector<1x1x16xf32> to vector<16xf32>
        %mul3A_624 = arith.constant 8.000000e+00 : f32
        %mul3A_625 = vector.broadcast %mul3A_624 : f32 to vector<16xf32>
        %mul3A_626 = arith.mulf %get3A_623, %mul3A_625 : vector<16xf32>
        %swap3A_627 = arith.constant 0 : i32
        %swap3A_628 = arith.index_cast %swap3A_627 : i32 to index
        %swap3A_629 = arith.index_cast %scan3A_585 : i32 to index
        %swap3A_630 = arith.constant 32 : index
        %swap3A_631 = tpu.vector_load %arg7[%swap3A_628, %swap3A_629, %swap3A_630] {strides = array<i32>} : memref<4x128x64xf32, #tpu.memory_space<vmem>>, vector<1x1x16xf32>,
        %swap3A_632 = vector.shape_cast %swap3A_631 : vector<1x1x16xf32> to vector<16xf32>
        %swap3A_633 = vector.shape_cast %mul3A_626 : vector<16xf32> to vector<1x1x16xf32>
        tpu.vector_store %arg7[%swap3A_628, %swap3A_629, %swap3A_630], %swap3A_633 {strides = array<i32>} : memref<4x128x64xf32, #tpu.memory_space<vmem>>, vector<1x1x16xf32>,
        %get3A_634 = arith.constant 0 : i32
        %get3A_635 = arith.index_cast %get3A_634 : i32 to index
        %get3A_636 = arith.index_cast %scan3A_585 : i32 to index
        %get3A_637 = arith.constant 48 : index
        %get3A_638 = tpu.vector_load %arg6[%get3A_635, %get3A_636, %get3A_637] {strides = array<i32>} : memref<4x128x64xf32, #tpu.memory_space<vmem>>, vector<1x1x16xf32>,
        %get3A_639 = vector.shape_cast %get3A_638 : vector<1x1x16xf32> to vector<16xf32>
        %mul3A_640 = arith.constant 8.000000e+00 : f32
        %mul3A_641 = vector.broadcast %mul3A_640 : f32 to vector<16xf32>
        %mul3A_642 = arith.mulf %get3A_639, %mul3A_641 : vector<16xf32>
        %swap3A_643 = arith.constant 0 : i32
        %swap3A_644 = arith.index_cast %swap3A_643 : i32 to index
        %swap3A_645 = arith.index_cast %scan3A_585 : i32 to index
        %swap3A_646 = arith.constant 48 : index
        %swap3A_647 = tpu.vector_load %arg7[%swap3A_644, %swap3A_645, %swap3A_646] {strides = array<i32>} : memref<4x128x64xf32, #tpu.memory_space<vmem>>, vector<1x1x16xf32>,
        %swap3A_648 = vector.shape_cast %swap3A_647 : vector<1x1x16xf32> to vector<16xf32>
        %swap3A_649 = vector.shape_cast %mul3A_642 : vector<16xf32> to vector<1x1x16xf32>
        tpu.vector_store %arg7[%swap3A_644, %swap3A_645, %swap3A_646], %swap3A_649 {strides = array<i32>} : memref<4x128x64xf32, #tpu.memory_space<vmem>>, vector<1x1x16xf32>,
        %scan3A_650 = arith.constant 5 : i32
        %scan3A_651 = arith.addi %scan3A_323, %scan3A_650 : i32
        %get3A_652 = arith.constant 0 : i32
        %get3A_653 = arith.index_cast %get3A_652 : i32 to index
        %get3A_654 = arith.index_cast %scan3A_651 : i32 to index
        %get3A_655 = arith.constant 0 : index
        %get3A_656 = tpu.vector_load %arg6[%get3A_653, %get3A_654, %get3A_655] {strides = array<i32>} : memref<4x128x64xf32, #tpu.memory_space<vmem>>, vector<1x1x16xf32>,
        %get3A_657 = vector.shape_cast %get3A_656 : vector<1x1x16xf32> to vector<16xf32>
        %mul3A_658 = arith.constant 8.000000e+00 : f32
        %mul3A_659 = vector.broadcast %mul3A_658 : f32 to vector<16xf32>
        %mul3A_660 = arith.mulf %get3A_657, %mul3A_659 : vector<16xf32>
        %swap3A_661 = arith.constant 0 : i32
        %swap3A_662 = arith.index_cast %swap3A_661 : i32 to index
        %swap3A_663 = arith.index_cast %scan3A_651 : i32 to index
        %swap3A_664 = arith.constant 0 : index
        %swap3A_665 = tpu.vector_load %arg7[%swap3A_662, %swap3A_663, %swap3A_664] {strides = array<i32>} : memref<4x128x64xf32, #tpu.memory_space<vmem>>, vector<1x1x16xf32>,
        %swap3A_666 = vector.shape_cast %swap3A_665 : vector<1x1x16xf32> to vector<16xf32>
        %swap3A_667 = vector.shape_cast %mul3A_660 : vector<16xf32> to vector<1x1x16xf32>
        tpu.vector_store %arg7[%swap3A_662, %swap3A_663, %swap3A_664], %swap3A_667 {strides = array<i32>} : memref<4x128x64xf32, #tpu.memory_space<vmem>>, vector<1x1x16xf32>,
        %get3A_668 = arith.constant 0 : i32
        %get3A_669 = arith.index_cast %get3A_668 : i32 to index
        %get3A_670 = arith.index_cast %scan3A_651 : i32 to index
        %get3A_671 = arith.constant 16 : index
        %get3A_672 = tpu.vector_load %arg6[%get3A_669, %get3A_670, %get3A_671] {strides = array<i32>} : memref<4x128x64xf32, #tpu.memory_space<vmem>>, vector<1x1x16xf32>,
        %get3A_673 = vector.shape_cast %get3A_672 : vector<1x1x16xf32> to vector<16xf32>
        %mul3A_674 = arith.constant 8.000000e+00 : f32
        %mul3A_675 = vector.broadcast %mul3A_674 : f32 to vector<16xf32>
        %mul3A_676 = arith.mulf %get3A_673, %mul3A_675 : vector<16xf32>
        %swap3A_677 = arith.constant 0 : i32
        %swap3A_678 = arith.index_cast %swap3A_677 : i32 to index
        %swap3A_679 = arith.index_cast %scan3A_651 : i32 to index
        %swap3A_680 = arith.constant 16 : index
        %swap3A_681 = tpu.vector_load %arg7[%swap3A_678, %swap3A_679, %swap3A_680] {strides = array<i32>} : memref<4x128x64xf32, #tpu.memory_space<vmem>>, vector<1x1x16xf32>,
        %swap3A_682 = vector.shape_cast %swap3A_681 : vector<1x1x16xf32> to vector<16xf32>
        %swap3A_683 = vector.shape_cast %mul3A_676 : vector<16xf32> to vector<1x1x16xf32>
        tpu.vector_store %arg7[%swap3A_678, %swap3A_679, %swap3A_680], %swap3A_683 {strides = array<i32>} : memref<4x128x64xf32, #tpu.memory_space<vmem>>, vector<1x1x16xf32>,
        %get3A_684 = arith.constant 0 : i32
        %get3A_685 = arith.index_cast %get3A_684 : i32 to index
        %get3A_686 = arith.index_cast %scan3A_651 : i32 to index
        %get3A_687 = arith.constant 32 : index
        %get3A_688 = tpu.vector_load %arg6[%get3A_685, %get3A_686, %get3A_687] {strides = array<i32>} : memref<4x128x64xf32, #tpu.memory_space<vmem>>, vector<1x1x16xf32>,
        %get3A_689 = vector.shape_cast %get3A_688 : vector<1x1x16xf32> to vector<16xf32>
        %mul3A_690 = arith.constant 8.000000e+00 : f32
        %mul3A_691 = vector.broadcast %mul3A_690 : f32 to vector<16xf32>
        %mul3A_692 = arith.mulf %get3A_689, %mul3A_691 : vector<16xf32>
        %swap3A_693 = arith.constant 0 : i32
        %swap3A_694 = arith.index_cast %swap3A_693 : i32 to index
        %swap3A_695 = arith.index_cast %scan3A_651 : i32 to index
        %swap3A_696 = arith.constant 32 : index
        %swap3A_697 = tpu.vector_load %arg7[%swap3A_694, %swap3A_695, %swap3A_696] {strides = array<i32>} : memref<4x128x64xf32, #tpu.memory_space<vmem>>, vector<1x1x16xf32>,
        %swap3A_698 = vector.shape_cast %swap3A_697 : vector<1x1x16xf32> to vector<16xf32>
        %swap3A_699 = vector.shape_cast %mul3A_692 : vector<16xf32> to vector<1x1x16xf32>
        tpu.vector_store %arg7[%swap3A_694, %swap3A_695, %swap3A_696], %swap3A_699 {strides = array<i32>} : memref<4x128x64xf32, #tpu.memory_space<vmem>>, vector<1x1x16xf32>,
        %get3A_700 = arith.constant 0 : i32
        %get3A_701 = arith.index_cast %get3A_700 : i32 to index
        %get3A_702 = arith.index_cast %scan3A_651 : i32 to index
        %get3A_703 = arith.constant 48 : index
        %get3A_704 = tpu.vector_load %arg6[%get3A_701, %get3A_702, %get3A_703] {strides = array<i32>} : memref<4x128x64xf32, #tpu.memory_space<vmem>>, vector<1x1x16xf32>,
        %get3A_705 = vector.shape_cast %get3A_704 : vector<1x1x16xf32> to vector<16xf32>
        %mul3A_706 = arith.constant 8.000000e+00 : f32
        %mul3A_707 = vector.broadcast %mul3A_706 : f32 to vector<16xf32>
        %mul3A_708 = arith.mulf %get3A_705, %mul3A_707 : vector<16xf32>
        %swap3A_709 = arith.constant 0 : i32
        %swap3A_710 = arith.index_cast %swap3A_709 : i32 to index
        %swap3A_711 = arith.index_cast %scan3A_651 : i32 to index
        %swap3A_712 = arith.constant 48 : index
        %swap3A_713 = tpu.vector_load %arg7[%swap3A_710, %swap3A_711, %swap3A_712] {strides = array<i32>} : memref<4x128x64xf32, #tpu.memory_space<vmem>>, vector<1x1x16xf32>,
        %swap3A_714 = vector.shape_cast %swap3A_713 : vector<1x1x16xf32> to vector<16xf32>
        %swap3A_715 = vector.shape_cast %mul3A_708 : vector<16xf32> to vector<1x1x16xf32>
        tpu.vector_store %arg7[%swap3A_710, %swap3A_711, %swap3A_712], %swap3A_715 {strides = array<i32>} : memref<4x128x64xf32, #tpu.memory_space<vmem>>, vector<1x1x16xf32>,
        %scan3A_716 = arith.constant 6 : i32
        %scan3A_717 = arith.addi %scan3A_323, %scan3A_716 : i32
        %get3A_718 = arith.constant 0 : i32
        %get3A_719 = arith.index_cast %get3A_718 : i32 to index
        %get3A_720 = arith.index_cast %scan3A_717 : i32 to index
        %get3A_721 = arith.constant 0 : index
        %get3A_722 = tpu.vector_load %arg6[%get3A_719, %get3A_720, %get3A_721] {strides = array<i32>} : memref<4x128x64xf32, #tpu.memory_space<vmem>>, vector<1x1x16xf32>,
        %get3A_723 = vector.shape_cast %get3A_722 : vector<1x1x16xf32> to vector<16xf32>
        %mul3A_724 = arith.constant 8.000000e+00 : f32
        %mul3A_725 = vector.broadcast %mul3A_724 : f32 to vector<16xf32>
        %mul3A_726 = arith.mulf %get3A_723, %mul3A_725 : vector<16xf32>
        %swap3A_727 = arith.constant 0 : i32
        %swap3A_728 = arith.index_cast %swap3A_727 : i32 to index
        %swap3A_729 = arith.index_cast %scan3A_717 : i32 to index
        %swap3A_730 = arith.constant 0 : index
        %swap3A_731 = tpu.vector_load %arg7[%swap3A_728, %swap3A_729, %swap3A_730] {strides = array<i32>} : memref<4x128x64xf32, #tpu.memory_space<vmem>>, vector<1x1x16xf32>,
        %swap3A_732 = vector.shape_cast %swap3A_731 : vector<1x1x16xf32> to vector<16xf32>
        %swap3A_733 = vector.shape_cast %mul3A_726 : vector<16xf32> to vector<1x1x16xf32>
        tpu.vector_store %arg7[%swap3A_728, %swap3A_729, %swap3A_730], %swap3A_733 {strides = array<i32>} : memref<4x128x64xf32, #tpu.memory_space<vmem>>, vector<1x1x16xf32>,
        %get3A_734 = arith.constant 0 : i32
        %get3A_735 = arith.index_cast %get3A_734 : i32 to index
        %get3A_736 = arith.index_cast %scan3A_717 : i32 to index
        %get3A_737 = arith.constant 16 : index
        %get3A_738 = tpu.vector_load %arg6[%get3A_735, %get3A_736, %get3A_737] {strides = array<i32>} : memref<4x128x64xf32, #tpu.memory_space<vmem>>, vector<1x1x16xf32>,
        %get3A_739 = vector.shape_cast %get3A_738 : vector<1x1x16xf32> to vector<16xf32>
        %mul3A_740 = arith.constant 8.000000e+00 : f32
        %mul3A_741 = vector.broadcast %mul3A_740 : f32 to vector<16xf32>
        %mul3A_742 = arith.mulf %get3A_739, %mul3A_741 : vector<16xf32>
        %swap3A_743 = arith.constant 0 : i32
        %swap3A_744 = arith.index_cast %swap3A_743 : i32 to index
        %swap3A_745 = arith.index_cast %scan3A_717 : i32 to index
        %swap3A_746 = arith.constant 16 : index
        %swap3A_747 = tpu.vector_load %arg7[%swap3A_744, %swap3A_745, %swap3A_746] {strides = array<i32>} : memref<4x128x64xf32, #tpu.memory_space<vmem>>, vector<1x1x16xf32>,
        %swap3A_748 = vector.shape_cast %swap3A_747 : vector<1x1x16xf32> to vector<16xf32>
        %swap3A_749 = vector.shape_cast %mul3A_742 : vector<16xf32> to vector<1x1x16xf32>
        tpu.vector_store %arg7[%swap3A_744, %swap3A_745, %swap3A_746], %swap3A_749 {strides = array<i32>} : memref<4x128x64xf32, #tpu.memory_space<vmem>>, vector<1x1x16xf32>,
        %get3A_750 = arith.constant 0 : i32
        %get3A_751 = arith.index_cast %get3A_750 : i32 to index
        %get3A_752 = arith.index_cast %scan3A_717 : i32 to index
        %get3A_753 = arith.constant 32 : index
        %get3A_754 = tpu.vector_load %arg6[%get3A_751, %get3A_752, %get3A_753] {strides = array<i32>} : memref<4x128x64xf32, #tpu.memory_space<vmem>>, vector<1x1x16xf32>,
        %get3A_755 = vector.shape_cast %get3A_754 : vector<1x1x16xf32> to vector<16xf32>
        %mul3A_756 = arith.constant 8.000000e+00 : f32
        %mul3A_757 = vector.broadcast %mul3A_756 : f32 to vector<16xf32>
        %mul3A_758 = arith.mulf %get3A_755, %mul3A_757 : vector<16xf32>
        %swap3A_759 = arith.constant 0 : i32
        %swap3A_760 = arith.index_cast %swap3A_759 : i32 to index
        %swap3A_761 = arith.index_cast %scan3A_717 : i32 to index
        %swap3A_762 = arith.constant 32 : index
        %swap3A_763 = tpu.vector_load %arg7[%swap3A_760, %swap3A_761, %swap3A_762] {strides = array<i32>} : memref<4x128x64xf32, #tpu.memory_space<vmem>>, vector<1x1x16xf32>,
        %swap3A_764 = vector.shape_cast %swap3A_763 : vector<1x1x16xf32> to vector<16xf32>
        %swap3A_765 = vector.shape_cast %mul3A_758 : vector<16xf32> to vector<1x1x16xf32>
        tpu.vector_store %arg7[%swap3A_760, %swap3A_761, %swap3A_762], %swap3A_765 {strides = array<i32>} : memref<4x128x64xf32, #tpu.memory_space<vmem>>, vector<1x1x16xf32>,
        %get3A_766 = arith.constant 0 : i32
        %get3A_767 = arith.index_cast %get3A_766 : i32 to index
        %get3A_768 = arith.index_cast %scan3A_717 : i32 to index
        %get3A_769 = arith.constant 48 : index
        %get3A_770 = tpu.vector_load %arg6[%get3A_767, %get3A_768, %get3A_769] {strides = array<i32>} : memref<4x128x64xf32, #tpu.memory_space<vmem>>, vector<1x1x16xf32>,
        %get3A_771 = vector.shape_cast %get3A_770 : vector<1x1x16xf32> to vector<16xf32>
        %mul3A_772 = arith.constant 8.000000e+00 : f32
        %mul3A_773 = vector.broadcast %mul3A_772 : f32 to vector<16xf32>
        %mul3A_774 = arith.mulf %get3A_771, %mul3A_773 : vector<16xf32>
        %swap3A_775 = arith.constant 0 : i32
        %swap3A_776 = arith.index_cast %swap3A_775 : i32 to index
        %swap3A_777 = arith.index_cast %scan3A_717 : i32 to index
        %swap3A_778 = arith.constant 48 : index
        %swap3A_779 = tpu.vector_load %arg7[%swap3A_776, %swap3A_777, %swap3A_778] {strides = array<i32>} : memref<4x128x64xf32, #tpu.memory_space<vmem>>, vector<1x1x16xf32>,
        %swap3A_780 = vector.shape_cast %swap3A_779 : vector<1x1x16xf32> to vector<16xf32>
        %swap3A_781 = vector.shape_cast %mul3A_774 : vector<16xf32> to vector<1x1x16xf32>
        tpu.vector_store %arg7[%swap3A_776, %swap3A_777, %swap3A_778], %swap3A_781 {strides = array<i32>} : memref<4x128x64xf32, #tpu.memory_space<vmem>>, vector<1x1x16xf32>,
        %scan3A_782 = arith.constant 7 : i32
        %scan3A_783 = arith.addi %scan3A_323, %scan3A_782 : i32
        %get3A_784 = arith.constant 0 : i32
        %get3A_785 = arith.index_cast %get3A_784 : i32 to index
        %get3A_786 = arith.index_cast %scan3A_783 : i32 to index
        %get3A_787 = arith.constant 0 : index
        %get3A_788 = tpu.vector_load %arg6[%get3A_785, %get3A_786, %get3A_787] {strides = array<i32>} : memref<4x128x64xf32, #tpu.memory_space<vmem>>, vector<1x1x16xf32>,
        %get3A_789 = vector.shape_cast %get3A_788 : vector<1x1x16xf32> to vector<16xf32>
        %mul3A_790 = arith.constant 8.000000e+00 : f32
        %mul3A_791 = vector.broadcast %mul3A_790 : f32 to vector<16xf32>
        %mul3A_792 = arith.mulf %get3A_789, %mul3A_791 : vector<16xf32>
        %swap3A_793 = arith.constant 0 : i32
        %swap3A_794 = arith.index_cast %swap3A_793 : i32 to index
        %swap3A_795 = arith.index_cast %scan3A_783 : i32 to index
        %swap3A_796 = arith.constant 0 : index
        %swap3A_797 = tpu.vector_load %arg7[%swap3A_794, %swap3A_795, %swap3A_796] {strides = array<i32>} : memref<4x128x64xf32, #tpu.memory_space<vmem>>, vector<1x1x16xf32>,
        %swap3A_798 = vector.shape_cast %swap3A_797 : vector<1x1x16xf32> to vector<16xf32>
        %swap3A_799 = vector.shape_cast %mul3A_792 : vector<16xf32> to vector<1x1x16xf32>
        tpu.vector_store %arg7[%swap3A_794, %swap3A_795, %swap3A_796], %swap3A_799 {strides = array<i32>} : memref<4x128x64xf32, #tpu.memory_space<vmem>>, vector<1x1x16xf32>,
        %get3A_800 = arith.constant 0 : i32
        %get3A_801 = arith.index_cast %get3A_800 : i32 to index
        %get3A_802 = arith.index_cast %scan3A_783 : i32 to index
        %get3A_803 = arith.constant 16 : index
        %get3A_804 = tpu.vector_load %arg6[%get3A_801, %get3A_802, %get3A_803] {strides = array<i32>} : memref<4x128x64xf32, #tpu.memory_space<vmem>>, vector<1x1x16xf32>,
        %get3A_805 = vector.shape_cast %get3A_804 : vector<1x1x16xf32> to vector<16xf32>
        %mul3A_806 = arith.constant 8.000000e+00 : f32
        %mul3A_807 = vector.broadcast %mul3A_806 : f32 to vector<16xf32>
        %mul3A_808 = arith.mulf %get3A_805, %mul3A_807 : vector<16xf32>
        %swap3A_809 = arith.constant 0 : i32
        %swap3A_810 = arith.index_cast %swap3A_809 : i32 to index
        %swap3A_811 = arith.index_cast %scan3A_783 : i32 to index
        %swap3A_812 = arith.constant 16 : index
        %swap3A_813 = tpu.vector_load %arg7[%swap3A_810, %swap3A_811, %swap3A_812] {strides = array<i32>} : memref<4x128x64xf32, #tpu.memory_space<vmem>>, vector<1x1x16xf32>,
        %swap3A_814 = vector.shape_cast %swap3A_813 : vector<1x1x16xf32> to vector<16xf32>
        %swap3A_815 = vector.shape_cast %mul3A_808 : vector<16xf32> to vector<1x1x16xf32>
        tpu.vector_store %arg7[%swap3A_810, %swap3A_811, %swap3A_812], %swap3A_815 {strides = array<i32>} : memref<4x128x64xf32, #tpu.memory_space<vmem>>, vector<1x1x16xf32>,
        %get3A_816 = arith.constant 0 : i32
        %get3A_817 = arith.index_cast %get3A_816 : i32 to index
        %get3A_818 = arith.index_cast %scan3A_783 : i32 to index
        %get3A_819 = arith.constant 32 : index
        %get3A_820 = tpu.vector_load %arg6[%get3A_817, %get3A_818, %get3A_819] {strides = array<i32>} : memref<4x128x64xf32, #tpu.memory_space<vmem>>, vector<1x1x16xf32>,
        %get3A_821 = vector.shape_cast %get3A_820 : vector<1x1x16xf32> to vector<16xf32>
        %mul3A_822 = arith.constant 8.000000e+00 : f32
        %mul3A_823 = vector.broadcast %mul3A_822 : f32 to vector<16xf32>
        %mul3A_824 = arith.mulf %get3A_821, %mul3A_823 : vector<16xf32>
        %swap3A_825 = arith.constant 0 : i32
        %swap3A_826 = arith.index_cast %swap3A_825 : i32 to index
        %swap3A_827 = arith.index_cast %scan3A_783 : i32 to index
        %swap3A_828 = arith.constant 32 : index
        %swap3A_829 = tpu.vector_load %arg7[%swap3A_826, %swap3A_827, %swap3A_828] {strides = array<i32>} : memref<4x128x64xf32, #tpu.memory_space<vmem>>, vector<1x1x16xf32>,
        %swap3A_830 = vector.shape_cast %swap3A_829 : vector<1x1x16xf32> to vector<16xf32>
        %swap3A_831 = vector.shape_cast %mul3A_824 : vector<16xf32> to vector<1x1x16xf32>
        tpu.vector_store %arg7[%swap3A_826, %swap3A_827, %swap3A_828], %swap3A_831 {strides = array<i32>} : memref<4x128x64xf32, #tpu.memory_space<vmem>>, vector<1x1x16xf32>,
        %get3A_832 = arith.constant 0 : i32
        %get3A_833 = arith.index_cast %get3A_832 : i32 to index
        %get3A_834 = arith.index_cast %scan3A_783 : i32 to index
        %get3A_835 = arith.constant 48 : index
        %get3A_836 = tpu.vector_load %arg6[%get3A_833, %get3A_834, %get3A_835] {strides = array<i32>} : memref<4x128x64xf32, #tpu.memory_space<vmem>>, vector<1x1x16xf32>,
        %get3A_837 = vector.shape_cast %get3A_836 : vector<1x1x16xf32> to vector<16xf32>
        %mul3A_838 = arith.constant 8.000000e+00 : f32
        %mul3A_839 = vector.broadcast %mul3A_838 : f32 to vector<16xf32>
        %mul3A_840 = arith.mulf %get3A_837, %mul3A_839 : vector<16xf32>
        %swap3A_841 = arith.constant 0 : i32
        %swap3A_842 = arith.index_cast %swap3A_841 : i32 to index
        %swap3A_843 = arith.index_cast %scan3A_783 : i32 to index
        %swap3A_844 = arith.constant 48 : index
        %swap3A_845 = tpu.vector_load %arg7[%swap3A_842, %swap3A_843, %swap3A_844] {strides = array<i32>} : memref<4x128x64xf32, #tpu.memory_space<vmem>>, vector<1x1x16xf32>,
        %swap3A_846 = vector.shape_cast %swap3A_845 : vector<1x1x16xf32> to vector<16xf32>
        %swap3A_847 = vector.shape_cast %mul3A_840 : vector<16xf32> to vector<1x1x16xf32>
        tpu.vector_store %arg7[%swap3A_842, %swap3A_843, %swap3A_844], %swap3A_847 {strides = array<i32>} : memref<4x128x64xf32, #tpu.memory_space<vmem>>, vector<1x1x16xf32>,
      }
      %scan3A_153 = arith.constant 128 : i32
      %mul3A_154 = arith.constant 128 : i32
      %mul3A_155 = arith.muli %add3A_134, %mul3A_154 : i32
      %add3A_156 = arith.addi %mul3A_2, %mul3A_155 : i32
      %dma_start3A_157 = arith.constant 0 : i32
      %dma_start3A_158 = arith.constant 0 : i32
      %dma_start3A_159 = arith.constant 0 : i32
      %dma_start3A_160 = tpu.memref_slice %arg7[%dma_start3A_157, %dma_start3A_158, %dma_start3A_159] : memref<4x128x64xf32, #tpu.memory_space<vmem>> -> memref<1x128x64xf32, #tpu.memory_space<vmem>>
      %dma_start3A_161 = tpu.memref_squeeze %dma_start3A_160 : memref<1x128x64xf32, #tpu.memory_space<vmem>> -> memref<128x64xf32, #tpu.memory_space<vmem>>
      %dma_start3A_162 = arith.constant 0 : i32
      %dma_start3A_163 = tpu.memref_slice %arg4[%add3A_156, %dma_start3A_162] : memref<819200x64xf32, #tpu.memory_space<hbm>> -> memref<128x64xf32, #tpu.memory_space<hbm>>
      %dma_start3A_164 = arith.constant 0 : i32
      %dma_start3A_165 = tpu.memref_slice %arg4[%add3A_156, %dma_start3A_164] : memref<819200x64xf32, #tpu.memory_space<hbm>> -> memref<128x64xf32, #tpu.memory_space<hbm>>
      %dma_start3A_166 = arith.constant 0 : i32
      %dma_start3A_167 = arith.constant 0 : i32
      %dma_start3A_168 = tpu.memref_slice %arg7[%dma_start3A_157, %dma_start3A_166, %dma_start3A_167] : memref<4x128x64xf32, #tpu.memory_space<vmem>> -> memref<1x128x64xf32, #tpu.memory_space<vmem>>
      %dma_start3A_169 = tpu.memref_squeeze %dma_start3A_168 : memref<1x128x64xf32, #tpu.memory_space<vmem>> -> memref<128x64xf32, #tpu.memory_space<vmem>>
      tpu.enqueue_dma source(%dma_start3A_169 : memref<128x64xf32, #tpu.memory_space<vmem>>) target(%dma_start3A_165 : memref<128x64xf32, #tpu.memory_space<hbm>>) target_semaphore(%arg13 : memref<!tpu.dma_semaphore, #tpu.memory_space<semaphore_mem>>)
      %add3A_170 = arith.constant 4 : i32
      %add3A_171 = arith.addi %add3A_134, %add3A_170 : i32
      %lt3A = arith.constant 200 : i32
      %lt3A_172 = arith.cmpi slt, %add3A_171, %lt3A : i32
      %convert_element_type3A_173 = arith.extui %lt3A_172 : i1 to i32
      %cond3A_174 = arith.constant 0 : i32
      %cond3A_175 = arith.cmpi ne, %convert_element_type3A_173, %cond3A_174 : i32
      scf.if %cond3A_175 {
        %add3A_323 = arith.constant 4 : i32
        %add3A_324 = arith.addi %add3A_134, %add3A_323 : i32
        %dma_start3A_325 = arith.constant 0 : i32
        %dma_start3A_326 = arith.constant 0 : i32
        %dma_start3A_327 = arith.constant 0 : i32
        %dma_start3A_328 = tpu.memref_slice %arg6[%dma_start3A_325, %dma_start3A_326, %dma_start3A_327] : memref<4x128x64xf32, #tpu.memory_space<vmem>> -> memref<1x128x64xf32, #tpu.memory_space<vmem>>
        %dma_start3A_329 = tpu.memref_squeeze %dma_start3A_328 : memref<1x128x64xf32, #tpu.memory_space<vmem>> -> memref<128x64xf32, #tpu.memory_space<vmem>>
        %dma_start3A_330 = arith.constant 0 : i32
        %dma_start3A_331 = tpu.memref_slice %arg5[%add3A_324, %dma_start3A_330] : memref<200x128xi32, #tpu.memory_space<vmem>> -> memref<1x128xi32, #tpu.memory_space<vmem>>
        %dma_start3A_332 = tpu.memref_squeeze %dma_start3A_331 : memref<1x128xi32, #tpu.memory_space<vmem>> -> memref<128xi32, #tpu.memory_space<vmem>>
        %dma_start3A_333 = arith.constant 0 : i32
        %dma_start3A_334 = arith.constant 0 : i32
        %dma_start3A_335 = tpu.memref_slice %arg3[%dma_start3A_333, %dma_start3A_334] : memref<1000000x64xf32, #tpu.memory_space<hbm>> -> memref<1000000x64xf32, #tpu.memory_space<hbm>>
        tpu.enqueue_indirect_dma source(%dma_start3A_335 : memref<1000000x64xf32, #tpu.memory_space<hbm>>) target(%dma_start3A_329 : memref<128x64xf32, #tpu.memory_space<vmem>>) offsets(%dma_start3A_332 : memref<128xi32, #tpu.memory_space<vmem>>) semaphore(%arg9 : memref<!tpu.dma_semaphore, #tpu.memory_space<semaphore_mem>>)
      } else {
      }
      %mul3A_176 = arith.constant 4 : i32
      %mul3A_177 = arith.muli %scan3A_130, %mul3A_176 : i32
      %add3A_178 = arith.constant 1 : i32
      %add3A_179 = arith.addi %mul3A_177, %add3A_178 : i32
      %dma_wait3A_180 = arith.constant 1 : i32
      %dma_wait3A_181 = arith.constant 0 : i32
      %dma_wait3A_182 = arith.constant 0 : i32
      %dma_wait3A_183 = tpu.memref_slice %arg6[%dma_wait3A_180, %dma_wait3A_181, %dma_wait3A_182] : memref<4x128x64xf32, #tpu.memory_space<vmem>> -> memref<1x128x64xf32, #tpu.memory_space<vmem>>
      %dma_wait3A_184 = tpu.memref_squeeze %dma_wait3A_183 : memref<1x128x64xf32, #tpu.memory_space<vmem>> -> memref<128x64xf32, #tpu.memory_space<vmem>>
      %dma_wait3A_185 = arith.constant 0 : i32
      %dma_wait3A_186 = tpu.memref_slice %arg5[%add3A_179, %dma_wait3A_185] : memref<200x128xi32, #tpu.memory_space<vmem>> -> memref<1x128xi32, #tpu.memory_space<vmem>>
      %dma_wait3A_187 = tpu.memref_squeeze %dma_wait3A_186 : memref<1x128xi32, #tpu.memory_space<vmem>> -> memref<128xi32, #tpu.memory_space<vmem>>
      %dma_wait3A_188 = arith.constant 0 : i32
      %dma_wait3A_189 = arith.constant 0 : i32
      %dma_wait3A_190 = tpu.memref_slice %arg3[%dma_wait3A_188, %dma_wait3A_189] : memref<1000000x64xf32, #tpu.memory_space<hbm>> -> memref<1000000x64xf32, #tpu.memory_space<hbm>>
      tpu.wait_indirect_dma semaphore(%arg10 : memref<!tpu.dma_semaphore, #tpu.memory_space<semaphore_mem>>) src(%dma_wait3A_190 : memref<1000000x64xf32, #tpu.memory_space<hbm>>) dst(%dma_wait3A_184 : memref<128x64xf32, #tpu.memory_space<vmem>>)
      %gt3A_191 = arith.constant 0 : i32
      %gt3A_192 = arith.cmpi sgt, %scan3A_130, %gt3A_191 : i32
      %convert_element_type3A_193 = arith.extui %gt3A_192 : i1 to i32
      %cond3A_194 = arith.constant 0 : i32
      %cond3A_195 = arith.cmpi ne, %convert_element_type3A_193, %cond3A_194 : i32
      scf.if %cond3A_195 {
        %sub3A = arith.constant 4 : i32
        %sub3A_323 = arith.subi %add3A_179, %sub3A : i32
        %mul3A_324 = arith.constant 128 : i32
        %mul3A_325 = arith.muli %sub3A_323, %mul3A_324 : i32
        %add3A_326 = arith.addi %mul3A_2, %mul3A_325 : i32
        %dma_wait3A_327 = arith.constant 1 : i32
        %dma_wait3A_328 = arith.constant 0 : i32
        %dma_wait3A_329 = arith.constant 0 : i32
        %dma_wait3A_330 = tpu.memref_slice %arg7[%dma_wait3A_327, %dma_wait3A_328, %dma_wait3A_329] : memref<4x128x64xf32, #tpu.memory_space<vmem>> -> memref<1x128x64xf32, #tpu.memory_space<vmem>>
        %dma_wait3A_331 = tpu.memref_squeeze %dma_wait3A_330 : memref<1x128x64xf32, #tpu.memory_space<vmem>> -> memref<128x64xf32, #tpu.memory_space<vmem>>
        %dma_wait3A_332 = arith.constant 0 : i32
        %dma_wait3A_333 = tpu.memref_slice %arg4[%add3A_326, %dma_wait3A_332] : memref<819200x64xf32, #tpu.memory_space<hbm>> -> memref<128x64xf32, #tpu.memory_space<hbm>>
        %dma_wait3A_334 = arith.constant 0 : i32
        %dma_wait3A_335 = tpu.memref_slice %arg4[%add3A_326, %dma_wait3A_334] : memref<819200x64xf32, #tpu.memory_space<hbm>> -> memref<128x64xf32, #tpu.memory_space<hbm>>
        %dma_wait3A_336 = arith.constant 0 : i32
        %dma_wait3A_337 = arith.constant 0 : i32
        %dma_wait3A_338 = tpu.memref_slice %arg7[%dma_wait3A_327, %dma_wait3A_336, %dma_wait3A_337] : memref<4x128x64xf32, #tpu.memory_space<vmem>> -> memref<1x128x64xf32, #tpu.memory_space<vmem>>
        %dma_wait3A_339 = tpu.memref_squeeze %dma_wait3A_338 : memref<1x128x64xf32, #tpu.memory_space<vmem>> -> memref<128x64xf32, #tpu.memory_space<vmem>>
        tpu.wait_dma2 semaphore(%arg14 : memref<!tpu.dma_semaphore, #tpu.memory_space<semaphore_mem>>) src(%dma_wait3A_339 : memref<128x64xf32, #tpu.memory_space<vmem>>) dst(%dma_wait3A_335 : memref<128x64xf32, #tpu.memory_space<hbm>>)
      } else {
      }
      %scan3A_196 = arith.constant 0 : i32
      %scan3A_197 = arith.constant 0 : i32
      %scan3A_198 = arith.constant 128 : i32
      %scan3A_199 = arith.addi %scan3A_197, %scan3A_198 : i32
      %scan3A_200 = arith.constant 8 : i32
      scf.for %scan3A_323 = %scan3A_197 to %scan3A_199 step %scan3A_200  : i32 {
        %get3A = arith.constant 1 : i32
        %get3A_324 = arith.index_cast %get3A : i32 to index
        %get3A_325 = arith.index_cast %scan3A_323 : i32 to index
        %get3A_326 = arith.constant 0 : index
        %get3A_327 = tpu.vector_load %arg6[%get3A_324, %get3A_325, %get3A_326] {strides = array<i32>} : memref<4x128x64xf32, #tpu.memory_space<vmem>>, vector<1x1x16xf32>,
        %get3A_328 = vector.shape_cast %get3A_327 : vector<1x1x16xf32> to vector<16xf32>
        %mul3A_329 = arith.constant 8.000000e+00 : f32
        %mul3A_330 = vector.broadcast %mul3A_329 : f32 to vector<16xf32>
        %mul3A_331 = arith.mulf %get3A_328, %mul3A_330 : vector<16xf32>
        %swap3A = arith.constant 1 : i32
        %swap3A_332 = arith.index_cast %swap3A : i32 to index
        %swap3A_333 = arith.index_cast %scan3A_323 : i32 to index
        %swap3A_334 = arith.constant 0 : index
        %swap3A_335 = tpu.vector_load %arg7[%swap3A_332, %swap3A_333, %swap3A_334] {strides = array<i32>} : memref<4x128x64xf32, #tpu.memory_space<vmem>>, vector<1x1x16xf32>,
        %swap3A_336 = vector.shape_cast %swap3A_335 : vector<1x1x16xf32> to vector<16xf32>
        %swap3A_337 = vector.shape_cast %mul3A_331 : vector<16xf32> to vector<1x1x16xf32>
        tpu.vector_store %arg7[%swap3A_332, %swap3A_333, %swap3A_334], %swap3A_337 {strides = array<i32>} : memref<4x128x64xf32, #tpu.memory_space<vmem>>, vector<1x1x16xf32>,
        %get3A_338 = arith.constant 1 : i32
        %get3A_339 = arith.index_cast %get3A_338 : i32 to index
        %get3A_340 = arith.index_cast %scan3A_323 : i32 to index
        %get3A_341 = arith.constant 16 : index
        %get3A_342 = tpu.vector_load %arg6[%get3A_339, %get3A_340, %get3A_341] {strides = array<i32>} : memref<4x128x64xf32, #tpu.memory_space<vmem>>, vector<1x1x16xf32>,
        %get3A_343 = vector.shape_cast %get3A_342 : vector<1x1x16xf32> to vector<16xf32>
        %mul3A_344 = arith.constant 8.000000e+00 : f32
        %mul3A_345 = vector.broadcast %mul3A_344 : f32 to vector<16xf32>
        %mul3A_346 = arith.mulf %get3A_343, %mul3A_345 : vector<16xf32>
        %swap3A_347 = arith.constant 1 : i32
        %swap3A_348 = arith.index_cast %swap3A_347 : i32 to index
        %swap3A_349 = arith.index_cast %scan3A_323 : i32 to index
        %swap3A_350 = arith.constant 16 : index
        %swap3A_351 = tpu.vector_load %arg7[%swap3A_348, %swap3A_349, %swap3A_350] {strides = array<i32>} : memref<4x128x64xf32, #tpu.memory_space<vmem>>, vector<1x1x16xf32>,
        %swap3A_352 = vector.shape_cast %swap3A_351 : vector<1x1x16xf32> to vector<16xf32>
        %swap3A_353 = vector.shape_cast %mul3A_346 : vector<16xf32> to vector<1x1x16xf32>
        tpu.vector_store %arg7[%swap3A_348, %swap3A_349, %swap3A_350], %swap3A_353 {strides = array<i32>} : memref<4x128x64xf32, #tpu.memory_space<vmem>>, vector<1x1x16xf32>,
        %get3A_354 = arith.constant 1 : i32
        %get3A_355 = arith.index_cast %get3A_354 : i32 to index
        %get3A_356 = arith.index_cast %scan3A_323 : i32 to index
        %get3A_357 = arith.constant 32 : index
        %get3A_358 = tpu.vector_load %arg6[%get3A_355, %get3A_356, %get3A_357] {strides = array<i32>} : memref<4x128x64xf32, #tpu.memory_space<vmem>>, vector<1x1x16xf32>,
        %get3A_359 = vector.shape_cast %get3A_358 : vector<1x1x16xf32> to vector<16xf32>
        %mul3A_360 = arith.constant 8.000000e+00 : f32
        %mul3A_361 = vector.broadcast %mul3A_360 : f32 to vector<16xf32>
        %mul3A_362 = arith.mulf %get3A_359, %mul3A_361 : vector<16xf32>
        %swap3A_363 = arith.constant 1 : i32
        %swap3A_364 = arith.index_cast %swap3A_363 : i32 to index
        %swap3A_365 = arith.index_cast %scan3A_323 : i32 to index
        %swap3A_366 = arith.constant 32 : index
        %swap3A_367 = tpu.vector_load %arg7[%swap3A_364, %swap3A_365, %swap3A_366] {strides = array<i32>} : memref<4x128x64xf32, #tpu.memory_space<vmem>>, vector<1x1x16xf32>,
        %swap3A_368 = vector.shape_cast %swap3A_367 : vector<1x1x16xf32> to vector<16xf32>
        %swap3A_369 = vector.shape_cast %mul3A_362 : vector<16xf32> to vector<1x1x16xf32>
        tpu.vector_store %arg7[%swap3A_364, %swap3A_365, %swap3A_366], %swap3A_369 {strides = array<i32>} : memref<4x128x64xf32, #tpu.memory_space<vmem>>, vector<1x1x16xf32>,
        %get3A_370 = arith.constant 1 : i32
        %get3A_371 = arith.index_cast %get3A_370 : i32 to index
        %get3A_372 = arith.index_cast %scan3A_323 : i32 to index
        %get3A_373 = arith.constant 48 : index
        %get3A_374 = tpu.vector_load %arg6[%get3A_371, %get3A_372, %get3A_373] {strides = array<i32>} : memref<4x128x64xf32, #tpu.memory_space<vmem>>, vector<1x1x16xf32>,
        %get3A_375 = vector.shape_cast %get3A_374 : vector<1x1x16xf32> to vector<16xf32>
        %mul3A_376 = arith.constant 8.000000e+00 : f32
        %mul3A_377 = vector.broadcast %mul3A_376 : f32 to vector<16xf32>
        %mul3A_378 = arith.mulf %get3A_375, %mul3A_377 : vector<16xf32>
        %swap3A_379 = arith.constant 1 : i32
        %swap3A_380 = arith.index_cast %swap3A_379 : i32 to index
        %swap3A_381 = arith.index_cast %scan3A_323 : i32 to index
        %swap3A_382 = arith.constant 48 : index
        %swap3A_383 = tpu.vector_load %arg7[%swap3A_380, %swap3A_381, %swap3A_382] {strides = array<i32>} : memref<4x128x64xf32, #tpu.memory_space<vmem>>, vector<1x1x16xf32>,
        %swap3A_384 = vector.shape_cast %swap3A_383 : vector<1x1x16xf32> to vector<16xf32>
        %swap3A_385 = vector.shape_cast %mul3A_378 : vector<16xf32> to vector<1x1x16xf32>
        tpu.vector_store %arg7[%swap3A_380, %swap3A_381, %swap3A_382], %swap3A_385 {strides = array<i32>} : memref<4x128x64xf32, #tpu.memory_space<vmem>>, vector<1x1x16xf32>,
        %scan3A_386 = arith.constant 1 : i32
        %scan3A_387 = arith.addi %scan3A_323, %scan3A_386 : i32
        %get3A_388 = arith.constant 1 : i32
        %get3A_389 = arith.index_cast %get3A_388 : i32 to index
        %get3A_390 = arith.index_cast %scan3A_387 : i32 to index
        %get3A_391 = arith.constant 0 : index
        %get3A_392 = tpu.vector_load %arg6[%get3A_389, %get3A_390, %get3A_391] {strides = array<i32>} : memref<4x128x64xf32, #tpu.memory_space<vmem>>, vector<1x1x16xf32>,
        %get3A_393 = vector.shape_cast %get3A_392 : vector<1x1x16xf32> to vector<16xf32>
        %mul3A_394 = arith.constant 8.000000e+00 : f32
        %mul3A_395 = vector.broadcast %mul3A_394 : f32 to vector<16xf32>
        %mul3A_396 = arith.mulf %get3A_393, %mul3A_395 : vector<16xf32>
        %swap3A_397 = arith.constant 1 : i32
        %swap3A_398 = arith.index_cast %swap3A_397 : i32 to index
        %swap3A_399 = arith.index_cast %scan3A_387 : i32 to index
        %swap3A_400 = arith.constant 0 : index
        %swap3A_401 = tpu.vector_load %arg7[%swap3A_398, %swap3A_399, %swap3A_400] {strides = array<i32>} : memref<4x128x64xf32, #tpu.memory_space<vmem>>, vector<1x1x16xf32>,
        %swap3A_402 = vector.shape_cast %swap3A_401 : vector<1x1x16xf32> to vector<16xf32>
        %swap3A_403 = vector.shape_cast %mul3A_396 : vector<16xf32> to vector<1x1x16xf32>
        tpu.vector_store %arg7[%swap3A_398, %swap3A_399, %swap3A_400], %swap3A_403 {strides = array<i32>} : memref<4x128x64xf32, #tpu.memory_space<vmem>>, vector<1x1x16xf32>,
        %get3A_404 = arith.constant 1 : i32
        %get3A_405 = arith.index_cast %get3A_404 : i32 to index
        %get3A_406 = arith.index_cast %scan3A_387 : i32 to index
        %get3A_407 = arith.constant 16 : index
        %get3A_408 = tpu.vector_load %arg6[%get3A_405, %get3A_406, %get3A_407] {strides = array<i32>} : memref<4x128x64xf32, #tpu.memory_space<vmem>>, vector<1x1x16xf32>,
        %get3A_409 = vector.shape_cast %get3A_408 : vector<1x1x16xf32> to vector<16xf32>
        %mul3A_410 = arith.constant 8.000000e+00 : f32
        %mul3A_411 = vector.broadcast %mul3A_410 : f32 to vector<16xf32>
        %mul3A_412 = arith.mulf %get3A_409, %mul3A_411 : vector<16xf32>
        %swap3A_413 = arith.constant 1 : i32
        %swap3A_414 = arith.index_cast %swap3A_413 : i32 to index
        %swap3A_415 = arith.index_cast %scan3A_387 : i32 to index
        %swap3A_416 = arith.constant 16 : index
        %swap3A_417 = tpu.vector_load %arg7[%swap3A_414, %swap3A_415, %swap3A_416] {strides = array<i32>} : memref<4x128x64xf32, #tpu.memory_space<vmem>>, vector<1x1x16xf32>,
        %swap3A_418 = vector.shape_cast %swap3A_417 : vector<1x1x16xf32> to vector<16xf32>
        %swap3A_419 = vector.shape_cast %mul3A_412 : vector<16xf32> to vector<1x1x16xf32>
        tpu.vector_store %arg7[%swap3A_414, %swap3A_415, %swap3A_416], %swap3A_419 {strides = array<i32>} : memref<4x128x64xf32, #tpu.memory_space<vmem>>, vector<1x1x16xf32>,
        %get3A_420 = arith.constant 1 : i32
        %get3A_421 = arith.index_cast %get3A_420 : i32 to index
        %get3A_422 = arith.index_cast %scan3A_387 : i32 to index
        %get3A_423 = arith.constant 32 : index
        %get3A_424 = tpu.vector_load %arg6[%get3A_421, %get3A_422, %get3A_423] {strides = array<i32>} : memref<4x128x64xf32, #tpu.memory_space<vmem>>, vector<1x1x16xf32>,
        %get3A_425 = vector.shape_cast %get3A_424 : vector<1x1x16xf32> to vector<16xf32>
        %mul3A_426 = arith.constant 8.000000e+00 : f32
        %mul3A_427 = vector.broadcast %mul3A_426 : f32 to vector<16xf32>
        %mul3A_428 = arith.mulf %get3A_425, %mul3A_427 : vector<16xf32>
        %swap3A_429 = arith.constant 1 : i32
        %swap3A_430 = arith.index_cast %swap3A_429 : i32 to index
        %swap3A_431 = arith.index_cast %scan3A_387 : i32 to index
        %swap3A_432 = arith.constant 32 : index
        %swap3A_433 = tpu.vector_load %arg7[%swap3A_430, %swap3A_431, %swap3A_432] {strides = array<i32>} : memref<4x128x64xf32, #tpu.memory_space<vmem>>, vector<1x1x16xf32>,
        %swap3A_434 = vector.shape_cast %swap3A_433 : vector<1x1x16xf32> to vector<16xf32>
        %swap3A_435 = vector.shape_cast %mul3A_428 : vector<16xf32> to vector<1x1x16xf32>
        tpu.vector_store %arg7[%swap3A_430, %swap3A_431, %swap3A_432], %swap3A_435 {strides = array<i32>} : memref<4x128x64xf32, #tpu.memory_space<vmem>>, vector<1x1x16xf32>,
        %get3A_436 = arith.constant 1 : i32
        %get3A_437 = arith.index_cast %get3A_436 : i32 to index
        %get3A_438 = arith.index_cast %scan3A_387 : i32 to index
        %get3A_439 = arith.constant 48 : index
        %get3A_440 = tpu.vector_load %arg6[%get3A_437, %get3A_438, %get3A_439] {strides = array<i32>} : memref<4x128x64xf32, #tpu.memory_space<vmem>>, vector<1x1x16xf32>,
        %get3A_441 = vector.shape_cast %get3A_440 : vector<1x1x16xf32> to vector<16xf32>
        %mul3A_442 = arith.constant 8.000000e+00 : f32
        %mul3A_443 = vector.broadcast %mul3A_442 : f32 to vector<16xf32>
        %mul3A_444 = arith.mulf %get3A_441, %mul3A_443 : vector<16xf32>
        %swap3A_445 = arith.constant 1 : i32
        %swap3A_446 = arith.index_cast %swap3A_445 : i32 to index
        %swap3A_447 = arith.index_cast %scan3A_387 : i32 to index
        %swap3A_448 = arith.constant 48 : index
        %swap3A_449 = tpu.vector_load %arg7[%swap3A_446, %swap3A_447, %swap3A_448] {strides = array<i32>} : memref<4x128x64xf32, #tpu.memory_space<vmem>>, vector<1x1x16xf32>,
        %swap3A_450 = vector.shape_cast %swap3A_449 : vector<1x1x16xf32> to vector<16xf32>
        %swap3A_451 = vector.shape_cast %mul3A_444 : vector<16xf32> to vector<1x1x16xf32>
        tpu.vector_store %arg7[%swap3A_446, %swap3A_447, %swap3A_448], %swap3A_451 {strides = array<i32>} : memref<4x128x64xf32, #tpu.memory_space<vmem>>, vector<1x1x16xf32>,
        %scan3A_452 = arith.constant 2 : i32
        %scan3A_453 = arith.addi %scan3A_323, %scan3A_452 : i32
        %get3A_454 = arith.constant 1 : i32
        %get3A_455 = arith.index_cast %get3A_454 : i32 to index
        %get3A_456 = arith.index_cast %scan3A_453 : i32 to index
        %get3A_457 = arith.constant 0 : index
        %get3A_458 = tpu.vector_load %arg6[%get3A_455, %get3A_456, %get3A_457] {strides = array<i32>} : memref<4x128x64xf32, #tpu.memory_space<vmem>>, vector<1x1x16xf32>,
        %get3A_459 = vector.shape_cast %get3A_458 : vector<1x1x16xf32> to vector<16xf32>
        %mul3A_460 = arith.constant 8.000000e+00 : f32
        %mul3A_461 = vector.broadcast %mul3A_460 : f32 to vector<16xf32>
        %mul3A_462 = arith.mulf %get3A_459, %mul3A_461 : vector<16xf32>
        %swap3A_463 = arith.constant 1 : i32
        %swap3A_464 = arith.index_cast %swap3A_463 : i32 to index
        %swap3A_465 = arith.index_cast %scan3A_453 : i32 to index
        %swap3A_466 = arith.constant 0 : index
        %swap3A_467 = tpu.vector_load %arg7[%swap3A_464, %swap3A_465, %swap3A_466] {strides = array<i32>} : memref<4x128x64xf32, #tpu.memory_space<vmem>>, vector<1x1x16xf32>,
        %swap3A_468 = vector.shape_cast %swap3A_467 : vector<1x1x16xf32> to vector<16xf32>
        %swap3A_469 = vector.shape_cast %mul3A_462 : vector<16xf32> to vector<1x1x16xf32>
        tpu.vector_store %arg7[%swap3A_464, %swap3A_465, %swap3A_466], %swap3A_469 {strides = array<i32>} : memref<4x128x64xf32, #tpu.memory_space<vmem>>, vector<1x1x16xf32>,
        %get3A_470 = arith.constant 1 : i32
        %get3A_471 = arith.index_cast %get3A_470 : i32 to index
        %get3A_472 = arith.index_cast %scan3A_453 : i32 to index
        %get3A_473 = arith.constant 16 : index
        %get3A_474 = tpu.vector_load %arg6[%get3A_471, %get3A_472, %get3A_473] {strides = array<i32>} : memref<4x128x64xf32, #tpu.memory_space<vmem>>, vector<1x1x16xf32>,
        %get3A_475 = vector.shape_cast %get3A_474 : vector<1x1x16xf32> to vector<16xf32>
        %mul3A_476 = arith.constant 8.000000e+00 : f32
        %mul3A_477 = vector.broadcast %mul3A_476 : f32 to vector<16xf32>
        %mul3A_478 = arith.mulf %get3A_475, %mul3A_477 : vector<16xf32>
        %swap3A_479 = arith.constant 1 : i32
        %swap3A_480 = arith.index_cast %swap3A_479 : i32 to index
        %swap3A_481 = arith.index_cast %scan3A_453 : i32 to index
        %swap3A_482 = arith.constant 16 : index
        %swap3A_483 = tpu.vector_load %arg7[%swap3A_480, %swap3A_481, %swap3A_482] {strides = array<i32>} : memref<4x128x64xf32, #tpu.memory_space<vmem>>, vector<1x1x16xf32>,
        %swap3A_484 = vector.shape_cast %swap3A_483 : vector<1x1x16xf32> to vector<16xf32>
        %swap3A_485 = vector.shape_cast %mul3A_478 : vector<16xf32> to vector<1x1x16xf32>
        tpu.vector_store %arg7[%swap3A_480, %swap3A_481, %swap3A_482], %swap3A_485 {strides = array<i32>} : memref<4x128x64xf32, #tpu.memory_space<vmem>>, vector<1x1x16xf32>,
        %get3A_486 = arith.constant 1 : i32
        %get3A_487 = arith.index_cast %get3A_486 : i32 to index
        %get3A_488 = arith.index_cast %scan3A_453 : i32 to index
        %get3A_489 = arith.constant 32 : index
        %get3A_490 = tpu.vector_load %arg6[%get3A_487, %get3A_488, %get3A_489] {strides = array<i32>} : memref<4x128x64xf32, #tpu.memory_space<vmem>>, vector<1x1x16xf32>,
        %get3A_491 = vector.shape_cast %get3A_490 : vector<1x1x16xf32> to vector<16xf32>
        %mul3A_492 = arith.constant 8.000000e+00 : f32
        %mul3A_493 = vector.broadcast %mul3A_492 : f32 to vector<16xf32>
        %mul3A_494 = arith.mulf %get3A_491, %mul3A_493 : vector<16xf32>
        %swap3A_495 = arith.constant 1 : i32
        %swap3A_496 = arith.index_cast %swap3A_495 : i32 to index
        %swap3A_497 = arith.index_cast %scan3A_453 : i32 to index
        %swap3A_498 = arith.constant 32 : index
        %swap3A_499 = tpu.vector_load %arg7[%swap3A_496, %swap3A_497, %swap3A_498] {strides = array<i32>} : memref<4x128x64xf32, #tpu.memory_space<vmem>>, vector<1x1x16xf32>,
        %swap3A_500 = vector.shape_cast %swap3A_499 : vector<1x1x16xf32> to vector<16xf32>
        %swap3A_501 = vector.shape_cast %mul3A_494 : vector<16xf32> to vector<1x1x16xf32>
        tpu.vector_store %arg7[%swap3A_496, %swap3A_497, %swap3A_498], %swap3A_501 {strides = array<i32>} : memref<4x128x64xf32, #tpu.memory_space<vmem>>, vector<1x1x16xf32>,
        %get3A_502 = arith.constant 1 : i32
        %get3A_503 = arith.index_cast %get3A_502 : i32 to index
        %get3A_504 = arith.index_cast %scan3A_453 : i32 to index
        %get3A_505 = arith.constant 48 : index
        %get3A_506 = tpu.vector_load %arg6[%get3A_503, %get3A_504, %get3A_505] {strides = array<i32>} : memref<4x128x64xf32, #tpu.memory_space<vmem>>, vector<1x1x16xf32>,
        %get3A_507 = vector.shape_cast %get3A_506 : vector<1x1x16xf32> to vector<16xf32>
        %mul3A_508 = arith.constant 8.000000e+00 : f32
        %mul3A_509 = vector.broadcast %mul3A_508 : f32 to vector<16xf32>
        %mul3A_510 = arith.mulf %get3A_507, %mul3A_509 : vector<16xf32>
        %swap3A_511 = arith.constant 1 : i32
        %swap3A_512 = arith.index_cast %swap3A_511 : i32 to index
        %swap3A_513 = arith.index_cast %scan3A_453 : i32 to index
        %swap3A_514 = arith.constant 48 : index
        %swap3A_515 = tpu.vector_load %arg7[%swap3A_512, %swap3A_513, %swap3A_514] {strides = array<i32>} : memref<4x128x64xf32, #tpu.memory_space<vmem>>, vector<1x1x16xf32>,
        %swap3A_516 = vector.shape_cast %swap3A_515 : vector<1x1x16xf32> to vector<16xf32>
        %swap3A_517 = vector.shape_cast %mul3A_510 : vector<16xf32> to vector<1x1x16xf32>
        tpu.vector_store %arg7[%swap3A_512, %swap3A_513, %swap3A_514], %swap3A_517 {strides = array<i32>} : memref<4x128x64xf32, #tpu.memory_space<vmem>>, vector<1x1x16xf32>,
        %scan3A_518 = arith.constant 3 : i32
        %scan3A_519 = arith.addi %scan3A_323, %scan3A_518 : i32
        %get3A_520 = arith.constant 1 : i32
        %get3A_521 = arith.index_cast %get3A_520 : i32 to index
        %get3A_522 = arith.index_cast %scan3A_519 : i32 to index
        %get3A_523 = arith.constant 0 : index
        %get3A_524 = tpu.vector_load %arg6[%get3A_521, %get3A_522, %get3A_523] {strides = array<i32>} : memref<4x128x64xf32, #tpu.memory_space<vmem>>, vector<1x1x16xf32>,
        %get3A_525 = vector.shape_cast %get3A_524 : vector<1x1x16xf32> to vector<16xf32>
        %mul3A_526 = arith.constant 8.000000e+00 : f32
        %mul3A_527 = vector.broadcast %mul3A_526 : f32 to vector<16xf32>
        %mul3A_528 = arith.mulf %get3A_525, %mul3A_527 : vector<16xf32>
        %swap3A_529 = arith.constant 1 : i32
        %swap3A_530 = arith.index_cast %swap3A_529 : i32 to index
        %swap3A_531 = arith.index_cast %scan3A_519 : i32 to index
        %swap3A_532 = arith.constant 0 : index
        %swap3A_533 = tpu.vector_load %arg7[%swap3A_530, %swap3A_531, %swap3A_532] {strides = array<i32>} : memref<4x128x64xf32, #tpu.memory_space<vmem>>, vector<1x1x16xf32>,
        %swap3A_534 = vector.shape_cast %swap3A_533 : vector<1x1x16xf32> to vector<16xf32>
        %swap3A_535 = vector.shape_cast %mul3A_528 : vector<16xf32> to vector<1x1x16xf32>
        tpu.vector_store %arg7[%swap3A_530, %swap3A_531, %swap3A_532], %swap3A_535 {strides = array<i32>} : memref<4x128x64xf32, #tpu.memory_space<vmem>>, vector<1x1x16xf32>,
        %get3A_536 = arith.constant 1 : i32
        %get3A_537 = arith.index_cast %get3A_536 : i32 to index
        %get3A_538 = arith.index_cast %scan3A_519 : i32 to index
        %get3A_539 = arith.constant 16 : index
        %get3A_540 = tpu.vector_load %arg6[%get3A_537, %get3A_538, %get3A_539] {strides = array<i32>} : memref<4x128x64xf32, #tpu.memory_space<vmem>>, vector<1x1x16xf32>,
        %get3A_541 = vector.shape_cast %get3A_540 : vector<1x1x16xf32> to vector<16xf32>
        %mul3A_542 = arith.constant 8.000000e+00 : f32
        %mul3A_543 = vector.broadcast %mul3A_542 : f32 to vector<16xf32>
        %mul3A_544 = arith.mulf %get3A_541, %mul3A_543 : vector<16xf32>
        %swap3A_545 = arith.constant 1 : i32
        %swap3A_546 = arith.index_cast %swap3A_545 : i32 to index
        %swap3A_547 = arith.index_cast %scan3A_519 : i32 to index
        %swap3A_548 = arith.constant 16 : index
        %swap3A_549 = tpu.vector_load %arg7[%swap3A_546, %swap3A_547, %swap3A_548] {strides = array<i32>} : memref<4x128x64xf32, #tpu.memory_space<vmem>>, vector<1x1x16xf32>,
        %swap3A_550 = vector.shape_cast %swap3A_549 : vector<1x1x16xf32> to vector<16xf32>
        %swap3A_551 = vector.shape_cast %mul3A_544 : vector<16xf32> to vector<1x1x16xf32>
        tpu.vector_store %arg7[%swap3A_546, %swap3A_547, %swap3A_548], %swap3A_551 {strides = array<i32>} : memref<4x128x64xf32, #tpu.memory_space<vmem>>, vector<1x1x16xf32>,
        %get3A_552 = arith.constant 1 : i32
        %get3A_553 = arith.index_cast %get3A_552 : i32 to index
        %get3A_554 = arith.index_cast %scan3A_519 : i32 to index
        %get3A_555 = arith.constant 32 : index
        %get3A_556 = tpu.vector_load %arg6[%get3A_553, %get3A_554, %get3A_555] {strides = array<i32>} : memref<4x128x64xf32, #tpu.memory_space<vmem>>, vector<1x1x16xf32>,
        %get3A_557 = vector.shape_cast %get3A_556 : vector<1x1x16xf32> to vector<16xf32>
        %mul3A_558 = arith.constant 8.000000e+00 : f32
        %mul3A_559 = vector.broadcast %mul3A_558 : f32 to vector<16xf32>
        %mul3A_560 = arith.mulf %get3A_557, %mul3A_559 : vector<16xf32>
        %swap3A_561 = arith.constant 1 : i32
        %swap3A_562 = arith.index_cast %swap3A_561 : i32 to index
        %swap3A_563 = arith.index_cast %scan3A_519 : i32 to index
        %swap3A_564 = arith.constant 32 : index
        %swap3A_565 = tpu.vector_load %arg7[%swap3A_562, %swap3A_563, %swap3A_564] {strides = array<i32>} : memref<4x128x64xf32, #tpu.memory_space<vmem>>, vector<1x1x16xf32>,
        %swap3A_566 = vector.shape_cast %swap3A_565 : vector<1x1x16xf32> to vector<16xf32>
        %swap3A_567 = vector.shape_cast %mul3A_560 : vector<16xf32> to vector<1x1x16xf32>
        tpu.vector_store %arg7[%swap3A_562, %swap3A_563, %swap3A_564], %swap3A_567 {strides = array<i32>} : memref<4x128x64xf32, #tpu.memory_space<vmem>>, vector<1x1x16xf32>,
        %get3A_568 = arith.constant 1 : i32
        %get3A_569 = arith.index_cast %get3A_568 : i32 to index
        %get3A_570 = arith.index_cast %scan3A_519 : i32 to index
        %get3A_571 = arith.constant 48 : index
        %get3A_572 = tpu.vector_load %arg6[%get3A_569, %get3A_570, %get3A_571] {strides = array<i32>} : memref<4x128x64xf32, #tpu.memory_space<vmem>>, vector<1x1x16xf32>,
        %get3A_573 = vector.shape_cast %get3A_572 : vector<1x1x16xf32> to vector<16xf32>
        %mul3A_574 = arith.constant 8.000000e+00 : f32
        %mul3A_575 = vector.broadcast %mul3A_574 : f32 to vector<16xf32>
        %mul3A_576 = arith.mulf %get3A_573, %mul3A_575 : vector<16xf32>
        %swap3A_577 = arith.constant 1 : i32
        %swap3A_578 = arith.index_cast %swap3A_577 : i32 to index
        %swap3A_579 = arith.index_cast %scan3A_519 : i32 to index
        %swap3A_580 = arith.constant 48 : index
        %swap3A_581 = tpu.vector_load %arg7[%swap3A_578, %swap3A_579, %swap3A_580] {strides = array<i32>} : memref<4x128x64xf32, #tpu.memory_space<vmem>>, vector<1x1x16xf32>,
        %swap3A_582 = vector.shape_cast %swap3A_581 : vector<1x1x16xf32> to vector<16xf32>
        %swap3A_583 = vector.shape_cast %mul3A_576 : vector<16xf32> to vector<1x1x16xf32>
        tpu.vector_store %arg7[%swap3A_578, %swap3A_579, %swap3A_580], %swap3A_583 {strides = array<i32>} : memref<4x128x64xf32, #tpu.memory_space<vmem>>, vector<1x1x16xf32>,
        %scan3A_584 = arith.constant 4 : i32
        %scan3A_585 = arith.addi %scan3A_323, %scan3A_584 : i32
        %get3A_586 = arith.constant 1 : i32
        %get3A_587 = arith.index_cast %get3A_586 : i32 to index
        %get3A_588 = arith.index_cast %scan3A_585 : i32 to index
        %get3A_589 = arith.constant 0 : index
        %get3A_590 = tpu.vector_load %arg6[%get3A_587, %get3A_588, %get3A_589] {strides = array<i32>} : memref<4x128x64xf32, #tpu.memory_space<vmem>>, vector<1x1x16xf32>,
        %get3A_591 = vector.shape_cast %get3A_590 : vector<1x1x16xf32> to vector<16xf32>
        %mul3A_592 = arith.constant 8.000000e+00 : f32
        %mul3A_593 = vector.broadcast %mul3A_592 : f32 to vector<16xf32>
        %mul3A_594 = arith.mulf %get3A_591, %mul3A_593 : vector<16xf32>
        %swap3A_595 = arith.constant 1 : i32
        %swap3A_596 = arith.index_cast %swap3A_595 : i32 to index
        %swap3A_597 = arith.index_cast %scan3A_585 : i32 to index
        %swap3A_598 = arith.constant 0 : index
        %swap3A_599 = tpu.vector_load %arg7[%swap3A_596, %swap3A_597, %swap3A_598] {strides = array<i32>} : memref<4x128x64xf32, #tpu.memory_space<vmem>>, vector<1x1x16xf32>,
        %swap3A_600 = vector.shape_cast %swap3A_599 : vector<1x1x16xf32> to vector<16xf32>
        %swap3A_601 = vector.shape_cast %mul3A_594 : vector<16xf32> to vector<1x1x16xf32>
        tpu.vector_store %arg7[%swap3A_596, %swap3A_597, %swap3A_598], %swap3A_601 {strides = array<i32>} : memref<4x128x64xf32, #tpu.memory_space<vmem>>, vector<1x1x16xf32>,
        %get3A_602 = arith.constant 1 : i32
        %get3A_603 = arith.index_cast %get3A_602 : i32 to index
        %get3A_604 = arith.index_cast %scan3A_585 : i32 to index
        %get3A_605 = arith.constant 16 : index
        %get3A_606 = tpu.vector_load %arg6[%get3A_603, %get3A_604, %get3A_605] {strides = array<i32>} : memref<4x128x64xf32, #tpu.memory_space<vmem>>, vector<1x1x16xf32>,
        %get3A_607 = vector.shape_cast %get3A_606 : vector<1x1x16xf32> to vector<16xf32>
        %mul3A_608 = arith.constant 8.000000e+00 : f32
        %mul3A_609 = vector.broadcast %mul3A_608 : f32 to vector<16xf32>
        %mul3A_610 = arith.mulf %get3A_607, %mul3A_609 : vector<16xf32>
        %swap3A_611 = arith.constant 1 : i32
        %swap3A_612 = arith.index_cast %swap3A_611 : i32 to index
        %swap3A_613 = arith.index_cast %scan3A_585 : i32 to index
        %swap3A_614 = arith.constant 16 : index
        %swap3A_615 = tpu.vector_load %arg7[%swap3A_612, %swap3A_613, %swap3A_614] {strides = array<i32>} : memref<4x128x64xf32, #tpu.memory_space<vmem>>, vector<1x1x16xf32>,
        %swap3A_616 = vector.shape_cast %swap3A_615 : vector<1x1x16xf32> to vector<16xf32>
        %swap3A_617 = vector.shape_cast %mul3A_610 : vector<16xf32> to vector<1x1x16xf32>
        tpu.vector_store %arg7[%swap3A_612, %swap3A_613, %swap3A_614], %swap3A_617 {strides = array<i32>} : memref<4x128x64xf32, #tpu.memory_space<vmem>>, vector<1x1x16xf32>,
        %get3A_618 = arith.constant 1 : i32
        %get3A_619 = arith.index_cast %get3A_618 : i32 to index
        %get3A_620 = arith.index_cast %scan3A_585 : i32 to index
        %get3A_621 = arith.constant 32 : index
        %get3A_622 = tpu.vector_load %arg6[%get3A_619, %get3A_620, %get3A_621] {strides = array<i32>} : memref<4x128x64xf32, #tpu.memory_space<vmem>>, vector<1x1x16xf32>,
        %get3A_623 = vector.shape_cast %get3A_622 : vector<1x1x16xf32> to vector<16xf32>
        %mul3A_624 = arith.constant 8.000000e+00 : f32
        %mul3A_625 = vector.broadcast %mul3A_624 : f32 to vector<16xf32>
        %mul3A_626 = arith.mulf %get3A_623, %mul3A_625 : vector<16xf32>
        %swap3A_627 = arith.constant 1 : i32
        %swap3A_628 = arith.index_cast %swap3A_627 : i32 to index
        %swap3A_629 = arith.index_cast %scan3A_585 : i32 to index
        %swap3A_630 = arith.constant 32 : index
        %swap3A_631 = tpu.vector_load %arg7[%swap3A_628, %swap3A_629, %swap3A_630] {strides = array<i32>} : memref<4x128x64xf32, #tpu.memory_space<vmem>>, vector<1x1x16xf32>,
        %swap3A_632 = vector.shape_cast %swap3A_631 : vector<1x1x16xf32> to vector<16xf32>
        %swap3A_633 = vector.shape_cast %mul3A_626 : vector<16xf32> to vector<1x1x16xf32>
        tpu.vector_store %arg7[%swap3A_628, %swap3A_629, %swap3A_630], %swap3A_633 {strides = array<i32>} : memref<4x128x64xf32, #tpu.memory_space<vmem>>, vector<1x1x16xf32>,
        %get3A_634 = arith.constant 1 : i32
        %get3A_635 = arith.index_cast %get3A_634 : i32 to index
        %get3A_636 = arith.index_cast %scan3A_585 : i32 to index
        %get3A_637 = arith.constant 48 : index
        %get3A_638 = tpu.vector_load %arg6[%get3A_635, %get3A_636, %get3A_637] {strides = array<i32>} : memref<4x128x64xf32, #tpu.memory_space<vmem>>, vector<1x1x16xf32>,
        %get3A_639 = vector.shape_cast %get3A_638 : vector<1x1x16xf32> to vector<16xf32>
        %mul3A_640 = arith.constant 8.000000e+00 : f32
        %mul3A_641 = vector.broadcast %mul3A_640 : f32 to vector<16xf32>
        %mul3A_642 = arith.mulf %get3A_639, %mul3A_641 : vector<16xf32>
        %swap3A_643 = arith.constant 1 : i32
        %swap3A_644 = arith.index_cast %swap3A_643 : i32 to index
        %swap3A_645 = arith.index_cast %scan3A_585 : i32 to index
        %swap3A_646 = arith.constant 48 : index
        %swap3A_647 = tpu.vector_load %arg7[%swap3A_644, %swap3A_645, %swap3A_646] {strides = array<i32>} : memref<4x128x64xf32, #tpu.memory_space<vmem>>, vector<1x1x16xf32>,
        %swap3A_648 = vector.shape_cast %swap3A_647 : vector<1x1x16xf32> to vector<16xf32>
        %swap3A_649 = vector.shape_cast %mul3A_642 : vector<16xf32> to vector<1x1x16xf32>
        tpu.vector_store %arg7[%swap3A_644, %swap3A_645, %swap3A_646], %swap3A_649 {strides = array<i32>} : memref<4x128x64xf32, #tpu.memory_space<vmem>>, vector<1x1x16xf32>,
        %scan3A_650 = arith.constant 5 : i32
        %scan3A_651 = arith.addi %scan3A_323, %scan3A_650 : i32
        %get3A_652 = arith.constant 1 : i32
        %get3A_653 = arith.index_cast %get3A_652 : i32 to index
        %get3A_654 = arith.index_cast %scan3A_651 : i32 to index
        %get3A_655 = arith.constant 0 : index
        %get3A_656 = tpu.vector_load %arg6[%get3A_653, %get3A_654, %get3A_655] {strides = array<i32>} : memref<4x128x64xf32, #tpu.memory_space<vmem>>, vector<1x1x16xf32>,
        %get3A_657 = vector.shape_cast %get3A_656 : vector<1x1x16xf32> to vector<16xf32>
        %mul3A_658 = arith.constant 8.000000e+00 : f32
        %mul3A_659 = vector.broadcast %mul3A_658 : f32 to vector<16xf32>
        %mul3A_660 = arith.mulf %get3A_657, %mul3A_659 : vector<16xf32>
        %swap3A_661 = arith.constant 1 : i32
        %swap3A_662 = arith.index_cast %swap3A_661 : i32 to index
        %swap3A_663 = arith.index_cast %scan3A_651 : i32 to index
        %swap3A_664 = arith.constant 0 : index
        %swap3A_665 = tpu.vector_load %arg7[%swap3A_662, %swap3A_663, %swap3A_664] {strides = array<i32>} : memref<4x128x64xf32, #tpu.memory_space<vmem>>, vector<1x1x16xf32>,
        %swap3A_666 = vector.shape_cast %swap3A_665 : vector<1x1x16xf32> to vector<16xf32>
        %swap3A_667 = vector.shape_cast %mul3A_660 : vector<16xf32> to vector<1x1x16xf32>
        tpu.vector_store %arg7[%swap3A_662, %swap3A_663, %swap3A_664], %swap3A_667 {strides = array<i32>} : memref<4x128x64xf32, #tpu.memory_space<vmem>>, vector<1x1x16xf32>,
        %get3A_668 = arith.constant 1 : i32
        %get3A_669 = arith.index_cast %get3A_668 : i32 to index
        %get3A_670 = arith.index_cast %scan3A_651 : i32 to index
        %get3A_671 = arith.constant 16 : index
        %get3A_672 = tpu.vector_load %arg6[%get3A_669, %get3A_670, %get3A_671] {strides = array<i32>} : memref<4x128x64xf32, #tpu.memory_space<vmem>>, vector<1x1x16xf32>,
        %get3A_673 = vector.shape_cast %get3A_672 : vector<1x1x16xf32> to vector<16xf32>
        %mul3A_674 = arith.constant 8.000000e+00 : f32
        %mul3A_675 = vector.broadcast %mul3A_674 : f32 to vector<16xf32>
        %mul3A_676 = arith.mulf %get3A_673, %mul3A_675 : vector<16xf32>
        %swap3A_677 = arith.constant 1 : i32
        %swap3A_678 = arith.index_cast %swap3A_677 : i32 to index
        %swap3A_679 = arith.index_cast %scan3A_651 : i32 to index
        %swap3A_680 = arith.constant 16 : index
        %swap3A_681 = tpu.vector_load %arg7[%swap3A_678, %swap3A_679, %swap3A_680] {strides = array<i32>} : memref<4x128x64xf32, #tpu.memory_space<vmem>>, vector<1x1x16xf32>,
        %swap3A_682 = vector.shape_cast %swap3A_681 : vector<1x1x16xf32> to vector<16xf32>
        %swap3A_683 = vector.shape_cast %mul3A_676 : vector<16xf32> to vector<1x1x16xf32>
        tpu.vector_store %arg7[%swap3A_678, %swap3A_679, %swap3A_680], %swap3A_683 {strides = array<i32>} : memref<4x128x64xf32, #tpu.memory_space<vmem>>, vector<1x1x16xf32>,
        %get3A_684 = arith.constant 1 : i32
        %get3A_685 = arith.index_cast %get3A_684 : i32 to index
        %get3A_686 = arith.index_cast %scan3A_651 : i32 to index
        %get3A_687 = arith.constant 32 : index
        %get3A_688 = tpu.vector_load %arg6[%get3A_685, %get3A_686, %get3A_687] {strides = array<i32>} : memref<4x128x64xf32, #tpu.memory_space<vmem>>, vector<1x1x16xf32>,
        %get3A_689 = vector.shape_cast %get3A_688 : vector<1x1x16xf32> to vector<16xf32>
        %mul3A_690 = arith.constant 8.000000e+00 : f32
        %mul3A_691 = vector.broadcast %mul3A_690 : f32 to vector<16xf32>
        %mul3A_692 = arith.mulf %get3A_689, %mul3A_691 : vector<16xf32>
        %swap3A_693 = arith.constant 1 : i32
        %swap3A_694 = arith.index_cast %swap3A_693 : i32 to index
        %swap3A_695 = arith.index_cast %scan3A_651 : i32 to index
        %swap3A_696 = arith.constant 32 : index
        %swap3A_697 = tpu.vector_load %arg7[%swap3A_694, %swap3A_695, %swap3A_696] {strides = array<i32>} : memref<4x128x64xf32, #tpu.memory_space<vmem>>, vector<1x1x16xf32>,
        %swap3A_698 = vector.shape_cast %swap3A_697 : vector<1x1x16xf32> to vector<16xf32>
        %swap3A_699 = vector.shape_cast %mul3A_692 : vector<16xf32> to vector<1x1x16xf32>
        tpu.vector_store %arg7[%swap3A_694, %swap3A_695, %swap3A_696], %swap3A_699 {strides = array<i32>} : memref<4x128x64xf32, #tpu.memory_space<vmem>>, vector<1x1x16xf32>,
        %get3A_700 = arith.constant 1 : i32
        %get3A_701 = arith.index_cast %get3A_700 : i32 to index
        %get3A_702 = arith.index_cast %scan3A_651 : i32 to index
        %get3A_703 = arith.constant 48 : index
        %get3A_704 = tpu.vector_load %arg6[%get3A_701, %get3A_702, %get3A_703] {strides = array<i32>} : memref<4x128x64xf32, #tpu.memory_space<vmem>>, vector<1x1x16xf32>,
        %get3A_705 = vector.shape_cast %get3A_704 : vector<1x1x16xf32> to vector<16xf32>
        %mul3A_706 = arith.constant 8.000000e+00 : f32
        %mul3A_707 = vector.broadcast %mul3A_706 : f32 to vector<16xf32>
        %mul3A_708 = arith.mulf %get3A_705, %mul3A_707 : vector<16xf32>
        %swap3A_709 = arith.constant 1 : i32
        %swap3A_710 = arith.index_cast %swap3A_709 : i32 to index
        %swap3A_711 = arith.index_cast %scan3A_651 : i32 to index
        %swap3A_712 = arith.constant 48 : index
        %swap3A_713 = tpu.vector_load %arg7[%swap3A_710, %swap3A_711, %swap3A_712] {strides = array<i32>} : memref<4x128x64xf32, #tpu.memory_space<vmem>>, vector<1x1x16xf32>,
        %swap3A_714 = vector.shape_cast %swap3A_713 : vector<1x1x16xf32> to vector<16xf32>
        %swap3A_715 = vector.shape_cast %mul3A_708 : vector<16xf32> to vector<1x1x16xf32>
        tpu.vector_store %arg7[%swap3A_710, %swap3A_711, %swap3A_712], %swap3A_715 {strides = array<i32>} : memref<4x128x64xf32, #tpu.memory_space<vmem>>, vector<1x1x16xf32>,
        %scan3A_716 = arith.constant 6 : i32
        %scan3A_717 = arith.addi %scan3A_323, %scan3A_716 : i32
        %get3A_718 = arith.constant 1 : i32
        %get3A_719 = arith.index_cast %get3A_718 : i32 to index
        %get3A_720 = arith.index_cast %scan3A_717 : i32 to index
        %get3A_721 = arith.constant 0 : index
        %get3A_722 = tpu.vector_load %arg6[%get3A_719, %get3A_720, %get3A_721] {strides = array<i32>} : memref<4x128x64xf32, #tpu.memory_space<vmem>>, vector<1x1x16xf32>,
        %get3A_723 = vector.shape_cast %get3A_722 : vector<1x1x16xf32> to vector<16xf32>
        %mul3A_724 = arith.constant 8.000000e+00 : f32
        %mul3A_725 = vector.broadcast %mul3A_724 : f32 to vector<16xf32>
        %mul3A_726 = arith.mulf %get3A_723, %mul3A_725 : vector<16xf32>
        %swap3A_727 = arith.constant 1 : i32
        %swap3A_728 = arith.index_cast %swap3A_727 : i32 to index
        %swap3A_729 = arith.index_cast %scan3A_717 : i32 to index
        %swap3A_730 = arith.constant 0 : index
        %swap3A_731 = tpu.vector_load %arg7[%swap3A_728, %swap3A_729, %swap3A_730] {strides = array<i32>} : memref<4x128x64xf32, #tpu.memory_space<vmem>>, vector<1x1x16xf32>,
        %swap3A_732 = vector.shape_cast %swap3A_731 : vector<1x1x16xf32> to vector<16xf32>
        %swap3A_733 = vector.shape_cast %mul3A_726 : vector<16xf32> to vector<1x1x16xf32>
        tpu.vector_store %arg7[%swap3A_728, %swap3A_729, %swap3A_730], %swap3A_733 {strides = array<i32>} : memref<4x128x64xf32, #tpu.memory_space<vmem>>, vector<1x1x16xf32>,
        %get3A_734 = arith.constant 1 : i32
        %get3A_735 = arith.index_cast %get3A_734 : i32 to index
        %get3A_736 = arith.index_cast %scan3A_717 : i32 to index
        %get3A_737 = arith.constant 16 : index
        %get3A_738 = tpu.vector_load %arg6[%get3A_735, %get3A_736, %get3A_737] {strides = array<i32>} : memref<4x128x64xf32, #tpu.memory_space<vmem>>, vector<1x1x16xf32>,
        %get3A_739 = vector.shape_cast %get3A_738 : vector<1x1x16xf32> to vector<16xf32>
        %mul3A_740 = arith.constant 8.000000e+00 : f32
        %mul3A_741 = vector.broadcast %mul3A_740 : f32 to vector<16xf32>
        %mul3A_742 = arith.mulf %get3A_739, %mul3A_741 : vector<16xf32>
        %swap3A_743 = arith.constant 1 : i32
        %swap3A_744 = arith.index_cast %swap3A_743 : i32 to index
        %swap3A_745 = arith.index_cast %scan3A_717 : i32 to index
        %swap3A_746 = arith.constant 16 : index
        %swap3A_747 = tpu.vector_load %arg7[%swap3A_744, %swap3A_745, %swap3A_746] {strides = array<i32>} : memref<4x128x64xf32, #tpu.memory_space<vmem>>, vector<1x1x16xf32>,
        %swap3A_748 = vector.shape_cast %swap3A_747 : vector<1x1x16xf32> to vector<16xf32>
        %swap3A_749 = vector.shape_cast %mul3A_742 : vector<16xf32> to vector<1x1x16xf32>
        tpu.vector_store %arg7[%swap3A_744, %swap3A_745, %swap3A_746], %swap3A_749 {strides = array<i32>} : memref<4x128x64xf32, #tpu.memory_space<vmem>>, vector<1x1x16xf32>,
        %get3A_750 = arith.constant 1 : i32
        %get3A_751 = arith.index_cast %get3A_750 : i32 to index
        %get3A_752 = arith.index_cast %scan3A_717 : i32 to index
        %get3A_753 = arith.constant 32 : index
        %get3A_754 = tpu.vector_load %arg6[%get3A_751, %get3A_752, %get3A_753] {strides = array<i32>} : memref<4x128x64xf32, #tpu.memory_space<vmem>>, vector<1x1x16xf32>,
        %get3A_755 = vector.shape_cast %get3A_754 : vector<1x1x16xf32> to vector<16xf32>
        %mul3A_756 = arith.constant 8.000000e+00 : f32
        %mul3A_757 = vector.broadcast %mul3A_756 : f32 to vector<16xf32>
        %mul3A_758 = arith.mulf %get3A_755, %mul3A_757 : vector<16xf32>
        %swap3A_759 = arith.constant 1 : i32
        %swap3A_760 = arith.index_cast %swap3A_759 : i32 to index
        %swap3A_761 = arith.index_cast %scan3A_717 : i32 to index
        %swap3A_762 = arith.constant 32 : index
        %swap3A_763 = tpu.vector_load %arg7[%swap3A_760, %swap3A_761, %swap3A_762] {strides = array<i32>} : memref<4x128x64xf32, #tpu.memory_space<vmem>>, vector<1x1x16xf32>,
        %swap3A_764 = vector.shape_cast %swap3A_763 : vector<1x1x16xf32> to vector<16xf32>
        %swap3A_765 = vector.shape_cast %mul3A_758 : vector<16xf32> to vector<1x1x16xf32>
        tpu.vector_store %arg7[%swap3A_760, %swap3A_761, %swap3A_762], %swap3A_765 {strides = array<i32>} : memref<4x128x64xf32, #tpu.memory_space<vmem>>, vector<1x1x16xf32>,
        %get3A_766 = arith.constant 1 : i32
        %get3A_767 = arith.index_cast %get3A_766 : i32 to index
        %get3A_768 = arith.index_cast %scan3A_717 : i32 to index
        %get3A_769 = arith.constant 48 : index
        %get3A_770 = tpu.vector_load %arg6[%get3A_767, %get3A_768, %get3A_769] {strides = array<i32>} : memref<4x128x64xf32, #tpu.memory_space<vmem>>, vector<1x1x16xf32>,
        %get3A_771 = vector.shape_cast %get3A_770 : vector<1x1x16xf32> to vector<16xf32>
        %mul3A_772 = arith.constant 8.000000e+00 : f32
        %mul3A_773 = vector.broadcast %mul3A_772 : f32 to vector<16xf32>
        %mul3A_774 = arith.mulf %get3A_771, %mul3A_773 : vector<16xf32>
        %swap3A_775 = arith.constant 1 : i32
        %swap3A_776 = arith.index_cast %swap3A_775 : i32 to index
        %swap3A_777 = arith.index_cast %scan3A_717 : i32 to index
        %swap3A_778 = arith.constant 48 : index
        %swap3A_779 = tpu.vector_load %arg7[%swap3A_776, %swap3A_777, %swap3A_778] {strides = array<i32>} : memref<4x128x64xf32, #tpu.memory_space<vmem>>, vector<1x1x16xf32>,
        %swap3A_780 = vector.shape_cast %swap3A_779 : vector<1x1x16xf32> to vector<16xf32>
        %swap3A_781 = vector.shape_cast %mul3A_774 : vector<16xf32> to vector<1x1x16xf32>
        tpu.vector_store %arg7[%swap3A_776, %swap3A_777, %swap3A_778], %swap3A_781 {strides = array<i32>} : memref<4x128x64xf32, #tpu.memory_space<vmem>>, vector<1x1x16xf32>,
        %scan3A_782 = arith.constant 7 : i32
        %scan3A_783 = arith.addi %scan3A_323, %scan3A_782 : i32
        %get3A_784 = arith.constant 1 : i32
        %get3A_785 = arith.index_cast %get3A_784 : i32 to index
        %get3A_786 = arith.index_cast %scan3A_783 : i32 to index
        %get3A_787 = arith.constant 0 : index
        %get3A_788 = tpu.vector_load %arg6[%get3A_785, %get3A_786, %get3A_787] {strides = array<i32>} : memref<4x128x64xf32, #tpu.memory_space<vmem>>, vector<1x1x16xf32>,
        %get3A_789 = vector.shape_cast %get3A_788 : vector<1x1x16xf32> to vector<16xf32>
        %mul3A_790 = arith.constant 8.000000e+00 : f32
        %mul3A_791 = vector.broadcast %mul3A_790 : f32 to vector<16xf32>
        %mul3A_792 = arith.mulf %get3A_789, %mul3A_791 : vector<16xf32>
        %swap3A_793 = arith.constant 1 : i32
        %swap3A_794 = arith.index_cast %swap3A_793 : i32 to index
        %swap3A_795 = arith.index_cast %scan3A_783 : i32 to index
        %swap3A_796 = arith.constant 0 : index
        %swap3A_797 = tpu.vector_load %arg7[%swap3A_794, %swap3A_795, %swap3A_796] {strides = array<i32>} : memref<4x128x64xf32, #tpu.memory_space<vmem>>, vector<1x1x16xf32>,
        %swap3A_798 = vector.shape_cast %swap3A_797 : vector<1x1x16xf32> to vector<16xf32>
        %swap3A_799 = vector.shape_cast %mul3A_792 : vector<16xf32> to vector<1x1x16xf32>
        tpu.vector_store %arg7[%swap3A_794, %swap3A_795, %swap3A_796], %swap3A_799 {strides = array<i32>} : memref<4x128x64xf32, #tpu.memory_space<vmem>>, vector<1x1x16xf32>,
        %get3A_800 = arith.constant 1 : i32
        %get3A_801 = arith.index_cast %get3A_800 : i32 to index
        %get3A_802 = arith.index_cast %scan3A_783 : i32 to index
        %get3A_803 = arith.constant 16 : index
        %get3A_804 = tpu.vector_load %arg6[%get3A_801, %get3A_802, %get3A_803] {strides = array<i32>} : memref<4x128x64xf32, #tpu.memory_space<vmem>>, vector<1x1x16xf32>,
        %get3A_805 = vector.shape_cast %get3A_804 : vector<1x1x16xf32> to vector<16xf32>
        %mul3A_806 = arith.constant 8.000000e+00 : f32
        %mul3A_807 = vector.broadcast %mul3A_806 : f32 to vector<16xf32>
        %mul3A_808 = arith.mulf %get3A_805, %mul3A_807 : vector<16xf32>
        %swap3A_809 = arith.constant 1 : i32
        %swap3A_810 = arith.index_cast %swap3A_809 : i32 to index
        %swap3A_811 = arith.index_cast %scan3A_783 : i32 to index
        %swap3A_812 = arith.constant 16 : index
        %swap3A_813 = tpu.vector_load %arg7[%swap3A_810, %swap3A_811, %swap3A_812] {strides = array<i32>} : memref<4x128x64xf32, #tpu.memory_space<vmem>>, vector<1x1x16xf32>,
        %swap3A_814 = vector.shape_cast %swap3A_813 : vector<1x1x16xf32> to vector<16xf32>
        %swap3A_815 = vector.shape_cast %mul3A_808 : vector<16xf32> to vector<1x1x16xf32>
        tpu.vector_store %arg7[%swap3A_810, %swap3A_811, %swap3A_812], %swap3A_815 {strides = array<i32>} : memref<4x128x64xf32, #tpu.memory_space<vmem>>, vector<1x1x16xf32>,
        %get3A_816 = arith.constant 1 : i32
        %get3A_817 = arith.index_cast %get3A_816 : i32 to index
        %get3A_818 = arith.index_cast %scan3A_783 : i32 to index
        %get3A_819 = arith.constant 32 : index
        %get3A_820 = tpu.vector_load %arg6[%get3A_817, %get3A_818, %get3A_819] {strides = array<i32>} : memref<4x128x64xf32, #tpu.memory_space<vmem>>, vector<1x1x16xf32>,
        %get3A_821 = vector.shape_cast %get3A_820 : vector<1x1x16xf32> to vector<16xf32>
        %mul3A_822 = arith.constant 8.000000e+00 : f32
        %mul3A_823 = vector.broadcast %mul3A_822 : f32 to vector<16xf32>
        %mul3A_824 = arith.mulf %get3A_821, %mul3A_823 : vector<16xf32>
        %swap3A_825 = arith.constant 1 : i32
        %swap3A_826 = arith.index_cast %swap3A_825 : i32 to index
        %swap3A_827 = arith.index_cast %scan3A_783 : i32 to index
        %swap3A_828 = arith.constant 32 : index
        %swap3A_829 = tpu.vector_load %arg7[%swap3A_826, %swap3A_827, %swap3A_828] {strides = array<i32>} : memref<4x128x64xf32, #tpu.memory_space<vmem>>, vector<1x1x16xf32>,
        %swap3A_830 = vector.shape_cast %swap3A_829 : vector<1x1x16xf32> to vector<16xf32>
        %swap3A_831 = vector.shape_cast %mul3A_824 : vector<16xf32> to vector<1x1x16xf32>
        tpu.vector_store %arg7[%swap3A_826, %swap3A_827, %swap3A_828], %swap3A_831 {strides = array<i32>} : memref<4x128x64xf32, #tpu.memory_space<vmem>>, vector<1x1x16xf32>,
        %get3A_832 = arith.constant 1 : i32
        %get3A_833 = arith.index_cast %get3A_832 : i32 to index
        %get3A_834 = arith.index_cast %scan3A_783 : i32 to index
        %get3A_835 = arith.constant 48 : index
        %get3A_836 = tpu.vector_load %arg6[%get3A_833, %get3A_834, %get3A_835] {strides = array<i32>} : memref<4x128x64xf32, #tpu.memory_space<vmem>>, vector<1x1x16xf32>,
        %get3A_837 = vector.shape_cast %get3A_836 : vector<1x1x16xf32> to vector<16xf32>
        %mul3A_838 = arith.constant 8.000000e+00 : f32
        %mul3A_839 = vector.broadcast %mul3A_838 : f32 to vector<16xf32>
        %mul3A_840 = arith.mulf %get3A_837, %mul3A_839 : vector<16xf32>
        %swap3A_841 = arith.constant 1 : i32
        %swap3A_842 = arith.index_cast %swap3A_841 : i32 to index
        %swap3A_843 = arith.index_cast %scan3A_783 : i32 to index
        %swap3A_844 = arith.constant 48 : index
        %swap3A_845 = tpu.vector_load %arg7[%swap3A_842, %swap3A_843, %swap3A_844] {strides = array<i32>} : memref<4x128x64xf32, #tpu.memory_space<vmem>>, vector<1x1x16xf32>,
        %swap3A_846 = vector.shape_cast %swap3A_845 : vector<1x1x16xf32> to vector<16xf32>
        %swap3A_847 = vector.shape_cast %mul3A_840 : vector<16xf32> to vector<1x1x16xf32>
        tpu.vector_store %arg7[%swap3A_842, %swap3A_843, %swap3A_844], %swap3A_847 {strides = array<i32>} : memref<4x128x64xf32, #tpu.memory_space<vmem>>, vector<1x1x16xf32>,
      }
      %scan3A_201 = arith.constant 128 : i32
      %mul3A_202 = arith.constant 128 : i32
      %mul3A_203 = arith.muli %add3A_179, %mul3A_202 : i32
      %add3A_204 = arith.addi %mul3A_2, %mul3A_203 : i32
      %dma_start3A_205 = arith.constant 1 : i32
      %dma_start3A_206 = arith.constant 0 : i32
      %dma_start3A_207 = arith.constant 0 : i32
      %dma_start3A_208 = tpu.memref_slice %arg7[%dma_start3A_205, %dma_start3A_206, %dma_start3A_207] : memref<4x128x64xf32, #tpu.memory_space<vmem>> -> memref<1x128x64xf32, #tpu.memory_space<vmem>>
      %dma_start3A_209 = tpu.memref_squeeze %dma_start3A_208 : memref<1x128x64xf32, #tpu.memory_space<vmem>> -> memref<128x64xf32, #tpu.memory_space<vmem>>
      %dma_start3A_210 = arith.constant 0 : i32
      %dma_start3A_211 = tpu.memref_slice %arg4[%add3A_204, %dma_start3A_210] : memref<819200x64xf32, #tpu.memory_space<hbm>> -> memref<128x64xf32, #tpu.memory_space<hbm>>
      %dma_start3A_212 = arith.constant 0 : i32
      %dma_start3A_213 = tpu.memref_slice %arg4[%add3A_204, %dma_start3A_212] : memref<819200x64xf32, #tpu.memory_space<hbm>> -> memref<128x64xf32, #tpu.memory_space<hbm>>
      %dma_start3A_214 = arith.constant 0 : i32
      %dma_start3A_215 = arith.constant 0 : i32
      %dma_start3A_216 = tpu.memref_slice %arg7[%dma_start3A_205, %dma_start3A_214, %dma_start3A_215] : memref<4x128x64xf32, #tpu.memory_space<vmem>> -> memref<1x128x64xf32, #tpu.memory_space<vmem>>
      %dma_start3A_217 = tpu.memref_squeeze %dma_start3A_216 : memref<1x128x64xf32, #tpu.memory_space<vmem>> -> memref<128x64xf32, #tpu.memory_space<vmem>>
      tpu.enqueue_dma source(%dma_start3A_217 : memref<128x64xf32, #tpu.memory_space<vmem>>) target(%dma_start3A_213 : memref<128x64xf32, #tpu.memory_space<hbm>>) target_semaphore(%arg14 : memref<!tpu.dma_semaphore, #tpu.memory_space<semaphore_mem>>)
      %add3A_218 = arith.constant 4 : i32
      %add3A_219 = arith.addi %add3A_179, %add3A_218 : i32
      %lt3A_220 = arith.constant 200 : i32
      %lt3A_221 = arith.cmpi slt, %add3A_219, %lt3A_220 : i32
      %convert_element_type3A_222 = arith.extui %lt3A_221 : i1 to i32
      %cond3A_223 = arith.constant 0 : i32
      %cond3A_224 = arith.cmpi ne, %convert_element_type3A_222, %cond3A_223 : i32
      scf.if %cond3A_224 {
        %add3A_323 = arith.constant 4 : i32
        %add3A_324 = arith.addi %add3A_179, %add3A_323 : i32
        %dma_start3A_325 = arith.constant 1 : i32
        %dma_start3A_326 = arith.constant 0 : i32
        %dma_start3A_327 = arith.constant 0 : i32
        %dma_start3A_328 = tpu.memref_slice %arg6[%dma_start3A_325, %dma_start3A_326, %dma_start3A_327] : memref<4x128x64xf32, #tpu.memory_space<vmem>> -> memref<1x128x64xf32, #tpu.memory_space<vmem>>
        %dma_start3A_329 = tpu.memref_squeeze %dma_start3A_328 : memref<1x128x64xf32, #tpu.memory_space<vmem>> -> memref<128x64xf32, #tpu.memory_space<vmem>>
        %dma_start3A_330 = arith.constant 0 : i32
        %dma_start3A_331 = tpu.memref_slice %arg5[%add3A_324, %dma_start3A_330] : memref<200x128xi32, #tpu.memory_space<vmem>> -> memref<1x128xi32, #tpu.memory_space<vmem>>
        %dma_start3A_332 = tpu.memref_squeeze %dma_start3A_331 : memref<1x128xi32, #tpu.memory_space<vmem>> -> memref<128xi32, #tpu.memory_space<vmem>>
        %dma_start3A_333 = arith.constant 0 : i32
        %dma_start3A_334 = arith.constant 0 : i32
        %dma_start3A_335 = tpu.memref_slice %arg3[%dma_start3A_333, %dma_start3A_334] : memref<1000000x64xf32, #tpu.memory_space<hbm>> -> memref<1000000x64xf32, #tpu.memory_space<hbm>>
        tpu.enqueue_indirect_dma source(%dma_start3A_335 : memref<1000000x64xf32, #tpu.memory_space<hbm>>) target(%dma_start3A_329 : memref<128x64xf32, #tpu.memory_space<vmem>>) offsets(%dma_start3A_332 : memref<128xi32, #tpu.memory_space<vmem>>) semaphore(%arg10 : memref<!tpu.dma_semaphore, #tpu.memory_space<semaphore_mem>>)
      } else {
      }
      %mul3A_225 = arith.constant 4 : i32
      %mul3A_226 = arith.muli %scan3A_130, %mul3A_225 : i32
      %add3A_227 = arith.constant 2 : i32
      %add3A_228 = arith.addi %mul3A_226, %add3A_227 : i32
      %dma_wait3A_229 = arith.constant 2 : i32
      %dma_wait3A_230 = arith.constant 0 : i32
      %dma_wait3A_231 = arith.constant 0 : i32
      %dma_wait3A_232 = tpu.memref_slice %arg6[%dma_wait3A_229, %dma_wait3A_230, %dma_wait3A_231] : memref<4x128x64xf32, #tpu.memory_space<vmem>> -> memref<1x128x64xf32, #tpu.memory_space<vmem>>
      %dma_wait3A_233 = tpu.memref_squeeze %dma_wait3A_232 : memref<1x128x64xf32, #tpu.memory_space<vmem>> -> memref<128x64xf32, #tpu.memory_space<vmem>>
      %dma_wait3A_234 = arith.constant 0 : i32
      %dma_wait3A_235 = tpu.memref_slice %arg5[%add3A_228, %dma_wait3A_234] : memref<200x128xi32, #tpu.memory_space<vmem>> -> memref<1x128xi32, #tpu.memory_space<vmem>>
      %dma_wait3A_236 = tpu.memref_squeeze %dma_wait3A_235 : memref<1x128xi32, #tpu.memory_space<vmem>> -> memref<128xi32, #tpu.memory_space<vmem>>
      %dma_wait3A_237 = arith.constant 0 : i32
      %dma_wait3A_238 = arith.constant 0 : i32
      %dma_wait3A_239 = tpu.memref_slice %arg3[%dma_wait3A_237, %dma_wait3A_238] : memref<1000000x64xf32, #tpu.memory_space<hbm>> -> memref<1000000x64xf32, #tpu.memory_space<hbm>>
      tpu.wait_indirect_dma semaphore(%arg11 : memref<!tpu.dma_semaphore, #tpu.memory_space<semaphore_mem>>) src(%dma_wait3A_239 : memref<1000000x64xf32, #tpu.memory_space<hbm>>) dst(%dma_wait3A_233 : memref<128x64xf32, #tpu.memory_space<vmem>>)
      %gt3A_240 = arith.constant 0 : i32
      %gt3A_241 = arith.cmpi sgt, %scan3A_130, %gt3A_240 : i32
      %convert_element_type3A_242 = arith.extui %gt3A_241 : i1 to i32
      %cond3A_243 = arith.constant 0 : i32
      %cond3A_244 = arith.cmpi ne, %convert_element_type3A_242, %cond3A_243 : i32
      scf.if %cond3A_244 {
        %sub3A = arith.constant 4 : i32
        %sub3A_323 = arith.subi %add3A_228, %sub3A : i32
        %mul3A_324 = arith.constant 128 : i32
        %mul3A_325 = arith.muli %sub3A_323, %mul3A_324 : i32
        %add3A_326 = arith.addi %mul3A_2, %mul3A_325 : i32
        %dma_wait3A_327 = arith.constant 2 : i32
        %dma_wait3A_328 = arith.constant 0 : i32
        %dma_wait3A_329 = arith.constant 0 : i32
        %dma_wait3A_330 = tpu.memref_slice %arg7[%dma_wait3A_327, %dma_wait3A_328, %dma_wait3A_329] : memref<4x128x64xf32, #tpu.memory_space<vmem>> -> memref<1x128x64xf32, #tpu.memory_space<vmem>>
        %dma_wait3A_331 = tpu.memref_squeeze %dma_wait3A_330 : memref<1x128x64xf32, #tpu.memory_space<vmem>> -> memref<128x64xf32, #tpu.memory_space<vmem>>
        %dma_wait3A_332 = arith.constant 0 : i32
        %dma_wait3A_333 = tpu.memref_slice %arg4[%add3A_326, %dma_wait3A_332] : memref<819200x64xf32, #tpu.memory_space<hbm>> -> memref<128x64xf32, #tpu.memory_space<hbm>>
        %dma_wait3A_334 = arith.constant 0 : i32
        %dma_wait3A_335 = tpu.memref_slice %arg4[%add3A_326, %dma_wait3A_334] : memref<819200x64xf32, #tpu.memory_space<hbm>> -> memref<128x64xf32, #tpu.memory_space<hbm>>
        %dma_wait3A_336 = arith.constant 0 : i32
        %dma_wait3A_337 = arith.constant 0 : i32
        %dma_wait3A_338 = tpu.memref_slice %arg7[%dma_wait3A_327, %dma_wait3A_336, %dma_wait3A_337] : memref<4x128x64xf32, #tpu.memory_space<vmem>> -> memref<1x128x64xf32, #tpu.memory_space<vmem>>
        %dma_wait3A_339 = tpu.memref_squeeze %dma_wait3A_338 : memref<1x128x64xf32, #tpu.memory_space<vmem>> -> memref<128x64xf32, #tpu.memory_space<vmem>>
        tpu.wait_dma2 semaphore(%arg15 : memref<!tpu.dma_semaphore, #tpu.memory_space<semaphore_mem>>) src(%dma_wait3A_339 : memref<128x64xf32, #tpu.memory_space<vmem>>) dst(%dma_wait3A_335 : memref<128x64xf32, #tpu.memory_space<hbm>>)
      } else {
      }
      %scan3A_245 = arith.constant 0 : i32
      %scan3A_246 = arith.constant 0 : i32
      %scan3A_247 = arith.constant 128 : i32
      %scan3A_248 = arith.addi %scan3A_246, %scan3A_247 : i32
      %scan3A_249 = arith.constant 8 : i32
      scf.for %scan3A_323 = %scan3A_246 to %scan3A_248 step %scan3A_249  : i32 {
        %get3A = arith.constant 2 : i32
        %get3A_324 = arith.index_cast %get3A : i32 to index
        %get3A_325 = arith.index_cast %scan3A_323 : i32 to index
        %get3A_326 = arith.constant 0 : index
        %get3A_327 = tpu.vector_load %arg6[%get3A_324, %get3A_325, %get3A_326] {strides = array<i32>} : memref<4x128x64xf32, #tpu.memory_space<vmem>>, vector<1x1x16xf32>,
        %get3A_328 = vector.shape_cast %get3A_327 : vector<1x1x16xf32> to vector<16xf32>
        %mul3A_329 = arith.constant 8.000000e+00 : f32
        %mul3A_330 = vector.broadcast %mul3A_329 : f32 to vector<16xf32>
        %mul3A_331 = arith.mulf %get3A_328, %mul3A_330 : vector<16xf32>
        %swap3A = arith.constant 2 : i32
        %swap3A_332 = arith.index_cast %swap3A : i32 to index
        %swap3A_333 = arith.index_cast %scan3A_323 : i32 to index
        %swap3A_334 = arith.constant 0 : index
        %swap3A_335 = tpu.vector_load %arg7[%swap3A_332, %swap3A_333, %swap3A_334] {strides = array<i32>} : memref<4x128x64xf32, #tpu.memory_space<vmem>>, vector<1x1x16xf32>,
        %swap3A_336 = vector.shape_cast %swap3A_335 : vector<1x1x16xf32> to vector<16xf32>
        %swap3A_337 = vector.shape_cast %mul3A_331 : vector<16xf32> to vector<1x1x16xf32>
        tpu.vector_store %arg7[%swap3A_332, %swap3A_333, %swap3A_334], %swap3A_337 {strides = array<i32>} : memref<4x128x64xf32, #tpu.memory_space<vmem>>, vector<1x1x16xf32>,
        %get3A_338 = arith.constant 2 : i32
        %get3A_339 = arith.index_cast %get3A_338 : i32 to index
        %get3A_340 = arith.index_cast %scan3A_323 : i32 to index
        %get3A_341 = arith.constant 16 : index
        %get3A_342 = tpu.vector_load %arg6[%get3A_339, %get3A_340, %get3A_341] {strides = array<i32>} : memref<4x128x64xf32, #tpu.memory_space<vmem>>, vector<1x1x16xf32>,
        %get3A_343 = vector.shape_cast %get3A_342 : vector<1x1x16xf32> to vector<16xf32>
        %mul3A_344 = arith.constant 8.000000e+00 : f32
        %mul3A_345 = vector.broadcast %mul3A_344 : f32 to vector<16xf32>
        %mul3A_346 = arith.mulf %get3A_343, %mul3A_345 : vector<16xf32>
        %swap3A_347 = arith.constant 2 : i32
        %swap3A_348 = arith.index_cast %swap3A_347 : i32 to index
        %swap3A_349 = arith.index_cast %scan3A_323 : i32 to index
        %swap3A_350 = arith.constant 16 : index
        %swap3A_351 = tpu.vector_load %arg7[%swap3A_348, %swap3A_349, %swap3A_350] {strides = array<i32>} : memref<4x128x64xf32, #tpu.memory_space<vmem>>, vector<1x1x16xf32>,
        %swap3A_352 = vector.shape_cast %swap3A_351 : vector<1x1x16xf32> to vector<16xf32>
        %swap3A_353 = vector.shape_cast %mul3A_346 : vector<16xf32> to vector<1x1x16xf32>
        tpu.vector_store %arg7[%swap3A_348, %swap3A_349, %swap3A_350], %swap3A_353 {strides = array<i32>} : memref<4x128x64xf32, #tpu.memory_space<vmem>>, vector<1x1x16xf32>,
        %get3A_354 = arith.constant 2 : i32
        %get3A_355 = arith.index_cast %get3A_354 : i32 to index
        %get3A_356 = arith.index_cast %scan3A_323 : i32 to index
        %get3A_357 = arith.constant 32 : index
        %get3A_358 = tpu.vector_load %arg6[%get3A_355, %get3A_356, %get3A_357] {strides = array<i32>} : memref<4x128x64xf32, #tpu.memory_space<vmem>>, vector<1x1x16xf32>,
        %get3A_359 = vector.shape_cast %get3A_358 : vector<1x1x16xf32> to vector<16xf32>
        %mul3A_360 = arith.constant 8.000000e+00 : f32
        %mul3A_361 = vector.broadcast %mul3A_360 : f32 to vector<16xf32>
        %mul3A_362 = arith.mulf %get3A_359, %mul3A_361 : vector<16xf32>
        %swap3A_363 = arith.constant 2 : i32
        %swap3A_364 = arith.index_cast %swap3A_363 : i32 to index
        %swap3A_365 = arith.index_cast %scan3A_323 : i32 to index
        %swap3A_366 = arith.constant 32 : index
        %swap3A_367 = tpu.vector_load %arg7[%swap3A_364, %swap3A_365, %swap3A_366] {strides = array<i32>} : memref<4x128x64xf32, #tpu.memory_space<vmem>>, vector<1x1x16xf32>,
        %swap3A_368 = vector.shape_cast %swap3A_367 : vector<1x1x16xf32> to vector<16xf32>
        %swap3A_369 = vector.shape_cast %mul3A_362 : vector<16xf32> to vector<1x1x16xf32>
        tpu.vector_store %arg7[%swap3A_364, %swap3A_365, %swap3A_366], %swap3A_369 {strides = array<i32>} : memref<4x128x64xf32, #tpu.memory_space<vmem>>, vector<1x1x16xf32>,
        %get3A_370 = arith.constant 2 : i32
        %get3A_371 = arith.index_cast %get3A_370 : i32 to index
        %get3A_372 = arith.index_cast %scan3A_323 : i32 to index
        %get3A_373 = arith.constant 48 : index
        %get3A_374 = tpu.vector_load %arg6[%get3A_371, %get3A_372, %get3A_373] {strides = array<i32>} : memref<4x128x64xf32, #tpu.memory_space<vmem>>, vector<1x1x16xf32>,
        %get3A_375 = vector.shape_cast %get3A_374 : vector<1x1x16xf32> to vector<16xf32>
        %mul3A_376 = arith.constant 8.000000e+00 : f32
        %mul3A_377 = vector.broadcast %mul3A_376 : f32 to vector<16xf32>
        %mul3A_378 = arith.mulf %get3A_375, %mul3A_377 : vector<16xf32>
        %swap3A_379 = arith.constant 2 : i32
        %swap3A_380 = arith.index_cast %swap3A_379 : i32 to index
        %swap3A_381 = arith.index_cast %scan3A_323 : i32 to index
        %swap3A_382 = arith.constant 48 : index
        %swap3A_383 = tpu.vector_load %arg7[%swap3A_380, %swap3A_381, %swap3A_382] {strides = array<i32>} : memref<4x128x64xf32, #tpu.memory_space<vmem>>, vector<1x1x16xf32>,
        %swap3A_384 = vector.shape_cast %swap3A_383 : vector<1x1x16xf32> to vector<16xf32>
        %swap3A_385 = vector.shape_cast %mul3A_378 : vector<16xf32> to vector<1x1x16xf32>
        tpu.vector_store %arg7[%swap3A_380, %swap3A_381, %swap3A_382], %swap3A_385 {strides = array<i32>} : memref<4x128x64xf32, #tpu.memory_space<vmem>>, vector<1x1x16xf32>,
        %scan3A_386 = arith.constant 1 : i32
        %scan3A_387 = arith.addi %scan3A_323, %scan3A_386 : i32
        %get3A_388 = arith.constant 2 : i32
        %get3A_389 = arith.index_cast %get3A_388 : i32 to index
        %get3A_390 = arith.index_cast %scan3A_387 : i32 to index
        %get3A_391 = arith.constant 0 : index
        %get3A_392 = tpu.vector_load %arg6[%get3A_389, %get3A_390, %get3A_391] {strides = array<i32>} : memref<4x128x64xf32, #tpu.memory_space<vmem>>, vector<1x1x16xf32>,
        %get3A_393 = vector.shape_cast %get3A_392 : vector<1x1x16xf32> to vector<16xf32>
        %mul3A_394 = arith.constant 8.000000e+00 : f32
        %mul3A_395 = vector.broadcast %mul3A_394 : f32 to vector<16xf32>
        %mul3A_396 = arith.mulf %get3A_393, %mul3A_395 : vector<16xf32>
        %swap3A_397 = arith.constant 2 : i32
        %swap3A_398 = arith.index_cast %swap3A_397 : i32 to index
        %swap3A_399 = arith.index_cast %scan3A_387 : i32 to index
        %swap3A_400 = arith.constant 0 : index
        %swap3A_401 = tpu.vector_load %arg7[%swap3A_398, %swap3A_399, %swap3A_400] {strides = array<i32>} : memref<4x128x64xf32, #tpu.memory_space<vmem>>, vector<1x1x16xf32>,
        %swap3A_402 = vector.shape_cast %swap3A_401 : vector<1x1x16xf32> to vector<16xf32>
        %swap3A_403 = vector.shape_cast %mul3A_396 : vector<16xf32> to vector<1x1x16xf32>
        tpu.vector_store %arg7[%swap3A_398, %swap3A_399, %swap3A_400], %swap3A_403 {strides = array<i32>} : memref<4x128x64xf32, #tpu.memory_space<vmem>>, vector<1x1x16xf32>,
        %get3A_404 = arith.constant 2 : i32
        %get3A_405 = arith.index_cast %get3A_404 : i32 to index
        %get3A_406 = arith.index_cast %scan3A_387 : i32 to index
        %get3A_407 = arith.constant 16 : index
        %get3A_408 = tpu.vector_load %arg6[%get3A_405, %get3A_406, %get3A_407] {strides = array<i32>} : memref<4x128x64xf32, #tpu.memory_space<vmem>>, vector<1x1x16xf32>,
        %get3A_409 = vector.shape_cast %get3A_408 : vector<1x1x16xf32> to vector<16xf32>
        %mul3A_410 = arith.constant 8.000000e+00 : f32
        %mul3A_411 = vector.broadcast %mul3A_410 : f32 to vector<16xf32>
        %mul3A_412 = arith.mulf %get3A_409, %mul3A_411 : vector<16xf32>
        %swap3A_413 = arith.constant 2 : i32
        %swap3A_414 = arith.index_cast %swap3A_413 : i32 to index
        %swap3A_415 = arith.index_cast %scan3A_387 : i32 to index
        %swap3A_416 = arith.constant 16 : index
        %swap3A_417 = tpu.vector_load %arg7[%swap3A_414, %swap3A_415, %swap3A_416] {strides = array<i32>} : memref<4x128x64xf32, #tpu.memory_space<vmem>>, vector<1x1x16xf32>,
        %swap3A_418 = vector.shape_cast %swap3A_417 : vector<1x1x16xf32> to vector<16xf32>
        %swap3A_419 = vector.shape_cast %mul3A_412 : vector<16xf32> to vector<1x1x16xf32>
        tpu.vector_store %arg7[%swap3A_414, %swap3A_415, %swap3A_416], %swap3A_419 {strides = array<i32>} : memref<4x128x64xf32, #tpu.memory_space<vmem>>, vector<1x1x16xf32>,
        %get3A_420 = arith.constant 2 : i32
        %get3A_421 = arith.index_cast %get3A_420 : i32 to index
        %get3A_422 = arith.index_cast %scan3A_387 : i32 to index
        %get3A_423 = arith.constant 32 : index
        %get3A_424 = tpu.vector_load %arg6[%get3A_421, %get3A_422, %get3A_423] {strides = array<i32>} : memref<4x128x64xf32, #tpu.memory_space<vmem>>, vector<1x1x16xf32>,
        %get3A_425 = vector.shape_cast %get3A_424 : vector<1x1x16xf32> to vector<16xf32>
        %mul3A_426 = arith.constant 8.000000e+00 : f32
        %mul3A_427 = vector.broadcast %mul3A_426 : f32 to vector<16xf32>
        %mul3A_428 = arith.mulf %get3A_425, %mul3A_427 : vector<16xf32>
        %swap3A_429 = arith.constant 2 : i32
        %swap3A_430 = arith.index_cast %swap3A_429 : i32 to index
        %swap3A_431 = arith.index_cast %scan3A_387 : i32 to index
        %swap3A_432 = arith.constant 32 : index
        %swap3A_433 = tpu.vector_load %arg7[%swap3A_430, %swap3A_431, %swap3A_432] {strides = array<i32>} : memref<4x128x64xf32, #tpu.memory_space<vmem>>, vector<1x1x16xf32>,
        %swap3A_434 = vector.shape_cast %swap3A_433 : vector<1x1x16xf32> to vector<16xf32>
        %swap3A_435 = vector.shape_cast %mul3A_428 : vector<16xf32> to vector<1x1x16xf32>
        tpu.vector_store %arg7[%swap3A_430, %swap3A_431, %swap3A_432], %swap3A_435 {strides = array<i32>} : memref<4x128x64xf32, #tpu.memory_space<vmem>>, vector<1x1x16xf32>,
        %get3A_436 = arith.constant 2 : i32
        %get3A_437 = arith.index_cast %get3A_436 : i32 to index
        %get3A_438 = arith.index_cast %scan3A_387 : i32 to index
        %get3A_439 = arith.constant 48 : index
        %get3A_440 = tpu.vector_load %arg6[%get3A_437, %get3A_438, %get3A_439] {strides = array<i32>} : memref<4x128x64xf32, #tpu.memory_space<vmem>>, vector<1x1x16xf32>,
        %get3A_441 = vector.shape_cast %get3A_440 : vector<1x1x16xf32> to vector<16xf32>
        %mul3A_442 = arith.constant 8.000000e+00 : f32
        %mul3A_443 = vector.broadcast %mul3A_442 : f32 to vector<16xf32>
        %mul3A_444 = arith.mulf %get3A_441, %mul3A_443 : vector<16xf32>
        %swap3A_445 = arith.constant 2 : i32
        %swap3A_446 = arith.index_cast %swap3A_445 : i32 to index
        %swap3A_447 = arith.index_cast %scan3A_387 : i32 to index
        %swap3A_448 = arith.constant 48 : index
        %swap3A_449 = tpu.vector_load %arg7[%swap3A_446, %swap3A_447, %swap3A_448] {strides = array<i32>} : memref<4x128x64xf32, #tpu.memory_space<vmem>>, vector<1x1x16xf32>,
        %swap3A_450 = vector.shape_cast %swap3A_449 : vector<1x1x16xf32> to vector<16xf32>
        %swap3A_451 = vector.shape_cast %mul3A_444 : vector<16xf32> to vector<1x1x16xf32>
        tpu.vector_store %arg7[%swap3A_446, %swap3A_447, %swap3A_448], %swap3A_451 {strides = array<i32>} : memref<4x128x64xf32, #tpu.memory_space<vmem>>, vector<1x1x16xf32>,
        %scan3A_452 = arith.constant 2 : i32
        %scan3A_453 = arith.addi %scan3A_323, %scan3A_452 : i32
        %get3A_454 = arith.constant 2 : i32
        %get3A_455 = arith.index_cast %get3A_454 : i32 to index
        %get3A_456 = arith.index_cast %scan3A_453 : i32 to index
        %get3A_457 = arith.constant 0 : index
        %get3A_458 = tpu.vector_load %arg6[%get3A_455, %get3A_456, %get3A_457] {strides = array<i32>} : memref<4x128x64xf32, #tpu.memory_space<vmem>>, vector<1x1x16xf32>,
        %get3A_459 = vector.shape_cast %get3A_458 : vector<1x1x16xf32> to vector<16xf32>
        %mul3A_460 = arith.constant 8.000000e+00 : f32
        %mul3A_461 = vector.broadcast %mul3A_460 : f32 to vector<16xf32>
        %mul3A_462 = arith.mulf %get3A_459, %mul3A_461 : vector<16xf32>
        %swap3A_463 = arith.constant 2 : i32
        %swap3A_464 = arith.index_cast %swap3A_463 : i32 to index
        %swap3A_465 = arith.index_cast %scan3A_453 : i32 to index
        %swap3A_466 = arith.constant 0 : index
        %swap3A_467 = tpu.vector_load %arg7[%swap3A_464, %swap3A_465, %swap3A_466] {strides = array<i32>} : memref<4x128x64xf32, #tpu.memory_space<vmem>>, vector<1x1x16xf32>,
        %swap3A_468 = vector.shape_cast %swap3A_467 : vector<1x1x16xf32> to vector<16xf32>
        %swap3A_469 = vector.shape_cast %mul3A_462 : vector<16xf32> to vector<1x1x16xf32>
        tpu.vector_store %arg7[%swap3A_464, %swap3A_465, %swap3A_466], %swap3A_469 {strides = array<i32>} : memref<4x128x64xf32, #tpu.memory_space<vmem>>, vector<1x1x16xf32>,
        %get3A_470 = arith.constant 2 : i32
        %get3A_471 = arith.index_cast %get3A_470 : i32 to index
        %get3A_472 = arith.index_cast %scan3A_453 : i32 to index
        %get3A_473 = arith.constant 16 : index
        %get3A_474 = tpu.vector_load %arg6[%get3A_471, %get3A_472, %get3A_473] {strides = array<i32>} : memref<4x128x64xf32, #tpu.memory_space<vmem>>, vector<1x1x16xf32>,
        %get3A_475 = vector.shape_cast %get3A_474 : vector<1x1x16xf32> to vector<16xf32>
        %mul3A_476 = arith.constant 8.000000e+00 : f32
        %mul3A_477 = vector.broadcast %mul3A_476 : f32 to vector<16xf32>
        %mul3A_478 = arith.mulf %get3A_475, %mul3A_477 : vector<16xf32>
        %swap3A_479 = arith.constant 2 : i32
        %swap3A_480 = arith.index_cast %swap3A_479 : i32 to index
        %swap3A_481 = arith.index_cast %scan3A_453 : i32 to index
        %swap3A_482 = arith.constant 16 : index
        %swap3A_483 = tpu.vector_load %arg7[%swap3A_480, %swap3A_481, %swap3A_482] {strides = array<i32>} : memref<4x128x64xf32, #tpu.memory_space<vmem>>, vector<1x1x16xf32>,
        %swap3A_484 = vector.shape_cast %swap3A_483 : vector<1x1x16xf32> to vector<16xf32>
        %swap3A_485 = vector.shape_cast %mul3A_478 : vector<16xf32> to vector<1x1x16xf32>
        tpu.vector_store %arg7[%swap3A_480, %swap3A_481, %swap3A_482], %swap3A_485 {strides = array<i32>} : memref<4x128x64xf32, #tpu.memory_space<vmem>>, vector<1x1x16xf32>,
        %get3A_486 = arith.constant 2 : i32
        %get3A_487 = arith.index_cast %get3A_486 : i32 to index
        %get3A_488 = arith.index_cast %scan3A_453 : i32 to index
        %get3A_489 = arith.constant 32 : index
        %get3A_490 = tpu.vector_load %arg6[%get3A_487, %get3A_488, %get3A_489] {strides = array<i32>} : memref<4x128x64xf32, #tpu.memory_space<vmem>>, vector<1x1x16xf32>,
        %get3A_491 = vector.shape_cast %get3A_490 : vector<1x1x16xf32> to vector<16xf32>
        %mul3A_492 = arith.constant 8.000000e+00 : f32
        %mul3A_493 = vector.broadcast %mul3A_492 : f32 to vector<16xf32>
        %mul3A_494 = arith.mulf %get3A_491, %mul3A_493 : vector<16xf32>
        %swap3A_495 = arith.constant 2 : i32
        %swap3A_496 = arith.index_cast %swap3A_495 : i32 to index
        %swap3A_497 = arith.index_cast %scan3A_453 : i32 to index
        %swap3A_498 = arith.constant 32 : index
        %swap3A_499 = tpu.vector_load %arg7[%swap3A_496, %swap3A_497, %swap3A_498] {strides = array<i32>} : memref<4x128x64xf32, #tpu.memory_space<vmem>>, vector<1x1x16xf32>,
        %swap3A_500 = vector.shape_cast %swap3A_499 : vector<1x1x16xf32> to vector<16xf32>
        %swap3A_501 = vector.shape_cast %mul3A_494 : vector<16xf32> to vector<1x1x16xf32>
        tpu.vector_store %arg7[%swap3A_496, %swap3A_497, %swap3A_498], %swap3A_501 {strides = array<i32>} : memref<4x128x64xf32, #tpu.memory_space<vmem>>, vector<1x1x16xf32>,
        %get3A_502 = arith.constant 2 : i32
        %get3A_503 = arith.index_cast %get3A_502 : i32 to index
        %get3A_504 = arith.index_cast %scan3A_453 : i32 to index
        %get3A_505 = arith.constant 48 : index
        %get3A_506 = tpu.vector_load %arg6[%get3A_503, %get3A_504, %get3A_505] {strides = array<i32>} : memref<4x128x64xf32, #tpu.memory_space<vmem>>, vector<1x1x16xf32>,
        %get3A_507 = vector.shape_cast %get3A_506 : vector<1x1x16xf32> to vector<16xf32>
        %mul3A_508 = arith.constant 8.000000e+00 : f32
        %mul3A_509 = vector.broadcast %mul3A_508 : f32 to vector<16xf32>
        %mul3A_510 = arith.mulf %get3A_507, %mul3A_509 : vector<16xf32>
        %swap3A_511 = arith.constant 2 : i32
        %swap3A_512 = arith.index_cast %swap3A_511 : i32 to index
        %swap3A_513 = arith.index_cast %scan3A_453 : i32 to index
        %swap3A_514 = arith.constant 48 : index
        %swap3A_515 = tpu.vector_load %arg7[%swap3A_512, %swap3A_513, %swap3A_514] {strides = array<i32>} : memref<4x128x64xf32, #tpu.memory_space<vmem>>, vector<1x1x16xf32>,
        %swap3A_516 = vector.shape_cast %swap3A_515 : vector<1x1x16xf32> to vector<16xf32>
        %swap3A_517 = vector.shape_cast %mul3A_510 : vector<16xf32> to vector<1x1x16xf32>
        tpu.vector_store %arg7[%swap3A_512, %swap3A_513, %swap3A_514], %swap3A_517 {strides = array<i32>} : memref<4x128x64xf32, #tpu.memory_space<vmem>>, vector<1x1x16xf32>,
        %scan3A_518 = arith.constant 3 : i32
        %scan3A_519 = arith.addi %scan3A_323, %scan3A_518 : i32
        %get3A_520 = arith.constant 2 : i32
        %get3A_521 = arith.index_cast %get3A_520 : i32 to index
        %get3A_522 = arith.index_cast %scan3A_519 : i32 to index
        %get3A_523 = arith.constant 0 : index
        %get3A_524 = tpu.vector_load %arg6[%get3A_521, %get3A_522, %get3A_523] {strides = array<i32>} : memref<4x128x64xf32, #tpu.memory_space<vmem>>, vector<1x1x16xf32>,
        %get3A_525 = vector.shape_cast %get3A_524 : vector<1x1x16xf32> to vector<16xf32>
        %mul3A_526 = arith.constant 8.000000e+00 : f32
        %mul3A_527 = vector.broadcast %mul3A_526 : f32 to vector<16xf32>
        %mul3A_528 = arith.mulf %get3A_525, %mul3A_527 : vector<16xf32>
        %swap3A_529 = arith.constant 2 : i32
        %swap3A_530 = arith.index_cast %swap3A_529 : i32 to index
        %swap3A_531 = arith.index_cast %scan3A_519 : i32 to index
        %swap3A_532 = arith.constant 0 : index
        %swap3A_533 = tpu.vector_load %arg7[%swap3A_530, %swap3A_531, %swap3A_532] {strides = array<i32>} : memref<4x128x64xf32, #tpu.memory_space<vmem>>, vector<1x1x16xf32>,
        %swap3A_534 = vector.shape_cast %swap3A_533 : vector<1x1x16xf32> to vector<16xf32>
        %swap3A_535 = vector.shape_cast %mul3A_528 : vector<16xf32> to vector<1x1x16xf32>
        tpu.vector_store %arg7[%swap3A_530, %swap3A_531, %swap3A_532], %swap3A_535 {strides = array<i32>} : memref<4x128x64xf32, #tpu.memory_space<vmem>>, vector<1x1x16xf32>,
        %get3A_536 = arith.constant 2 : i32
        %get3A_537 = arith.index_cast %get3A_536 : i32 to index
        %get3A_538 = arith.index_cast %scan3A_519 : i32 to index
        %get3A_539 = arith.constant 16 : index
        %get3A_540 = tpu.vector_load %arg6[%get3A_537, %get3A_538, %get3A_539] {strides = array<i32>} : memref<4x128x64xf32, #tpu.memory_space<vmem>>, vector<1x1x16xf32>,
        %get3A_541 = vector.shape_cast %get3A_540 : vector<1x1x16xf32> to vector<16xf32>
        %mul3A_542 = arith.constant 8.000000e+00 : f32
        %mul3A_543 = vector.broadcast %mul3A_542 : f32 to vector<16xf32>
        %mul3A_544 = arith.mulf %get3A_541, %mul3A_543 : vector<16xf32>
        %swap3A_545 = arith.constant 2 : i32
        %swap3A_546 = arith.index_cast %swap3A_545 : i32 to index
        %swap3A_547 = arith.index_cast %scan3A_519 : i32 to index
        %swap3A_548 = arith.constant 16 : index
        %swap3A_549 = tpu.vector_load %arg7[%swap3A_546, %swap3A_547, %swap3A_548] {strides = array<i32>} : memref<4x128x64xf32, #tpu.memory_space<vmem>>, vector<1x1x16xf32>,
        %swap3A_550 = vector.shape_cast %swap3A_549 : vector<1x1x16xf32> to vector<16xf32>
        %swap3A_551 = vector.shape_cast %mul3A_544 : vector<16xf32> to vector<1x1x16xf32>
        tpu.vector_store %arg7[%swap3A_546, %swap3A_547, %swap3A_548], %swap3A_551 {strides = array<i32>} : memref<4x128x64xf32, #tpu.memory_space<vmem>>, vector<1x1x16xf32>,
        %get3A_552 = arith.constant 2 : i32
        %get3A_553 = arith.index_cast %get3A_552 : i32 to index
        %get3A_554 = arith.index_cast %scan3A_519 : i32 to index
        %get3A_555 = arith.constant 32 : index
        %get3A_556 = tpu.vector_load %arg6[%get3A_553, %get3A_554, %get3A_555] {strides = array<i32>} : memref<4x128x64xf32, #tpu.memory_space<vmem>>, vector<1x1x16xf32>,
        %get3A_557 = vector.shape_cast %get3A_556 : vector<1x1x16xf32> to vector<16xf32>
        %mul3A_558 = arith.constant 8.000000e+00 : f32
        %mul3A_559 = vector.broadcast %mul3A_558 : f32 to vector<16xf32>
        %mul3A_560 = arith.mulf %get3A_557, %mul3A_559 : vector<16xf32>
        %swap3A_561 = arith.constant 2 : i32
        %swap3A_562 = arith.index_cast %swap3A_561 : i32 to index
        %swap3A_563 = arith.index_cast %scan3A_519 : i32 to index
        %swap3A_564 = arith.constant 32 : index
        %swap3A_565 = tpu.vector_load %arg7[%swap3A_562, %swap3A_563, %swap3A_564] {strides = array<i32>} : memref<4x128x64xf32, #tpu.memory_space<vmem>>, vector<1x1x16xf32>,
        %swap3A_566 = vector.shape_cast %swap3A_565 : vector<1x1x16xf32> to vector<16xf32>
        %swap3A_567 = vector.shape_cast %mul3A_560 : vector<16xf32> to vector<1x1x16xf32>
        tpu.vector_store %arg7[%swap3A_562, %swap3A_563, %swap3A_564], %swap3A_567 {strides = array<i32>} : memref<4x128x64xf32, #tpu.memory_space<vmem>>, vector<1x1x16xf32>,
        %get3A_568 = arith.constant 2 : i32
        %get3A_569 = arith.index_cast %get3A_568 : i32 to index
        %get3A_570 = arith.index_cast %scan3A_519 : i32 to index
        %get3A_571 = arith.constant 48 : index
        %get3A_572 = tpu.vector_load %arg6[%get3A_569, %get3A_570, %get3A_571] {strides = array<i32>} : memref<4x128x64xf32, #tpu.memory_space<vmem>>, vector<1x1x16xf32>,
        %get3A_573 = vector.shape_cast %get3A_572 : vector<1x1x16xf32> to vector<16xf32>
        %mul3A_574 = arith.constant 8.000000e+00 : f32
        %mul3A_575 = vector.broadcast %mul3A_574 : f32 to vector<16xf32>
        %mul3A_576 = arith.mulf %get3A_573, %mul3A_575 : vector<16xf32>
        %swap3A_577 = arith.constant 2 : i32
        %swap3A_578 = arith.index_cast %swap3A_577 : i32 to index
        %swap3A_579 = arith.index_cast %scan3A_519 : i32 to index
        %swap3A_580 = arith.constant 48 : index
        %swap3A_581 = tpu.vector_load %arg7[%swap3A_578, %swap3A_579, %swap3A_580] {strides = array<i32>} : memref<4x128x64xf32, #tpu.memory_space<vmem>>, vector<1x1x16xf32>,
        %swap3A_582 = vector.shape_cast %swap3A_581 : vector<1x1x16xf32> to vector<16xf32>
        %swap3A_583 = vector.shape_cast %mul3A_576 : vector<16xf32> to vector<1x1x16xf32>
        tpu.vector_store %arg7[%swap3A_578, %swap3A_579, %swap3A_580], %swap3A_583 {strides = array<i32>} : memref<4x128x64xf32, #tpu.memory_space<vmem>>, vector<1x1x16xf32>,
        %scan3A_584 = arith.constant 4 : i32
        %scan3A_585 = arith.addi %scan3A_323, %scan3A_584 : i32
        %get3A_586 = arith.constant 2 : i32
        %get3A_587 = arith.index_cast %get3A_586 : i32 to index
        %get3A_588 = arith.index_cast %scan3A_585 : i32 to index
        %get3A_589 = arith.constant 0 : index
        %get3A_590 = tpu.vector_load %arg6[%get3A_587, %get3A_588, %get3A_589] {strides = array<i32>} : memref<4x128x64xf32, #tpu.memory_space<vmem>>, vector<1x1x16xf32>,
        %get3A_591 = vector.shape_cast %get3A_590 : vector<1x1x16xf32> to vector<16xf32>
        %mul3A_592 = arith.constant 8.000000e+00 : f32
        %mul3A_593 = vector.broadcast %mul3A_592 : f32 to vector<16xf32>
        %mul3A_594 = arith.mulf %get3A_591, %mul3A_593 : vector<16xf32>
        %swap3A_595 = arith.constant 2 : i32
        %swap3A_596 = arith.index_cast %swap3A_595 : i32 to index
        %swap3A_597 = arith.index_cast %scan3A_585 : i32 to index
        %swap3A_598 = arith.constant 0 : index
        %swap3A_599 = tpu.vector_load %arg7[%swap3A_596, %swap3A_597, %swap3A_598] {strides = array<i32>} : memref<4x128x64xf32, #tpu.memory_space<vmem>>, vector<1x1x16xf32>,
        %swap3A_600 = vector.shape_cast %swap3A_599 : vector<1x1x16xf32> to vector<16xf32>
        %swap3A_601 = vector.shape_cast %mul3A_594 : vector<16xf32> to vector<1x1x16xf32>
        tpu.vector_store %arg7[%swap3A_596, %swap3A_597, %swap3A_598], %swap3A_601 {strides = array<i32>} : memref<4x128x64xf32, #tpu.memory_space<vmem>>, vector<1x1x16xf32>,
        %get3A_602 = arith.constant 2 : i32
        %get3A_603 = arith.index_cast %get3A_602 : i32 to index
        %get3A_604 = arith.index_cast %scan3A_585 : i32 to index
        %get3A_605 = arith.constant 16 : index
        %get3A_606 = tpu.vector_load %arg6[%get3A_603, %get3A_604, %get3A_605] {strides = array<i32>} : memref<4x128x64xf32, #tpu.memory_space<vmem>>, vector<1x1x16xf32>,
        %get3A_607 = vector.shape_cast %get3A_606 : vector<1x1x16xf32> to vector<16xf32>
        %mul3A_608 = arith.constant 8.000000e+00 : f32
        %mul3A_609 = vector.broadcast %mul3A_608 : f32 to vector<16xf32>
        %mul3A_610 = arith.mulf %get3A_607, %mul3A_609 : vector<16xf32>
        %swap3A_611 = arith.constant 2 : i32
        %swap3A_612 = arith.index_cast %swap3A_611 : i32 to index
        %swap3A_613 = arith.index_cast %scan3A_585 : i32 to index
        %swap3A_614 = arith.constant 16 : index
        %swap3A_615 = tpu.vector_load %arg7[%swap3A_612, %swap3A_613, %swap3A_614] {strides = array<i32>} : memref<4x128x64xf32, #tpu.memory_space<vmem>>, vector<1x1x16xf32>,
        %swap3A_616 = vector.shape_cast %swap3A_615 : vector<1x1x16xf32> to vector<16xf32>
        %swap3A_617 = vector.shape_cast %mul3A_610 : vector<16xf32> to vector<1x1x16xf32>
        tpu.vector_store %arg7[%swap3A_612, %swap3A_613, %swap3A_614], %swap3A_617 {strides = array<i32>} : memref<4x128x64xf32, #tpu.memory_space<vmem>>, vector<1x1x16xf32>,
        %get3A_618 = arith.constant 2 : i32
        %get3A_619 = arith.index_cast %get3A_618 : i32 to index
        %get3A_620 = arith.index_cast %scan3A_585 : i32 to index
        %get3A_621 = arith.constant 32 : index
        %get3A_622 = tpu.vector_load %arg6[%get3A_619, %get3A_620, %get3A_621] {strides = array<i32>} : memref<4x128x64xf32, #tpu.memory_space<vmem>>, vector<1x1x16xf32>,
        %get3A_623 = vector.shape_cast %get3A_622 : vector<1x1x16xf32> to vector<16xf32>
        %mul3A_624 = arith.constant 8.000000e+00 : f32
        %mul3A_625 = vector.broadcast %mul3A_624 : f32 to vector<16xf32>
        %mul3A_626 = arith.mulf %get3A_623, %mul3A_625 : vector<16xf32>
        %swap3A_627 = arith.constant 2 : i32
        %swap3A_628 = arith.index_cast %swap3A_627 : i32 to index
        %swap3A_629 = arith.index_cast %scan3A_585 : i32 to index
        %swap3A_630 = arith.constant 32 : index
        %swap3A_631 = tpu.vector_load %arg7[%swap3A_628, %swap3A_629, %swap3A_630] {strides = array<i32>} : memref<4x128x64xf32, #tpu.memory_space<vmem>>, vector<1x1x16xf32>,
        %swap3A_632 = vector.shape_cast %swap3A_631 : vector<1x1x16xf32> to vector<16xf32>
        %swap3A_633 = vector.shape_cast %mul3A_626 : vector<16xf32> to vector<1x1x16xf32>
        tpu.vector_store %arg7[%swap3A_628, %swap3A_629, %swap3A_630], %swap3A_633 {strides = array<i32>} : memref<4x128x64xf32, #tpu.memory_space<vmem>>, vector<1x1x16xf32>,
        %get3A_634 = arith.constant 2 : i32
        %get3A_635 = arith.index_cast %get3A_634 : i32 to index
        %get3A_636 = arith.index_cast %scan3A_585 : i32 to index
        %get3A_637 = arith.constant 48 : index
        %get3A_638 = tpu.vector_load %arg6[%get3A_635, %get3A_636, %get3A_637] {strides = array<i32>} : memref<4x128x64xf32, #tpu.memory_space<vmem>>, vector<1x1x16xf32>,
        %get3A_639 = vector.shape_cast %get3A_638 : vector<1x1x16xf32> to vector<16xf32>
        %mul3A_640 = arith.constant 8.000000e+00 : f32
        %mul3A_641 = vector.broadcast %mul3A_640 : f32 to vector<16xf32>
        %mul3A_642 = arith.mulf %get3A_639, %mul3A_641 : vector<16xf32>
        %swap3A_643 = arith.constant 2 : i32
        %swap3A_644 = arith.index_cast %swap3A_643 : i32 to index
        %swap3A_645 = arith.index_cast %scan3A_585 : i32 to index
        %swap3A_646 = arith.constant 48 : index
        %swap3A_647 = tpu.vector_load %arg7[%swap3A_644, %swap3A_645, %swap3A_646] {strides = array<i32>} : memref<4x128x64xf32, #tpu.memory_space<vmem>>, vector<1x1x16xf32>,
        %swap3A_648 = vector.shape_cast %swap3A_647 : vector<1x1x16xf32> to vector<16xf32>
        %swap3A_649 = vector.shape_cast %mul3A_642 : vector<16xf32> to vector<1x1x16xf32>
        tpu.vector_store %arg7[%swap3A_644, %swap3A_645, %swap3A_646], %swap3A_649 {strides = array<i32>} : memref<4x128x64xf32, #tpu.memory_space<vmem>>, vector<1x1x16xf32>,
        %scan3A_650 = arith.constant 5 : i32
        %scan3A_651 = arith.addi %scan3A_323, %scan3A_650 : i32
        %get3A_652 = arith.constant 2 : i32
        %get3A_653 = arith.index_cast %get3A_652 : i32 to index
        %get3A_654 = arith.index_cast %scan3A_651 : i32 to index
        %get3A_655 = arith.constant 0 : index
        %get3A_656 = tpu.vector_load %arg6[%get3A_653, %get3A_654, %get3A_655] {strides = array<i32>} : memref<4x128x64xf32, #tpu.memory_space<vmem>>, vector<1x1x16xf32>,
        %get3A_657 = vector.shape_cast %get3A_656 : vector<1x1x16xf32> to vector<16xf32>
        %mul3A_658 = arith.constant 8.000000e+00 : f32
        %mul3A_659 = vector.broadcast %mul3A_658 : f32 to vector<16xf32>
        %mul3A_660 = arith.mulf %get3A_657, %mul3A_659 : vector<16xf32>
        %swap3A_661 = arith.constant 2 : i32
        %swap3A_662 = arith.index_cast %swap3A_661 : i32 to index
        %swap3A_663 = arith.index_cast %scan3A_651 : i32 to index
        %swap3A_664 = arith.constant 0 : index
        %swap3A_665 = tpu.vector_load %arg7[%swap3A_662, %swap3A_663, %swap3A_664] {strides = array<i32>} : memref<4x128x64xf32, #tpu.memory_space<vmem>>, vector<1x1x16xf32>,
        %swap3A_666 = vector.shape_cast %swap3A_665 : vector<1x1x16xf32> to vector<16xf32>
        %swap3A_667 = vector.shape_cast %mul3A_660 : vector<16xf32> to vector<1x1x16xf32>
        tpu.vector_store %arg7[%swap3A_662, %swap3A_663, %swap3A_664], %swap3A_667 {strides = array<i32>} : memref<4x128x64xf32, #tpu.memory_space<vmem>>, vector<1x1x16xf32>,
        %get3A_668 = arith.constant 2 : i32
        %get3A_669 = arith.index_cast %get3A_668 : i32 to index
        %get3A_670 = arith.index_cast %scan3A_651 : i32 to index
        %get3A_671 = arith.constant 16 : index
        %get3A_672 = tpu.vector_load %arg6[%get3A_669, %get3A_670, %get3A_671] {strides = array<i32>} : memref<4x128x64xf32, #tpu.memory_space<vmem>>, vector<1x1x16xf32>,
        %get3A_673 = vector.shape_cast %get3A_672 : vector<1x1x16xf32> to vector<16xf32>
        %mul3A_674 = arith.constant 8.000000e+00 : f32
        %mul3A_675 = vector.broadcast %mul3A_674 : f32 to vector<16xf32>
        %mul3A_676 = arith.mulf %get3A_673, %mul3A_675 : vector<16xf32>
        %swap3A_677 = arith.constant 2 : i32
        %swap3A_678 = arith.index_cast %swap3A_677 : i32 to index
        %swap3A_679 = arith.index_cast %scan3A_651 : i32 to index
        %swap3A_680 = arith.constant 16 : index
        %swap3A_681 = tpu.vector_load %arg7[%swap3A_678, %swap3A_679, %swap3A_680] {strides = array<i32>} : memref<4x128x64xf32, #tpu.memory_space<vmem>>, vector<1x1x16xf32>,
        %swap3A_682 = vector.shape_cast %swap3A_681 : vector<1x1x16xf32> to vector<16xf32>
        %swap3A_683 = vector.shape_cast %mul3A_676 : vector<16xf32> to vector<1x1x16xf32>
        tpu.vector_store %arg7[%swap3A_678, %swap3A_679, %swap3A_680], %swap3A_683 {strides = array<i32>} : memref<4x128x64xf32, #tpu.memory_space<vmem>>, vector<1x1x16xf32>,
        %get3A_684 = arith.constant 2 : i32
        %get3A_685 = arith.index_cast %get3A_684 : i32 to index
        %get3A_686 = arith.index_cast %scan3A_651 : i32 to index
        %get3A_687 = arith.constant 32 : index
        %get3A_688 = tpu.vector_load %arg6[%get3A_685, %get3A_686, %get3A_687] {strides = array<i32>} : memref<4x128x64xf32, #tpu.memory_space<vmem>>, vector<1x1x16xf32>,
        %get3A_689 = vector.shape_cast %get3A_688 : vector<1x1x16xf32> to vector<16xf32>
        %mul3A_690 = arith.constant 8.000000e+00 : f32
        %mul3A_691 = vector.broadcast %mul3A_690 : f32 to vector<16xf32>
        %mul3A_692 = arith.mulf %get3A_689, %mul3A_691 : vector<16xf32>
        %swap3A_693 = arith.constant 2 : i32
        %swap3A_694 = arith.index_cast %swap3A_693 : i32 to index
        %swap3A_695 = arith.index_cast %scan3A_651 : i32 to index
        %swap3A_696 = arith.constant 32 : index
        %swap3A_697 = tpu.vector_load %arg7[%swap3A_694, %swap3A_695, %swap3A_696] {strides = array<i32>} : memref<4x128x64xf32, #tpu.memory_space<vmem>>, vector<1x1x16xf32>,
        %swap3A_698 = vector.shape_cast %swap3A_697 : vector<1x1x16xf32> to vector<16xf32>
        %swap3A_699 = vector.shape_cast %mul3A_692 : vector<16xf32> to vector<1x1x16xf32>
        tpu.vector_store %arg7[%swap3A_694, %swap3A_695, %swap3A_696], %swap3A_699 {strides = array<i32>} : memref<4x128x64xf32, #tpu.memory_space<vmem>>, vector<1x1x16xf32>,
        %get3A_700 = arith.constant 2 : i32
        %get3A_701 = arith.index_cast %get3A_700 : i32 to index
        %get3A_702 = arith.index_cast %scan3A_651 : i32 to index
        %get3A_703 = arith.constant 48 : index
        %get3A_704 = tpu.vector_load %arg6[%get3A_701, %get3A_702, %get3A_703] {strides = array<i32>} : memref<4x128x64xf32, #tpu.memory_space<vmem>>, vector<1x1x16xf32>,
        %get3A_705 = vector.shape_cast %get3A_704 : vector<1x1x16xf32> to vector<16xf32>
        %mul3A_706 = arith.constant 8.000000e+00 : f32
        %mul3A_707 = vector.broadcast %mul3A_706 : f32 to vector<16xf32>
        %mul3A_708 = arith.mulf %get3A_705, %mul3A_707 : vector<16xf32>
        %swap3A_709 = arith.constant 2 : i32
        %swap3A_710 = arith.index_cast %swap3A_709 : i32 to index
        %swap3A_711 = arith.index_cast %scan3A_651 : i32 to index
        %swap3A_712 = arith.constant 48 : index
        %swap3A_713 = tpu.vector_load %arg7[%swap3A_710, %swap3A_711, %swap3A_712] {strides = array<i32>} : memref<4x128x64xf32, #tpu.memory_space<vmem>>, vector<1x1x16xf32>,
        %swap3A_714 = vector.shape_cast %swap3A_713 : vector<1x1x16xf32> to vector<16xf32>
        %swap3A_715 = vector.shape_cast %mul3A_708 : vector<16xf32> to vector<1x1x16xf32>
        tpu.vector_store %arg7[%swap3A_710, %swap3A_711, %swap3A_712], %swap3A_715 {strides = array<i32>} : memref<4x128x64xf32, #tpu.memory_space<vmem>>, vector<1x1x16xf32>,
        %scan3A_716 = arith.constant 6 : i32
        %scan3A_717 = arith.addi %scan3A_323, %scan3A_716 : i32
        %get3A_718 = arith.constant 2 : i32
        %get3A_719 = arith.index_cast %get3A_718 : i32 to index
        %get3A_720 = arith.index_cast %scan3A_717 : i32 to index
        %get3A_721 = arith.constant 0 : index
        %get3A_722 = tpu.vector_load %arg6[%get3A_719, %get3A_720, %get3A_721] {strides = array<i32>} : memref<4x128x64xf32, #tpu.memory_space<vmem>>, vector<1x1x16xf32>,
        %get3A_723 = vector.shape_cast %get3A_722 : vector<1x1x16xf32> to vector<16xf32>
        %mul3A_724 = arith.constant 8.000000e+00 : f32
        %mul3A_725 = vector.broadcast %mul3A_724 : f32 to vector<16xf32>
        %mul3A_726 = arith.mulf %get3A_723, %mul3A_725 : vector<16xf32>
        %swap3A_727 = arith.constant 2 : i32
        %swap3A_728 = arith.index_cast %swap3A_727 : i32 to index
        %swap3A_729 = arith.index_cast %scan3A_717 : i32 to index
        %swap3A_730 = arith.constant 0 : index
        %swap3A_731 = tpu.vector_load %arg7[%swap3A_728, %swap3A_729, %swap3A_730] {strides = array<i32>} : memref<4x128x64xf32, #tpu.memory_space<vmem>>, vector<1x1x16xf32>,
        %swap3A_732 = vector.shape_cast %swap3A_731 : vector<1x1x16xf32> to vector<16xf32>
        %swap3A_733 = vector.shape_cast %mul3A_726 : vector<16xf32> to vector<1x1x16xf32>
        tpu.vector_store %arg7[%swap3A_728, %swap3A_729, %swap3A_730], %swap3A_733 {strides = array<i32>} : memref<4x128x64xf32, #tpu.memory_space<vmem>>, vector<1x1x16xf32>,
        %get3A_734 = arith.constant 2 : i32
        %get3A_735 = arith.index_cast %get3A_734 : i32 to index
        %get3A_736 = arith.index_cast %scan3A_717 : i32 to index
        %get3A_737 = arith.constant 16 : index
        %get3A_738 = tpu.vector_load %arg6[%get3A_735, %get3A_736, %get3A_737] {strides = array<i32>} : memref<4x128x64xf32, #tpu.memory_space<vmem>>, vector<1x1x16xf32>,
        %get3A_739 = vector.shape_cast %get3A_738 : vector<1x1x16xf32> to vector<16xf32>
        %mul3A_740 = arith.constant 8.000000e+00 : f32
        %mul3A_741 = vector.broadcast %mul3A_740 : f32 to vector<16xf32>
        %mul3A_742 = arith.mulf %get3A_739, %mul3A_741 : vector<16xf32>
        %swap3A_743 = arith.constant 2 : i32
        %swap3A_744 = arith.index_cast %swap3A_743 : i32 to index
        %swap3A_745 = arith.index_cast %scan3A_717 : i32 to index
        %swap3A_746 = arith.constant 16 : index
        %swap3A_747 = tpu.vector_load %arg7[%swap3A_744, %swap3A_745, %swap3A_746] {strides = array<i32>} : memref<4x128x64xf32, #tpu.memory_space<vmem>>, vector<1x1x16xf32>,
        %swap3A_748 = vector.shape_cast %swap3A_747 : vector<1x1x16xf32> to vector<16xf32>
        %swap3A_749 = vector.shape_cast %mul3A_742 : vector<16xf32> to vector<1x1x16xf32>
        tpu.vector_store %arg7[%swap3A_744, %swap3A_745, %swap3A_746], %swap3A_749 {strides = array<i32>} : memref<4x128x64xf32, #tpu.memory_space<vmem>>, vector<1x1x16xf32>,
        %get3A_750 = arith.constant 2 : i32
        %get3A_751 = arith.index_cast %get3A_750 : i32 to index
        %get3A_752 = arith.index_cast %scan3A_717 : i32 to index
        %get3A_753 = arith.constant 32 : index
        %get3A_754 = tpu.vector_load %arg6[%get3A_751, %get3A_752, %get3A_753] {strides = array<i32>} : memref<4x128x64xf32, #tpu.memory_space<vmem>>, vector<1x1x16xf32>,
        %get3A_755 = vector.shape_cast %get3A_754 : vector<1x1x16xf32> to vector<16xf32>
        %mul3A_756 = arith.constant 8.000000e+00 : f32
        %mul3A_757 = vector.broadcast %mul3A_756 : f32 to vector<16xf32>
        %mul3A_758 = arith.mulf %get3A_755, %mul3A_757 : vector<16xf32>
        %swap3A_759 = arith.constant 2 : i32
        %swap3A_760 = arith.index_cast %swap3A_759 : i32 to index
        %swap3A_761 = arith.index_cast %scan3A_717 : i32 to index
        %swap3A_762 = arith.constant 32 : index
        %swap3A_763 = tpu.vector_load %arg7[%swap3A_760, %swap3A_761, %swap3A_762] {strides = array<i32>} : memref<4x128x64xf32, #tpu.memory_space<vmem>>, vector<1x1x16xf32>,
        %swap3A_764 = vector.shape_cast %swap3A_763 : vector<1x1x16xf32> to vector<16xf32>
        %swap3A_765 = vector.shape_cast %mul3A_758 : vector<16xf32> to vector<1x1x16xf32>
        tpu.vector_store %arg7[%swap3A_760, %swap3A_761, %swap3A_762], %swap3A_765 {strides = array<i32>} : memref<4x128x64xf32, #tpu.memory_space<vmem>>, vector<1x1x16xf32>,
        %get3A_766 = arith.constant 2 : i32
        %get3A_767 = arith.index_cast %get3A_766 : i32 to index
        %get3A_768 = arith.index_cast %scan3A_717 : i32 to index
        %get3A_769 = arith.constant 48 : index
        %get3A_770 = tpu.vector_load %arg6[%get3A_767, %get3A_768, %get3A_769] {strides = array<i32>} : memref<4x128x64xf32, #tpu.memory_space<vmem>>, vector<1x1x16xf32>,
        %get3A_771 = vector.shape_cast %get3A_770 : vector<1x1x16xf32> to vector<16xf32>
        %mul3A_772 = arith.constant 8.000000e+00 : f32
        %mul3A_773 = vector.broadcast %mul3A_772 : f32 to vector<16xf32>
        %mul3A_774 = arith.mulf %get3A_771, %mul3A_773 : vector<16xf32>
        %swap3A_775 = arith.constant 2 : i32
        %swap3A_776 = arith.index_cast %swap3A_775 : i32 to index
        %swap3A_777 = arith.index_cast %scan3A_717 : i32 to index
        %swap3A_778 = arith.constant 48 : index
        %swap3A_779 = tpu.vector_load %arg7[%swap3A_776, %swap3A_777, %swap3A_778] {strides = array<i32>} : memref<4x128x64xf32, #tpu.memory_space<vmem>>, vector<1x1x16xf32>,
        %swap3A_780 = vector.shape_cast %swap3A_779 : vector<1x1x16xf32> to vector<16xf32>
        %swap3A_781 = vector.shape_cast %mul3A_774 : vector<16xf32> to vector<1x1x16xf32>
        tpu.vector_store %arg7[%swap3A_776, %swap3A_777, %swap3A_778], %swap3A_781 {strides = array<i32>} : memref<4x128x64xf32, #tpu.memory_space<vmem>>, vector<1x1x16xf32>,
        %scan3A_782 = arith.constant 7 : i32
        %scan3A_783 = arith.addi %scan3A_323, %scan3A_782 : i32
        %get3A_784 = arith.constant 2 : i32
        %get3A_785 = arith.index_cast %get3A_784 : i32 to index
        %get3A_786 = arith.index_cast %scan3A_783 : i32 to index
        %get3A_787 = arith.constant 0 : index
        %get3A_788 = tpu.vector_load %arg6[%get3A_785, %get3A_786, %get3A_787] {strides = array<i32>} : memref<4x128x64xf32, #tpu.memory_space<vmem>>, vector<1x1x16xf32>,
        %get3A_789 = vector.shape_cast %get3A_788 : vector<1x1x16xf32> to vector<16xf32>
        %mul3A_790 = arith.constant 8.000000e+00 : f32
        %mul3A_791 = vector.broadcast %mul3A_790 : f32 to vector<16xf32>
        %mul3A_792 = arith.mulf %get3A_789, %mul3A_791 : vector<16xf32>
        %swap3A_793 = arith.constant 2 : i32
        %swap3A_794 = arith.index_cast %swap3A_793 : i32 to index
        %swap3A_795 = arith.index_cast %scan3A_783 : i32 to index
        %swap3A_796 = arith.constant 0 : index
        %swap3A_797 = tpu.vector_load %arg7[%swap3A_794, %swap3A_795, %swap3A_796] {strides = array<i32>} : memref<4x128x64xf32, #tpu.memory_space<vmem>>, vector<1x1x16xf32>,
        %swap3A_798 = vector.shape_cast %swap3A_797 : vector<1x1x16xf32> to vector<16xf32>
        %swap3A_799 = vector.shape_cast %mul3A_792 : vector<16xf32> to vector<1x1x16xf32>
        tpu.vector_store %arg7[%swap3A_794, %swap3A_795, %swap3A_796], %swap3A_799 {strides = array<i32>} : memref<4x128x64xf32, #tpu.memory_space<vmem>>, vector<1x1x16xf32>,
        %get3A_800 = arith.constant 2 : i32
        %get3A_801 = arith.index_cast %get3A_800 : i32 to index
        %get3A_802 = arith.index_cast %scan3A_783 : i32 to index
        %get3A_803 = arith.constant 16 : index
        %get3A_804 = tpu.vector_load %arg6[%get3A_801, %get3A_802, %get3A_803] {strides = array<i32>} : memref<4x128x64xf32, #tpu.memory_space<vmem>>, vector<1x1x16xf32>,
        %get3A_805 = vector.shape_cast %get3A_804 : vector<1x1x16xf32> to vector<16xf32>
        %mul3A_806 = arith.constant 8.000000e+00 : f32
        %mul3A_807 = vector.broadcast %mul3A_806 : f32 to vector<16xf32>
        %mul3A_808 = arith.mulf %get3A_805, %mul3A_807 : vector<16xf32>
        %swap3A_809 = arith.constant 2 : i32
        %swap3A_810 = arith.index_cast %swap3A_809 : i32 to index
        %swap3A_811 = arith.index_cast %scan3A_783 : i32 to index
        %swap3A_812 = arith.constant 16 : index
        %swap3A_813 = tpu.vector_load %arg7[%swap3A_810, %swap3A_811, %swap3A_812] {strides = array<i32>} : memref<4x128x64xf32, #tpu.memory_space<vmem>>, vector<1x1x16xf32>,
        %swap3A_814 = vector.shape_cast %swap3A_813 : vector<1x1x16xf32> to vector<16xf32>
        %swap3A_815 = vector.shape_cast %mul3A_808 : vector<16xf32> to vector<1x1x16xf32>
        tpu.vector_store %arg7[%swap3A_810, %swap3A_811, %swap3A_812], %swap3A_815 {strides = array<i32>} : memref<4x128x64xf32, #tpu.memory_space<vmem>>, vector<1x1x16xf32>,
        %get3A_816 = arith.constant 2 : i32
        %get3A_817 = arith.index_cast %get3A_816 : i32 to index
        %get3A_818 = arith.index_cast %scan3A_783 : i32 to index
        %get3A_819 = arith.constant 32 : index
        %get3A_820 = tpu.vector_load %arg6[%get3A_817, %get3A_818, %get3A_819] {strides = array<i32>} : memref<4x128x64xf32, #tpu.memory_space<vmem>>, vector<1x1x16xf32>,
        %get3A_821 = vector.shape_cast %get3A_820 : vector<1x1x16xf32> to vector<16xf32>
        %mul3A_822 = arith.constant 8.000000e+00 : f32
        %mul3A_823 = vector.broadcast %mul3A_822 : f32 to vector<16xf32>
        %mul3A_824 = arith.mulf %get3A_821, %mul3A_823 : vector<16xf32>
        %swap3A_825 = arith.constant 2 : i32
        %swap3A_826 = arith.index_cast %swap3A_825 : i32 to index
        %swap3A_827 = arith.index_cast %scan3A_783 : i32 to index
        %swap3A_828 = arith.constant 32 : index
        %swap3A_829 = tpu.vector_load %arg7[%swap3A_826, %swap3A_827, %swap3A_828] {strides = array<i32>} : memref<4x128x64xf32, #tpu.memory_space<vmem>>, vector<1x1x16xf32>,
        %swap3A_830 = vector.shape_cast %swap3A_829 : vector<1x1x16xf32> to vector<16xf32>
        %swap3A_831 = vector.shape_cast %mul3A_824 : vector<16xf32> to vector<1x1x16xf32>
        tpu.vector_store %arg7[%swap3A_826, %swap3A_827, %swap3A_828], %swap3A_831 {strides = array<i32>} : memref<4x128x64xf32, #tpu.memory_space<vmem>>, vector<1x1x16xf32>,
        %get3A_832 = arith.constant 2 : i32
        %get3A_833 = arith.index_cast %get3A_832 : i32 to index
        %get3A_834 = arith.index_cast %scan3A_783 : i32 to index
        %get3A_835 = arith.constant 48 : index
        %get3A_836 = tpu.vector_load %arg6[%get3A_833, %get3A_834, %get3A_835] {strides = array<i32>} : memref<4x128x64xf32, #tpu.memory_space<vmem>>, vector<1x1x16xf32>,
        %get3A_837 = vector.shape_cast %get3A_836 : vector<1x1x16xf32> to vector<16xf32>
        %mul3A_838 = arith.constant 8.000000e+00 : f32
        %mul3A_839 = vector.broadcast %mul3A_838 : f32 to vector<16xf32>
        %mul3A_840 = arith.mulf %get3A_837, %mul3A_839 : vector<16xf32>
        %swap3A_841 = arith.constant 2 : i32
        %swap3A_842 = arith.index_cast %swap3A_841 : i32 to index
        %swap3A_843 = arith.index_cast %scan3A_783 : i32 to index
        %swap3A_844 = arith.constant 48 : index
        %swap3A_845 = tpu.vector_load %arg7[%swap3A_842, %swap3A_843, %swap3A_844] {strides = array<i32>} : memref<4x128x64xf32, #tpu.memory_space<vmem>>, vector<1x1x16xf32>,
        %swap3A_846 = vector.shape_cast %swap3A_845 : vector<1x1x16xf32> to vector<16xf32>
        %swap3A_847 = vector.shape_cast %mul3A_840 : vector<16xf32> to vector<1x1x16xf32>
        tpu.vector_store %arg7[%swap3A_842, %swap3A_843, %swap3A_844], %swap3A_847 {strides = array<i32>} : memref<4x128x64xf32, #tpu.memory_space<vmem>>, vector<1x1x16xf32>,
      }
      %scan3A_250 = arith.constant 128 : i32
      %mul3A_251 = arith.constant 128 : i32
      %mul3A_252 = arith.muli %add3A_228, %mul3A_251 : i32
      %add3A_253 = arith.addi %mul3A_2, %mul3A_252 : i32
      %dma_start3A_254 = arith.constant 2 : i32
      %dma_start3A_255 = arith.constant 0 : i32
      %dma_start3A_256 = arith.constant 0 : i32
      %dma_start3A_257 = tpu.memref_slice %arg7[%dma_start3A_254, %dma_start3A_255, %dma_start3A_256] : memref<4x128x64xf32, #tpu.memory_space<vmem>> -> memref<1x128x64xf32, #tpu.memory_space<vmem>>
      %dma_start3A_258 = tpu.memref_squeeze %dma_start3A_257 : memref<1x128x64xf32, #tpu.memory_space<vmem>> -> memref<128x64xf32, #tpu.memory_space<vmem>>
      %dma_start3A_259 = arith.constant 0 : i32
      %dma_start3A_260 = tpu.memref_slice %arg4[%add3A_253, %dma_start3A_259] : memref<819200x64xf32, #tpu.memory_space<hbm>> -> memref<128x64xf32, #tpu.memory_space<hbm>>
      %dma_start3A_261 = arith.constant 0 : i32
      %dma_start3A_262 = tpu.memref_slice %arg4[%add3A_253, %dma_start3A_261] : memref<819200x64xf32, #tpu.memory_space<hbm>> -> memref<128x64xf32, #tpu.memory_space<hbm>>
      %dma_start3A_263 = arith.constant 0 : i32
      %dma_start3A_264 = arith.constant 0 : i32
      %dma_start3A_265 = tpu.memref_slice %arg7[%dma_start3A_254, %dma_start3A_263, %dma_start3A_264] : memref<4x128x64xf32, #tpu.memory_space<vmem>> -> memref<1x128x64xf32, #tpu.memory_space<vmem>>
      %dma_start3A_266 = tpu.memref_squeeze %dma_start3A_265 : memref<1x128x64xf32, #tpu.memory_space<vmem>> -> memref<128x64xf32, #tpu.memory_space<vmem>>
      tpu.enqueue_dma source(%dma_start3A_266 : memref<128x64xf32, #tpu.memory_space<vmem>>) target(%dma_start3A_262 : memref<128x64xf32, #tpu.memory_space<hbm>>) target_semaphore(%arg15 : memref<!tpu.dma_semaphore, #tpu.memory_space<semaphore_mem>>)
      %add3A_267 = arith.constant 4 : i32
      %add3A_268 = arith.addi %add3A_228, %add3A_267 : i32
      %lt3A_269 = arith.constant 200 : i32
      %lt3A_270 = arith.cmpi slt, %add3A_268, %lt3A_269 : i32
      %convert_element_type3A_271 = arith.extui %lt3A_270 : i1 to i32
      %cond3A_272 = arith.constant 0 : i32
      %cond3A_273 = arith.cmpi ne, %convert_element_type3A_271, %cond3A_272 : i32
      scf.if %cond3A_273 {
        %add3A_323 = arith.constant 4 : i32
        %add3A_324 = arith.addi %add3A_228, %add3A_323 : i32
        %dma_start3A_325 = arith.constant 2 : i32
        %dma_start3A_326 = arith.constant 0 : i32
        %dma_start3A_327 = arith.constant 0 : i32
        %dma_start3A_328 = tpu.memref_slice %arg6[%dma_start3A_325, %dma_start3A_326, %dma_start3A_327] : memref<4x128x64xf32, #tpu.memory_space<vmem>> -> memref<1x128x64xf32, #tpu.memory_space<vmem>>
        %dma_start3A_329 = tpu.memref_squeeze %dma_start3A_328 : memref<1x128x64xf32, #tpu.memory_space<vmem>> -> memref<128x64xf32, #tpu.memory_space<vmem>>
        %dma_start3A_330 = arith.constant 0 : i32
        %dma_start3A_331 = tpu.memref_slice %arg5[%add3A_324, %dma_start3A_330] : memref<200x128xi32, #tpu.memory_space<vmem>> -> memref<1x128xi32, #tpu.memory_space<vmem>>
        %dma_start3A_332 = tpu.memref_squeeze %dma_start3A_331 : memref<1x128xi32, #tpu.memory_space<vmem>> -> memref<128xi32, #tpu.memory_space<vmem>>
        %dma_start3A_333 = arith.constant 0 : i32
        %dma_start3A_334 = arith.constant 0 : i32
        %dma_start3A_335 = tpu.memref_slice %arg3[%dma_start3A_333, %dma_start3A_334] : memref<1000000x64xf32, #tpu.memory_space<hbm>> -> memref<1000000x64xf32, #tpu.memory_space<hbm>>
        tpu.enqueue_indirect_dma source(%dma_start3A_335 : memref<1000000x64xf32, #tpu.memory_space<hbm>>) target(%dma_start3A_329 : memref<128x64xf32, #tpu.memory_space<vmem>>) offsets(%dma_start3A_332 : memref<128xi32, #tpu.memory_space<vmem>>) semaphore(%arg11 : memref<!tpu.dma_semaphore, #tpu.memory_space<semaphore_mem>>)
      } else {
      }
      %mul3A_274 = arith.constant 4 : i32
      %mul3A_275 = arith.muli %scan3A_130, %mul3A_274 : i32
      %add3A_276 = arith.constant 3 : i32
      %add3A_277 = arith.addi %mul3A_275, %add3A_276 : i32
      %dma_wait3A_278 = arith.constant 3 : i32
      %dma_wait3A_279 = arith.constant 0 : i32
      %dma_wait3A_280 = arith.constant 0 : i32
      %dma_wait3A_281 = tpu.memref_slice %arg6[%dma_wait3A_278, %dma_wait3A_279, %dma_wait3A_280] : memref<4x128x64xf32, #tpu.memory_space<vmem>> -> memref<1x128x64xf32, #tpu.memory_space<vmem>>
      %dma_wait3A_282 = tpu.memref_squeeze %dma_wait3A_281 : memref<1x128x64xf32, #tpu.memory_space<vmem>> -> memref<128x64xf32, #tpu.memory_space<vmem>>
      %dma_wait3A_283 = arith.constant 0 : i32
      %dma_wait3A_284 = tpu.memref_slice %arg5[%add3A_277, %dma_wait3A_283] : memref<200x128xi32, #tpu.memory_space<vmem>> -> memref<1x128xi32, #tpu.memory_space<vmem>>
      %dma_wait3A_285 = tpu.memref_squeeze %dma_wait3A_284 : memref<1x128xi32, #tpu.memory_space<vmem>> -> memref<128xi32, #tpu.memory_space<vmem>>
      %dma_wait3A_286 = arith.constant 0 : i32
      %dma_wait3A_287 = arith.constant 0 : i32
      %dma_wait3A_288 = tpu.memref_slice %arg3[%dma_wait3A_286, %dma_wait3A_287] : memref<1000000x64xf32, #tpu.memory_space<hbm>> -> memref<1000000x64xf32, #tpu.memory_space<hbm>>
      tpu.wait_indirect_dma semaphore(%arg12 : memref<!tpu.dma_semaphore, #tpu.memory_space<semaphore_mem>>) src(%dma_wait3A_288 : memref<1000000x64xf32, #tpu.memory_space<hbm>>) dst(%dma_wait3A_282 : memref<128x64xf32, #tpu.memory_space<vmem>>)
      %gt3A_289 = arith.constant 0 : i32
      %gt3A_290 = arith.cmpi sgt, %scan3A_130, %gt3A_289 : i32
      %convert_element_type3A_291 = arith.extui %gt3A_290 : i1 to i32
      %cond3A_292 = arith.constant 0 : i32
      %cond3A_293 = arith.cmpi ne, %convert_element_type3A_291, %cond3A_292 : i32
      scf.if %cond3A_293 {
        %sub3A = arith.constant 4 : i32
        %sub3A_323 = arith.subi %add3A_277, %sub3A : i32
        %mul3A_324 = arith.constant 128 : i32
        %mul3A_325 = arith.muli %sub3A_323, %mul3A_324 : i32
        %add3A_326 = arith.addi %mul3A_2, %mul3A_325 : i32
        %dma_wait3A_327 = arith.constant 3 : i32
        %dma_wait3A_328 = arith.constant 0 : i32
        %dma_wait3A_329 = arith.constant 0 : i32
        %dma_wait3A_330 = tpu.memref_slice %arg7[%dma_wait3A_327, %dma_wait3A_328, %dma_wait3A_329] : memref<4x128x64xf32, #tpu.memory_space<vmem>> -> memref<1x128x64xf32, #tpu.memory_space<vmem>>
        %dma_wait3A_331 = tpu.memref_squeeze %dma_wait3A_330 : memref<1x128x64xf32, #tpu.memory_space<vmem>> -> memref<128x64xf32, #tpu.memory_space<vmem>>
        %dma_wait3A_332 = arith.constant 0 : i32
        %dma_wait3A_333 = tpu.memref_slice %arg4[%add3A_326, %dma_wait3A_332] : memref<819200x64xf32, #tpu.memory_space<hbm>> -> memref<128x64xf32, #tpu.memory_space<hbm>>
        %dma_wait3A_334 = arith.constant 0 : i32
        %dma_wait3A_335 = tpu.memref_slice %arg4[%add3A_326, %dma_wait3A_334] : memref<819200x64xf32, #tpu.memory_space<hbm>> -> memref<128x64xf32, #tpu.memory_space<hbm>>
        %dma_wait3A_336 = arith.constant 0 : i32
        %dma_wait3A_337 = arith.constant 0 : i32
        %dma_wait3A_338 = tpu.memref_slice %arg7[%dma_wait3A_327, %dma_wait3A_336, %dma_wait3A_337] : memref<4x128x64xf32, #tpu.memory_space<vmem>> -> memref<1x128x64xf32, #tpu.memory_space<vmem>>
        %dma_wait3A_339 = tpu.memref_squeeze %dma_wait3A_338 : memref<1x128x64xf32, #tpu.memory_space<vmem>> -> memref<128x64xf32, #tpu.memory_space<vmem>>
        tpu.wait_dma2 semaphore(%arg16 : memref<!tpu.dma_semaphore, #tpu.memory_space<semaphore_mem>>) src(%dma_wait3A_339 : memref<128x64xf32, #tpu.memory_space<vmem>>) dst(%dma_wait3A_335 : memref<128x64xf32, #tpu.memory_space<hbm>>)
      } else {
      }
      %scan3A_294 = arith.constant 0 : i32
      %scan3A_295 = arith.constant 0 : i32
      %scan3A_296 = arith.constant 128 : i32
      %scan3A_297 = arith.addi %scan3A_295, %scan3A_296 : i32
      %scan3A_298 = arith.constant 8 : i32
      scf.for %scan3A_323 = %scan3A_295 to %scan3A_297 step %scan3A_298  : i32 {
        %get3A = arith.constant 3 : i32
        %get3A_324 = arith.index_cast %get3A : i32 to index
        %get3A_325 = arith.index_cast %scan3A_323 : i32 to index
        %get3A_326 = arith.constant 0 : index
        %get3A_327 = tpu.vector_load %arg6[%get3A_324, %get3A_325, %get3A_326] {strides = array<i32>} : memref<4x128x64xf32, #tpu.memory_space<vmem>>, vector<1x1x16xf32>,
        %get3A_328 = vector.shape_cast %get3A_327 : vector<1x1x16xf32> to vector<16xf32>
        %mul3A_329 = arith.constant 8.000000e+00 : f32
        %mul3A_330 = vector.broadcast %mul3A_329 : f32 to vector<16xf32>
        %mul3A_331 = arith.mulf %get3A_328, %mul3A_330 : vector<16xf32>
        %swap3A = arith.constant 3 : i32
        %swap3A_332 = arith.index_cast %swap3A : i32 to index
        %swap3A_333 = arith.index_cast %scan3A_323 : i32 to index
        %swap3A_334 = arith.constant 0 : index
        %swap3A_335 = tpu.vector_load %arg7[%swap3A_332, %swap3A_333, %swap3A_334] {strides = array<i32>} : memref<4x128x64xf32, #tpu.memory_space<vmem>>, vector<1x1x16xf32>,
        %swap3A_336 = vector.shape_cast %swap3A_335 : vector<1x1x16xf32> to vector<16xf32>
        %swap3A_337 = vector.shape_cast %mul3A_331 : vector<16xf32> to vector<1x1x16xf32>
        tpu.vector_store %arg7[%swap3A_332, %swap3A_333, %swap3A_334], %swap3A_337 {strides = array<i32>} : memref<4x128x64xf32, #tpu.memory_space<vmem>>, vector<1x1x16xf32>,
        %get3A_338 = arith.constant 3 : i32
        %get3A_339 = arith.index_cast %get3A_338 : i32 to index
        %get3A_340 = arith.index_cast %scan3A_323 : i32 to index
        %get3A_341 = arith.constant 16 : index
        %get3A_342 = tpu.vector_load %arg6[%get3A_339, %get3A_340, %get3A_341] {strides = array<i32>} : memref<4x128x64xf32, #tpu.memory_space<vmem>>, vector<1x1x16xf32>,
        %get3A_343 = vector.shape_cast %get3A_342 : vector<1x1x16xf32> to vector<16xf32>
        %mul3A_344 = arith.constant 8.000000e+00 : f32
        %mul3A_345 = vector.broadcast %mul3A_344 : f32 to vector<16xf32>
        %mul3A_346 = arith.mulf %get3A_343, %mul3A_345 : vector<16xf32>
        %swap3A_347 = arith.constant 3 : i32
        %swap3A_348 = arith.index_cast %swap3A_347 : i32 to index
        %swap3A_349 = arith.index_cast %scan3A_323 : i32 to index
        %swap3A_350 = arith.constant 16 : index
        %swap3A_351 = tpu.vector_load %arg7[%swap3A_348, %swap3A_349, %swap3A_350] {strides = array<i32>} : memref<4x128x64xf32, #tpu.memory_space<vmem>>, vector<1x1x16xf32>,
        %swap3A_352 = vector.shape_cast %swap3A_351 : vector<1x1x16xf32> to vector<16xf32>
        %swap3A_353 = vector.shape_cast %mul3A_346 : vector<16xf32> to vector<1x1x16xf32>
        tpu.vector_store %arg7[%swap3A_348, %swap3A_349, %swap3A_350], %swap3A_353 {strides = array<i32>} : memref<4x128x64xf32, #tpu.memory_space<vmem>>, vector<1x1x16xf32>,
        %get3A_354 = arith.constant 3 : i32
        %get3A_355 = arith.index_cast %get3A_354 : i32 to index
        %get3A_356 = arith.index_cast %scan3A_323 : i32 to index
        %get3A_357 = arith.constant 32 : index
        %get3A_358 = tpu.vector_load %arg6[%get3A_355, %get3A_356, %get3A_357] {strides = array<i32>} : memref<4x128x64xf32, #tpu.memory_space<vmem>>, vector<1x1x16xf32>,
        %get3A_359 = vector.shape_cast %get3A_358 : vector<1x1x16xf32> to vector<16xf32>
        %mul3A_360 = arith.constant 8.000000e+00 : f32
        %mul3A_361 = vector.broadcast %mul3A_360 : f32 to vector<16xf32>
        %mul3A_362 = arith.mulf %get3A_359, %mul3A_361 : vector<16xf32>
        %swap3A_363 = arith.constant 3 : i32
        %swap3A_364 = arith.index_cast %swap3A_363 : i32 to index
        %swap3A_365 = arith.index_cast %scan3A_323 : i32 to index
        %swap3A_366 = arith.constant 32 : index
        %swap3A_367 = tpu.vector_load %arg7[%swap3A_364, %swap3A_365, %swap3A_366] {strides = array<i32>} : memref<4x128x64xf32, #tpu.memory_space<vmem>>, vector<1x1x16xf32>,
        %swap3A_368 = vector.shape_cast %swap3A_367 : vector<1x1x16xf32> to vector<16xf32>
        %swap3A_369 = vector.shape_cast %mul3A_362 : vector<16xf32> to vector<1x1x16xf32>
        tpu.vector_store %arg7[%swap3A_364, %swap3A_365, %swap3A_366], %swap3A_369 {strides = array<i32>} : memref<4x128x64xf32, #tpu.memory_space<vmem>>, vector<1x1x16xf32>,
        %get3A_370 = arith.constant 3 : i32
        %get3A_371 = arith.index_cast %get3A_370 : i32 to index
        %get3A_372 = arith.index_cast %scan3A_323 : i32 to index
        %get3A_373 = arith.constant 48 : index
        %get3A_374 = tpu.vector_load %arg6[%get3A_371, %get3A_372, %get3A_373] {strides = array<i32>} : memref<4x128x64xf32, #tpu.memory_space<vmem>>, vector<1x1x16xf32>,
        %get3A_375 = vector.shape_cast %get3A_374 : vector<1x1x16xf32> to vector<16xf32>
        %mul3A_376 = arith.constant 8.000000e+00 : f32
        %mul3A_377 = vector.broadcast %mul3A_376 : f32 to vector<16xf32>
        %mul3A_378 = arith.mulf %get3A_375, %mul3A_377 : vector<16xf32>
        %swap3A_379 = arith.constant 3 : i32
        %swap3A_380 = arith.index_cast %swap3A_379 : i32 to index
        %swap3A_381 = arith.index_cast %scan3A_323 : i32 to index
        %swap3A_382 = arith.constant 48 : index
        %swap3A_383 = tpu.vector_load %arg7[%swap3A_380, %swap3A_381, %swap3A_382] {strides = array<i32>} : memref<4x128x64xf32, #tpu.memory_space<vmem>>, vector<1x1x16xf32>,
        %swap3A_384 = vector.shape_cast %swap3A_383 : vector<1x1x16xf32> to vector<16xf32>
        %swap3A_385 = vector.shape_cast %mul3A_378 : vector<16xf32> to vector<1x1x16xf32>
        tpu.vector_store %arg7[%swap3A_380, %swap3A_381, %swap3A_382], %swap3A_385 {strides = array<i32>} : memref<4x128x64xf32, #tpu.memory_space<vmem>>, vector<1x1x16xf32>,
        %scan3A_386 = arith.constant 1 : i32
        %scan3A_387 = arith.addi %scan3A_323, %scan3A_386 : i32
        %get3A_388 = arith.constant 3 : i32
        %get3A_389 = arith.index_cast %get3A_388 : i32 to index
        %get3A_390 = arith.index_cast %scan3A_387 : i32 to index
        %get3A_391 = arith.constant 0 : index
        %get3A_392 = tpu.vector_load %arg6[%get3A_389, %get3A_390, %get3A_391] {strides = array<i32>} : memref<4x128x64xf32, #tpu.memory_space<vmem>>, vector<1x1x16xf32>,
        %get3A_393 = vector.shape_cast %get3A_392 : vector<1x1x16xf32> to vector<16xf32>
        %mul3A_394 = arith.constant 8.000000e+00 : f32
        %mul3A_395 = vector.broadcast %mul3A_394 : f32 to vector<16xf32>
        %mul3A_396 = arith.mulf %get3A_393, %mul3A_395 : vector<16xf32>
        %swap3A_397 = arith.constant 3 : i32
        %swap3A_398 = arith.index_cast %swap3A_397 : i32 to index
        %swap3A_399 = arith.index_cast %scan3A_387 : i32 to index
        %swap3A_400 = arith.constant 0 : index
        %swap3A_401 = tpu.vector_load %arg7[%swap3A_398, %swap3A_399, %swap3A_400] {strides = array<i32>} : memref<4x128x64xf32, #tpu.memory_space<vmem>>, vector<1x1x16xf32>,
        %swap3A_402 = vector.shape_cast %swap3A_401 : vector<1x1x16xf32> to vector<16xf32>
        %swap3A_403 = vector.shape_cast %mul3A_396 : vector<16xf32> to vector<1x1x16xf32>
        tpu.vector_store %arg7[%swap3A_398, %swap3A_399, %swap3A_400], %swap3A_403 {strides = array<i32>} : memref<4x128x64xf32, #tpu.memory_space<vmem>>, vector<1x1x16xf32>,
        %get3A_404 = arith.constant 3 : i32
        %get3A_405 = arith.index_cast %get3A_404 : i32 to index
        %get3A_406 = arith.index_cast %scan3A_387 : i32 to index
        %get3A_407 = arith.constant 16 : index
        %get3A_408 = tpu.vector_load %arg6[%get3A_405, %get3A_406, %get3A_407] {strides = array<i32>} : memref<4x128x64xf32, #tpu.memory_space<vmem>>, vector<1x1x16xf32>,
        %get3A_409 = vector.shape_cast %get3A_408 : vector<1x1x16xf32> to vector<16xf32>
        %mul3A_410 = arith.constant 8.000000e+00 : f32
        %mul3A_411 = vector.broadcast %mul3A_410 : f32 to vector<16xf32>
        %mul3A_412 = arith.mulf %get3A_409, %mul3A_411 : vector<16xf32>
        %swap3A_413 = arith.constant 3 : i32
        %swap3A_414 = arith.index_cast %swap3A_413 : i32 to index
        %swap3A_415 = arith.index_cast %scan3A_387 : i32 to index
        %swap3A_416 = arith.constant 16 : index
        %swap3A_417 = tpu.vector_load %arg7[%swap3A_414, %swap3A_415, %swap3A_416] {strides = array<i32>} : memref<4x128x64xf32, #tpu.memory_space<vmem>>, vector<1x1x16xf32>,
        %swap3A_418 = vector.shape_cast %swap3A_417 : vector<1x1x16xf32> to vector<16xf32>
        %swap3A_419 = vector.shape_cast %mul3A_412 : vector<16xf32> to vector<1x1x16xf32>
        tpu.vector_store %arg7[%swap3A_414, %swap3A_415, %swap3A_416], %swap3A_419 {strides = array<i32>} : memref<4x128x64xf32, #tpu.memory_space<vmem>>, vector<1x1x16xf32>,
        %get3A_420 = arith.constant 3 : i32
        %get3A_421 = arith.index_cast %get3A_420 : i32 to index
        %get3A_422 = arith.index_cast %scan3A_387 : i32 to index
        %get3A_423 = arith.constant 32 : index
        %get3A_424 = tpu.vector_load %arg6[%get3A_421, %get3A_422, %get3A_423] {strides = array<i32>} : memref<4x128x64xf32, #tpu.memory_space<vmem>>, vector<1x1x16xf32>,
        %get3A_425 = vector.shape_cast %get3A_424 : vector<1x1x16xf32> to vector<16xf32>
        %mul3A_426 = arith.constant 8.000000e+00 : f32
        %mul3A_427 = vector.broadcast %mul3A_426 : f32 to vector<16xf32>
        %mul3A_428 = arith.mulf %get3A_425, %mul3A_427 : vector<16xf32>
        %swap3A_429 = arith.constant 3 : i32
        %swap3A_430 = arith.index_cast %swap3A_429 : i32 to index
        %swap3A_431 = arith.index_cast %scan3A_387 : i32 to index
        %swap3A_432 = arith.constant 32 : index
        %swap3A_433 = tpu.vector_load %arg7[%swap3A_430, %swap3A_431, %swap3A_432] {strides = array<i32>} : memref<4x128x64xf32, #tpu.memory_space<vmem>>, vector<1x1x16xf32>,
        %swap3A_434 = vector.shape_cast %swap3A_433 : vector<1x1x16xf32> to vector<16xf32>
        %swap3A_435 = vector.shape_cast %mul3A_428 : vector<16xf32> to vector<1x1x16xf32>
        tpu.vector_store %arg7[%swap3A_430, %swap3A_431, %swap3A_432], %swap3A_435 {strides = array<i32>} : memref<4x128x64xf32, #tpu.memory_space<vmem>>, vector<1x1x16xf32>,
        %get3A_436 = arith.constant 3 : i32
        %get3A_437 = arith.index_cast %get3A_436 : i32 to index
        %get3A_438 = arith.index_cast %scan3A_387 : i32 to index
        %get3A_439 = arith.constant 48 : index
        %get3A_440 = tpu.vector_load %arg6[%get3A_437, %get3A_438, %get3A_439] {strides = array<i32>} : memref<4x128x64xf32, #tpu.memory_space<vmem>>, vector<1x1x16xf32>,
        %get3A_441 = vector.shape_cast %get3A_440 : vector<1x1x16xf32> to vector<16xf32>
        %mul3A_442 = arith.constant 8.000000e+00 : f32
        %mul3A_443 = vector.broadcast %mul3A_442 : f32 to vector<16xf32>
        %mul3A_444 = arith.mulf %get3A_441, %mul3A_443 : vector<16xf32>
        %swap3A_445 = arith.constant 3 : i32
        %swap3A_446 = arith.index_cast %swap3A_445 : i32 to index
        %swap3A_447 = arith.index_cast %scan3A_387 : i32 to index
        %swap3A_448 = arith.constant 48 : index
        %swap3A_449 = tpu.vector_load %arg7[%swap3A_446, %swap3A_447, %swap3A_448] {strides = array<i32>} : memref<4x128x64xf32, #tpu.memory_space<vmem>>, vector<1x1x16xf32>,
        %swap3A_450 = vector.shape_cast %swap3A_449 : vector<1x1x16xf32> to vector<16xf32>
        %swap3A_451 = vector.shape_cast %mul3A_444 : vector<16xf32> to vector<1x1x16xf32>
        tpu.vector_store %arg7[%swap3A_446, %swap3A_447, %swap3A_448], %swap3A_451 {strides = array<i32>} : memref<4x128x64xf32, #tpu.memory_space<vmem>>, vector<1x1x16xf32>,
        %scan3A_452 = arith.constant 2 : i32
        %scan3A_453 = arith.addi %scan3A_323, %scan3A_452 : i32
        %get3A_454 = arith.constant 3 : i32
        %get3A_455 = arith.index_cast %get3A_454 : i32 to index
        %get3A_456 = arith.index_cast %scan3A_453 : i32 to index
        %get3A_457 = arith.constant 0 : index
        %get3A_458 = tpu.vector_load %arg6[%get3A_455, %get3A_456, %get3A_457] {strides = array<i32>} : memref<4x128x64xf32, #tpu.memory_space<vmem>>, vector<1x1x16xf32>,
        %get3A_459 = vector.shape_cast %get3A_458 : vector<1x1x16xf32> to vector<16xf32>
        %mul3A_460 = arith.constant 8.000000e+00 : f32
        %mul3A_461 = vector.broadcast %mul3A_460 : f32 to vector<16xf32>
        %mul3A_462 = arith.mulf %get3A_459, %mul3A_461 : vector<16xf32>
        %swap3A_463 = arith.constant 3 : i32
        %swap3A_464 = arith.index_cast %swap3A_463 : i32 to index
        %swap3A_465 = arith.index_cast %scan3A_453 : i32 to index
        %swap3A_466 = arith.constant 0 : index
        %swap3A_467 = tpu.vector_load %arg7[%swap3A_464, %swap3A_465, %swap3A_466] {strides = array<i32>} : memref<4x128x64xf32, #tpu.memory_space<vmem>>, vector<1x1x16xf32>,
        %swap3A_468 = vector.shape_cast %swap3A_467 : vector<1x1x16xf32> to vector<16xf32>
        %swap3A_469 = vector.shape_cast %mul3A_462 : vector<16xf32> to vector<1x1x16xf32>
        tpu.vector_store %arg7[%swap3A_464, %swap3A_465, %swap3A_466], %swap3A_469 {strides = array<i32>} : memref<4x128x64xf32, #tpu.memory_space<vmem>>, vector<1x1x16xf32>,
        %get3A_470 = arith.constant 3 : i32
        %get3A_471 = arith.index_cast %get3A_470 : i32 to index
        %get3A_472 = arith.index_cast %scan3A_453 : i32 to index
        %get3A_473 = arith.constant 16 : index
        %get3A_474 = tpu.vector_load %arg6[%get3A_471, %get3A_472, %get3A_473] {strides = array<i32>} : memref<4x128x64xf32, #tpu.memory_space<vmem>>, vector<1x1x16xf32>,
        %get3A_475 = vector.shape_cast %get3A_474 : vector<1x1x16xf32> to vector<16xf32>
        %mul3A_476 = arith.constant 8.000000e+00 : f32
        %mul3A_477 = vector.broadcast %mul3A_476 : f32 to vector<16xf32>
        %mul3A_478 = arith.mulf %get3A_475, %mul3A_477 : vector<16xf32>
        %swap3A_479 = arith.constant 3 : i32
        %swap3A_480 = arith.index_cast %swap3A_479 : i32 to index
        %swap3A_481 = arith.index_cast %scan3A_453 : i32 to index
        %swap3A_482 = arith.constant 16 : index
        %swap3A_483 = tpu.vector_load %arg7[%swap3A_480, %swap3A_481, %swap3A_482] {strides = array<i32>} : memref<4x128x64xf32, #tpu.memory_space<vmem>>, vector<1x1x16xf32>,
        %swap3A_484 = vector.shape_cast %swap3A_483 : vector<1x1x16xf32> to vector<16xf32>
        %swap3A_485 = vector.shape_cast %mul3A_478 : vector<16xf32> to vector<1x1x16xf32>
        tpu.vector_store %arg7[%swap3A_480, %swap3A_481, %swap3A_482], %swap3A_485 {strides = array<i32>} : memref<4x128x64xf32, #tpu.memory_space<vmem>>, vector<1x1x16xf32>,
        %get3A_486 = arith.constant 3 : i32
        %get3A_487 = arith.index_cast %get3A_486 : i32 to index
        %get3A_488 = arith.index_cast %scan3A_453 : i32 to index
        %get3A_489 = arith.constant 32 : index
        %get3A_490 = tpu.vector_load %arg6[%get3A_487, %get3A_488, %get3A_489] {strides = array<i32>} : memref<4x128x64xf32, #tpu.memory_space<vmem>>, vector<1x1x16xf32>,
        %get3A_491 = vector.shape_cast %get3A_490 : vector<1x1x16xf32> to vector<16xf32>
        %mul3A_492 = arith.constant 8.000000e+00 : f32
        %mul3A_493 = vector.broadcast %mul3A_492 : f32 to vector<16xf32>
        %mul3A_494 = arith.mulf %get3A_491, %mul3A_493 : vector<16xf32>
        %swap3A_495 = arith.constant 3 : i32
        %swap3A_496 = arith.index_cast %swap3A_495 : i32 to index
        %swap3A_497 = arith.index_cast %scan3A_453 : i32 to index
        %swap3A_498 = arith.constant 32 : index
        %swap3A_499 = tpu.vector_load %arg7[%swap3A_496, %swap3A_497, %swap3A_498] {strides = array<i32>} : memref<4x128x64xf32, #tpu.memory_space<vmem>>, vector<1x1x16xf32>,
        %swap3A_500 = vector.shape_cast %swap3A_499 : vector<1x1x16xf32> to vector<16xf32>
        %swap3A_501 = vector.shape_cast %mul3A_494 : vector<16xf32> to vector<1x1x16xf32>
        tpu.vector_store %arg7[%swap3A_496, %swap3A_497, %swap3A_498], %swap3A_501 {strides = array<i32>} : memref<4x128x64xf32, #tpu.memory_space<vmem>>, vector<1x1x16xf32>,
        %get3A_502 = arith.constant 3 : i32
        %get3A_503 = arith.index_cast %get3A_502 : i32 to index
        %get3A_504 = arith.index_cast %scan3A_453 : i32 to index
        %get3A_505 = arith.constant 48 : index
        %get3A_506 = tpu.vector_load %arg6[%get3A_503, %get3A_504, %get3A_505] {strides = array<i32>} : memref<4x128x64xf32, #tpu.memory_space<vmem>>, vector<1x1x16xf32>,
        %get3A_507 = vector.shape_cast %get3A_506 : vector<1x1x16xf32> to vector<16xf32>
        %mul3A_508 = arith.constant 8.000000e+00 : f32
        %mul3A_509 = vector.broadcast %mul3A_508 : f32 to vector<16xf32>
        %mul3A_510 = arith.mulf %get3A_507, %mul3A_509 : vector<16xf32>
        %swap3A_511 = arith.constant 3 : i32
        %swap3A_512 = arith.index_cast %swap3A_511 : i32 to index
        %swap3A_513 = arith.index_cast %scan3A_453 : i32 to index
        %swap3A_514 = arith.constant 48 : index
        %swap3A_515 = tpu.vector_load %arg7[%swap3A_512, %swap3A_513, %swap3A_514] {strides = array<i32>} : memref<4x128x64xf32, #tpu.memory_space<vmem>>, vector<1x1x16xf32>,
        %swap3A_516 = vector.shape_cast %swap3A_515 : vector<1x1x16xf32> to vector<16xf32>
        %swap3A_517 = vector.shape_cast %mul3A_510 : vector<16xf32> to vector<1x1x16xf32>
        tpu.vector_store %arg7[%swap3A_512, %swap3A_513, %swap3A_514], %swap3A_517 {strides = array<i32>} : memref<4x128x64xf32, #tpu.memory_space<vmem>>, vector<1x1x16xf32>,
        %scan3A_518 = arith.constant 3 : i32
        %scan3A_519 = arith.addi %scan3A_323, %scan3A_518 : i32
        %get3A_520 = arith.constant 3 : i32
        %get3A_521 = arith.index_cast %get3A_520 : i32 to index
        %get3A_522 = arith.index_cast %scan3A_519 : i32 to index
        %get3A_523 = arith.constant 0 : index
        %get3A_524 = tpu.vector_load %arg6[%get3A_521, %get3A_522, %get3A_523] {strides = array<i32>} : memref<4x128x64xf32, #tpu.memory_space<vmem>>, vector<1x1x16xf32>,
        %get3A_525 = vector.shape_cast %get3A_524 : vector<1x1x16xf32> to vector<16xf32>
        %mul3A_526 = arith.constant 8.000000e+00 : f32
        %mul3A_527 = vector.broadcast %mul3A_526 : f32 to vector<16xf32>
        %mul3A_528 = arith.mulf %get3A_525, %mul3A_527 : vector<16xf32>
        %swap3A_529 = arith.constant 3 : i32
        %swap3A_530 = arith.index_cast %swap3A_529 : i32 to index
        %swap3A_531 = arith.index_cast %scan3A_519 : i32 to index
        %swap3A_532 = arith.constant 0 : index
        %swap3A_533 = tpu.vector_load %arg7[%swap3A_530, %swap3A_531, %swap3A_532] {strides = array<i32>} : memref<4x128x64xf32, #tpu.memory_space<vmem>>, vector<1x1x16xf32>,
        %swap3A_534 = vector.shape_cast %swap3A_533 : vector<1x1x16xf32> to vector<16xf32>
        %swap3A_535 = vector.shape_cast %mul3A_528 : vector<16xf32> to vector<1x1x16xf32>
        tpu.vector_store %arg7[%swap3A_530, %swap3A_531, %swap3A_532], %swap3A_535 {strides = array<i32>} : memref<4x128x64xf32, #tpu.memory_space<vmem>>, vector<1x1x16xf32>,
        %get3A_536 = arith.constant 3 : i32
        %get3A_537 = arith.index_cast %get3A_536 : i32 to index
        %get3A_538 = arith.index_cast %scan3A_519 : i32 to index
        %get3A_539 = arith.constant 16 : index
        %get3A_540 = tpu.vector_load %arg6[%get3A_537, %get3A_538, %get3A_539] {strides = array<i32>} : memref<4x128x64xf32, #tpu.memory_space<vmem>>, vector<1x1x16xf32>,
        %get3A_541 = vector.shape_cast %get3A_540 : vector<1x1x16xf32> to vector<16xf32>
        %mul3A_542 = arith.constant 8.000000e+00 : f32
        %mul3A_543 = vector.broadcast %mul3A_542 : f32 to vector<16xf32>
        %mul3A_544 = arith.mulf %get3A_541, %mul3A_543 : vector<16xf32>
        %swap3A_545 = arith.constant 3 : i32
        %swap3A_546 = arith.index_cast %swap3A_545 : i32 to index
        %swap3A_547 = arith.index_cast %scan3A_519 : i32 to index
        %swap3A_548 = arith.constant 16 : index
        %swap3A_549 = tpu.vector_load %arg7[%swap3A_546, %swap3A_547, %swap3A_548] {strides = array<i32>} : memref<4x128x64xf32, #tpu.memory_space<vmem>>, vector<1x1x16xf32>,
        %swap3A_550 = vector.shape_cast %swap3A_549 : vector<1x1x16xf32> to vector<16xf32>
        %swap3A_551 = vector.shape_cast %mul3A_544 : vector<16xf32> to vector<1x1x16xf32>
        tpu.vector_store %arg7[%swap3A_546, %swap3A_547, %swap3A_548], %swap3A_551 {strides = array<i32>} : memref<4x128x64xf32, #tpu.memory_space<vmem>>, vector<1x1x16xf32>,
        %get3A_552 = arith.constant 3 : i32
        %get3A_553 = arith.index_cast %get3A_552 : i32 to index
        %get3A_554 = arith.index_cast %scan3A_519 : i32 to index
        %get3A_555 = arith.constant 32 : index
        %get3A_556 = tpu.vector_load %arg6[%get3A_553, %get3A_554, %get3A_555] {strides = array<i32>} : memref<4x128x64xf32, #tpu.memory_space<vmem>>, vector<1x1x16xf32>,
        %get3A_557 = vector.shape_cast %get3A_556 : vector<1x1x16xf32> to vector<16xf32>
        %mul3A_558 = arith.constant 8.000000e+00 : f32
        %mul3A_559 = vector.broadcast %mul3A_558 : f32 to vector<16xf32>
        %mul3A_560 = arith.mulf %get3A_557, %mul3A_559 : vector<16xf32>
        %swap3A_561 = arith.constant 3 : i32
        %swap3A_562 = arith.index_cast %swap3A_561 : i32 to index
        %swap3A_563 = arith.index_cast %scan3A_519 : i32 to index
        %swap3A_564 = arith.constant 32 : index
        %swap3A_565 = tpu.vector_load %arg7[%swap3A_562, %swap3A_563, %swap3A_564] {strides = array<i32>} : memref<4x128x64xf32, #tpu.memory_space<vmem>>, vector<1x1x16xf32>,
        %swap3A_566 = vector.shape_cast %swap3A_565 : vector<1x1x16xf32> to vector<16xf32>
        %swap3A_567 = vector.shape_cast %mul3A_560 : vector<16xf32> to vector<1x1x16xf32>
        tpu.vector_store %arg7[%swap3A_562, %swap3A_563, %swap3A_564], %swap3A_567 {strides = array<i32>} : memref<4x128x64xf32, #tpu.memory_space<vmem>>, vector<1x1x16xf32>,
        %get3A_568 = arith.constant 3 : i32
        %get3A_569 = arith.index_cast %get3A_568 : i32 to index
        %get3A_570 = arith.index_cast %scan3A_519 : i32 to index
        %get3A_571 = arith.constant 48 : index
        %get3A_572 = tpu.vector_load %arg6[%get3A_569, %get3A_570, %get3A_571] {strides = array<i32>} : memref<4x128x64xf32, #tpu.memory_space<vmem>>, vector<1x1x16xf32>,
        %get3A_573 = vector.shape_cast %get3A_572 : vector<1x1x16xf32> to vector<16xf32>
        %mul3A_574 = arith.constant 8.000000e+00 : f32
        %mul3A_575 = vector.broadcast %mul3A_574 : f32 to vector<16xf32>
        %mul3A_576 = arith.mulf %get3A_573, %mul3A_575 : vector<16xf32>
        %swap3A_577 = arith.constant 3 : i32
        %swap3A_578 = arith.index_cast %swap3A_577 : i32 to index
        %swap3A_579 = arith.index_cast %scan3A_519 : i32 to index
        %swap3A_580 = arith.constant 48 : index
        %swap3A_581 = tpu.vector_load %arg7[%swap3A_578, %swap3A_579, %swap3A_580] {strides = array<i32>} : memref<4x128x64xf32, #tpu.memory_space<vmem>>, vector<1x1x16xf32>,
        %swap3A_582 = vector.shape_cast %swap3A_581 : vector<1x1x16xf32> to vector<16xf32>
        %swap3A_583 = vector.shape_cast %mul3A_576 : vector<16xf32> to vector<1x1x16xf32>
        tpu.vector_store %arg7[%swap3A_578, %swap3A_579, %swap3A_580], %swap3A_583 {strides = array<i32>} : memref<4x128x64xf32, #tpu.memory_space<vmem>>, vector<1x1x16xf32>,
        %scan3A_584 = arith.constant 4 : i32
        %scan3A_585 = arith.addi %scan3A_323, %scan3A_584 : i32
        %get3A_586 = arith.constant 3 : i32
        %get3A_587 = arith.index_cast %get3A_586 : i32 to index
        %get3A_588 = arith.index_cast %scan3A_585 : i32 to index
        %get3A_589 = arith.constant 0 : index
        %get3A_590 = tpu.vector_load %arg6[%get3A_587, %get3A_588, %get3A_589] {strides = array<i32>} : memref<4x128x64xf32, #tpu.memory_space<vmem>>, vector<1x1x16xf32>,
        %get3A_591 = vector.shape_cast %get3A_590 : vector<1x1x16xf32> to vector<16xf32>
        %mul3A_592 = arith.constant 8.000000e+00 : f32
        %mul3A_593 = vector.broadcast %mul3A_592 : f32 to vector<16xf32>
        %mul3A_594 = arith.mulf %get3A_591, %mul3A_593 : vector<16xf32>
        %swap3A_595 = arith.constant 3 : i32
        %swap3A_596 = arith.index_cast %swap3A_595 : i32 to index
        %swap3A_597 = arith.index_cast %scan3A_585 : i32 to index
        %swap3A_598 = arith.constant 0 : index
        %swap3A_599 = tpu.vector_load %arg7[%swap3A_596, %swap3A_597, %swap3A_598] {strides = array<i32>} : memref<4x128x64xf32, #tpu.memory_space<vmem>>, vector<1x1x16xf32>,
        %swap3A_600 = vector.shape_cast %swap3A_599 : vector<1x1x16xf32> to vector<16xf32>
        %swap3A_601 = vector.shape_cast %mul3A_594 : vector<16xf32> to vector<1x1x16xf32>
        tpu.vector_store %arg7[%swap3A_596, %swap3A_597, %swap3A_598], %swap3A_601 {strides = array<i32>} : memref<4x128x64xf32, #tpu.memory_space<vmem>>, vector<1x1x16xf32>,
        %get3A_602 = arith.constant 3 : i32
        %get3A_603 = arith.index_cast %get3A_602 : i32 to index
        %get3A_604 = arith.index_cast %scan3A_585 : i32 to index
        %get3A_605 = arith.constant 16 : index
        %get3A_606 = tpu.vector_load %arg6[%get3A_603, %get3A_604, %get3A_605] {strides = array<i32>} : memref<4x128x64xf32, #tpu.memory_space<vmem>>, vector<1x1x16xf32>,
        %get3A_607 = vector.shape_cast %get3A_606 : vector<1x1x16xf32> to vector<16xf32>
        %mul3A_608 = arith.constant 8.000000e+00 : f32
        %mul3A_609 = vector.broadcast %mul3A_608 : f32 to vector<16xf32>
        %mul3A_610 = arith.mulf %get3A_607, %mul3A_609 : vector<16xf32>
        %swap3A_611 = arith.constant 3 : i32
        %swap3A_612 = arith.index_cast %swap3A_611 : i32 to index
        %swap3A_613 = arith.index_cast %scan3A_585 : i32 to index
        %swap3A_614 = arith.constant 16 : index
        %swap3A_615 = tpu.vector_load %arg7[%swap3A_612, %swap3A_613, %swap3A_614] {strides = array<i32>} : memref<4x128x64xf32, #tpu.memory_space<vmem>>, vector<1x1x16xf32>,
        %swap3A_616 = vector.shape_cast %swap3A_615 : vector<1x1x16xf32> to vector<16xf32>
        %swap3A_617 = vector.shape_cast %mul3A_610 : vector<16xf32> to vector<1x1x16xf32>
        tpu.vector_store %arg7[%swap3A_612, %swap3A_613, %swap3A_614], %swap3A_617 {strides = array<i32>} : memref<4x128x64xf32, #tpu.memory_space<vmem>>, vector<1x1x16xf32>,
        %get3A_618 = arith.constant 3 : i32
        %get3A_619 = arith.index_cast %get3A_618 : i32 to index
        %get3A_620 = arith.index_cast %scan3A_585 : i32 to index
        %get3A_621 = arith.constant 32 : index
        %get3A_622 = tpu.vector_load %arg6[%get3A_619, %get3A_620, %get3A_621] {strides = array<i32>} : memref<4x128x64xf32, #tpu.memory_space<vmem>>, vector<1x1x16xf32>,
        %get3A_623 = vector.shape_cast %get3A_622 : vector<1x1x16xf32> to vector<16xf32>
        %mul3A_624 = arith.constant 8.000000e+00 : f32
        %mul3A_625 = vector.broadcast %mul3A_624 : f32 to vector<16xf32>
        %mul3A_626 = arith.mulf %get3A_623, %mul3A_625 : vector<16xf32>
        %swap3A_627 = arith.constant 3 : i32
        %swap3A_628 = arith.index_cast %swap3A_627 : i32 to index
        %swap3A_629 = arith.index_cast %scan3A_585 : i32 to index
        %swap3A_630 = arith.constant 32 : index
        %swap3A_631 = tpu.vector_load %arg7[%swap3A_628, %swap3A_629, %swap3A_630] {strides = array<i32>} : memref<4x128x64xf32, #tpu.memory_space<vmem>>, vector<1x1x16xf32>,
        %swap3A_632 = vector.shape_cast %swap3A_631 : vector<1x1x16xf32> to vector<16xf32>
        %swap3A_633 = vector.shape_cast %mul3A_626 : vector<16xf32> to vector<1x1x16xf32>
        tpu.vector_store %arg7[%swap3A_628, %swap3A_629, %swap3A_630], %swap3A_633 {strides = array<i32>} : memref<4x128x64xf32, #tpu.memory_space<vmem>>, vector<1x1x16xf32>,
        %get3A_634 = arith.constant 3 : i32
        %get3A_635 = arith.index_cast %get3A_634 : i32 to index
        %get3A_636 = arith.index_cast %scan3A_585 : i32 to index
        %get3A_637 = arith.constant 48 : index
        %get3A_638 = tpu.vector_load %arg6[%get3A_635, %get3A_636, %get3A_637] {strides = array<i32>} : memref<4x128x64xf32, #tpu.memory_space<vmem>>, vector<1x1x16xf32>,
        %get3A_639 = vector.shape_cast %get3A_638 : vector<1x1x16xf32> to vector<16xf32>
        %mul3A_640 = arith.constant 8.000000e+00 : f32
        %mul3A_641 = vector.broadcast %mul3A_640 : f32 to vector<16xf32>
        %mul3A_642 = arith.mulf %get3A_639, %mul3A_641 : vector<16xf32>
        %swap3A_643 = arith.constant 3 : i32
        %swap3A_644 = arith.index_cast %swap3A_643 : i32 to index
        %swap3A_645 = arith.index_cast %scan3A_585 : i32 to index
        %swap3A_646 = arith.constant 48 : index
        %swap3A_647 = tpu.vector_load %arg7[%swap3A_644, %swap3A_645, %swap3A_646] {strides = array<i32>} : memref<4x128x64xf32, #tpu.memory_space<vmem>>, vector<1x1x16xf32>,
        %swap3A_648 = vector.shape_cast %swap3A_647 : vector<1x1x16xf32> to vector<16xf32>
        %swap3A_649 = vector.shape_cast %mul3A_642 : vector<16xf32> to vector<1x1x16xf32>
        tpu.vector_store %arg7[%swap3A_644, %swap3A_645, %swap3A_646], %swap3A_649 {strides = array<i32>} : memref<4x128x64xf32, #tpu.memory_space<vmem>>, vector<1x1x16xf32>,
        %scan3A_650 = arith.constant 5 : i32
        %scan3A_651 = arith.addi %scan3A_323, %scan3A_650 : i32
        %get3A_652 = arith.constant 3 : i32
        %get3A_653 = arith.index_cast %get3A_652 : i32 to index
        %get3A_654 = arith.index_cast %scan3A_651 : i32 to index
        %get3A_655 = arith.constant 0 : index
        %get3A_656 = tpu.vector_load %arg6[%get3A_653, %get3A_654, %get3A_655] {strides = array<i32>} : memref<4x128x64xf32, #tpu.memory_space<vmem>>, vector<1x1x16xf32>,
        %get3A_657 = vector.shape_cast %get3A_656 : vector<1x1x16xf32> to vector<16xf32>
        %mul3A_658 = arith.constant 8.000000e+00 : f32
        %mul3A_659 = vector.broadcast %mul3A_658 : f32 to vector<16xf32>
        %mul3A_660 = arith.mulf %get3A_657, %mul3A_659 : vector<16xf32>
        %swap3A_661 = arith.constant 3 : i32
        %swap3A_662 = arith.index_cast %swap3A_661 : i32 to index
        %swap3A_663 = arith.index_cast %scan3A_651 : i32 to index
        %swap3A_664 = arith.constant 0 : index
        %swap3A_665 = tpu.vector_load %arg7[%swap3A_662, %swap3A_663, %swap3A_664] {strides = array<i32>} : memref<4x128x64xf32, #tpu.memory_space<vmem>>, vector<1x1x16xf32>,
        %swap3A_666 = vector.shape_cast %swap3A_665 : vector<1x1x16xf32> to vector<16xf32>
        %swap3A_667 = vector.shape_cast %mul3A_660 : vector<16xf32> to vector<1x1x16xf32>
        tpu.vector_store %arg7[%swap3A_662, %swap3A_663, %swap3A_664], %swap3A_667 {strides = array<i32>} : memref<4x128x64xf32, #tpu.memory_space<vmem>>, vector<1x1x16xf32>,
        %get3A_668 = arith.constant 3 : i32
        %get3A_669 = arith.index_cast %get3A_668 : i32 to index
        %get3A_670 = arith.index_cast %scan3A_651 : i32 to index
        %get3A_671 = arith.constant 16 : index
        %get3A_672 = tpu.vector_load %arg6[%get3A_669, %get3A_670, %get3A_671] {strides = array<i32>} : memref<4x128x64xf32, #tpu.memory_space<vmem>>, vector<1x1x16xf32>,
        %get3A_673 = vector.shape_cast %get3A_672 : vector<1x1x16xf32> to vector<16xf32>
        %mul3A_674 = arith.constant 8.000000e+00 : f32
        %mul3A_675 = vector.broadcast %mul3A_674 : f32 to vector<16xf32>
        %mul3A_676 = arith.mulf %get3A_673, %mul3A_675 : vector<16xf32>
        %swap3A_677 = arith.constant 3 : i32
        %swap3A_678 = arith.index_cast %swap3A_677 : i32 to index
        %swap3A_679 = arith.index_cast %scan3A_651 : i32 to index
        %swap3A_680 = arith.constant 16 : index
        %swap3A_681 = tpu.vector_load %arg7[%swap3A_678, %swap3A_679, %swap3A_680] {strides = array<i32>} : memref<4x128x64xf32, #tpu.memory_space<vmem>>, vector<1x1x16xf32>,
        %swap3A_682 = vector.shape_cast %swap3A_681 : vector<1x1x16xf32> to vector<16xf32>
        %swap3A_683 = vector.shape_cast %mul3A_676 : vector<16xf32> to vector<1x1x16xf32>
        tpu.vector_store %arg7[%swap3A_678, %swap3A_679, %swap3A_680], %swap3A_683 {strides = array<i32>} : memref<4x128x64xf32, #tpu.memory_space<vmem>>, vector<1x1x16xf32>,
        %get3A_684 = arith.constant 3 : i32
        %get3A_685 = arith.index_cast %get3A_684 : i32 to index
        %get3A_686 = arith.index_cast %scan3A_651 : i32 to index
        %get3A_687 = arith.constant 32 : index
        %get3A_688 = tpu.vector_load %arg6[%get3A_685, %get3A_686, %get3A_687] {strides = array<i32>} : memref<4x128x64xf32, #tpu.memory_space<vmem>>, vector<1x1x16xf32>,
        %get3A_689 = vector.shape_cast %get3A_688 : vector<1x1x16xf32> to vector<16xf32>
        %mul3A_690 = arith.constant 8.000000e+00 : f32
        %mul3A_691 = vector.broadcast %mul3A_690 : f32 to vector<16xf32>
        %mul3A_692 = arith.mulf %get3A_689, %mul3A_691 : vector<16xf32>
        %swap3A_693 = arith.constant 3 : i32
        %swap3A_694 = arith.index_cast %swap3A_693 : i32 to index
        %swap3A_695 = arith.index_cast %scan3A_651 : i32 to index
        %swap3A_696 = arith.constant 32 : index
        %swap3A_697 = tpu.vector_load %arg7[%swap3A_694, %swap3A_695, %swap3A_696] {strides = array<i32>} : memref<4x128x64xf32, #tpu.memory_space<vmem>>, vector<1x1x16xf32>,
        %swap3A_698 = vector.shape_cast %swap3A_697 : vector<1x1x16xf32> to vector<16xf32>
        %swap3A_699 = vector.shape_cast %mul3A_692 : vector<16xf32> to vector<1x1x16xf32>
        tpu.vector_store %arg7[%swap3A_694, %swap3A_695, %swap3A_696], %swap3A_699 {strides = array<i32>} : memref<4x128x64xf32, #tpu.memory_space<vmem>>, vector<1x1x16xf32>,
        %get3A_700 = arith.constant 3 : i32
        %get3A_701 = arith.index_cast %get3A_700 : i32 to index
        %get3A_702 = arith.index_cast %scan3A_651 : i32 to index
        %get3A_703 = arith.constant 48 : index
        %get3A_704 = tpu.vector_load %arg6[%get3A_701, %get3A_702, %get3A_703] {strides = array<i32>} : memref<4x128x64xf32, #tpu.memory_space<vmem>>, vector<1x1x16xf32>,
        %get3A_705 = vector.shape_cast %get3A_704 : vector<1x1x16xf32> to vector<16xf32>
        %mul3A_706 = arith.constant 8.000000e+00 : f32
        %mul3A_707 = vector.broadcast %mul3A_706 : f32 to vector<16xf32>
        %mul3A_708 = arith.mulf %get3A_705, %mul3A_707 : vector<16xf32>
        %swap3A_709 = arith.constant 3 : i32
        %swap3A_710 = arith.index_cast %swap3A_709 : i32 to index
        %swap3A_711 = arith.index_cast %scan3A_651 : i32 to index
        %swap3A_712 = arith.constant 48 : index
        %swap3A_713 = tpu.vector_load %arg7[%swap3A_710, %swap3A_711, %swap3A_712] {strides = array<i32>} : memref<4x128x64xf32, #tpu.memory_space<vmem>>, vector<1x1x16xf32>,
        %swap3A_714 = vector.shape_cast %swap3A_713 : vector<1x1x16xf32> to vector<16xf32>
        %swap3A_715 = vector.shape_cast %mul3A_708 : vector<16xf32> to vector<1x1x16xf32>
        tpu.vector_store %arg7[%swap3A_710, %swap3A_711, %swap3A_712], %swap3A_715 {strides = array<i32>} : memref<4x128x64xf32, #tpu.memory_space<vmem>>, vector<1x1x16xf32>,
        %scan3A_716 = arith.constant 6 : i32
        %scan3A_717 = arith.addi %scan3A_323, %scan3A_716 : i32
        %get3A_718 = arith.constant 3 : i32
        %get3A_719 = arith.index_cast %get3A_718 : i32 to index
        %get3A_720 = arith.index_cast %scan3A_717 : i32 to index
        %get3A_721 = arith.constant 0 : index
        %get3A_722 = tpu.vector_load %arg6[%get3A_719, %get3A_720, %get3A_721] {strides = array<i32>} : memref<4x128x64xf32, #tpu.memory_space<vmem>>, vector<1x1x16xf32>,
        %get3A_723 = vector.shape_cast %get3A_722 : vector<1x1x16xf32> to vector<16xf32>
        %mul3A_724 = arith.constant 8.000000e+00 : f32
        %mul3A_725 = vector.broadcast %mul3A_724 : f32 to vector<16xf32>
        %mul3A_726 = arith.mulf %get3A_723, %mul3A_725 : vector<16xf32>
        %swap3A_727 = arith.constant 3 : i32
        %swap3A_728 = arith.index_cast %swap3A_727 : i32 to index
        %swap3A_729 = arith.index_cast %scan3A_717 : i32 to index
        %swap3A_730 = arith.constant 0 : index
        %swap3A_731 = tpu.vector_load %arg7[%swap3A_728, %swap3A_729, %swap3A_730] {strides = array<i32>} : memref<4x128x64xf32, #tpu.memory_space<vmem>>, vector<1x1x16xf32>,
        %swap3A_732 = vector.shape_cast %swap3A_731 : vector<1x1x16xf32> to vector<16xf32>
        %swap3A_733 = vector.shape_cast %mul3A_726 : vector<16xf32> to vector<1x1x16xf32>
        tpu.vector_store %arg7[%swap3A_728, %swap3A_729, %swap3A_730], %swap3A_733 {strides = array<i32>} : memref<4x128x64xf32, #tpu.memory_space<vmem>>, vector<1x1x16xf32>,
        %get3A_734 = arith.constant 3 : i32
        %get3A_735 = arith.index_cast %get3A_734 : i32 to index
        %get3A_736 = arith.index_cast %scan3A_717 : i32 to index
        %get3A_737 = arith.constant 16 : index
        %get3A_738 = tpu.vector_load %arg6[%get3A_735, %get3A_736, %get3A_737] {strides = array<i32>} : memref<4x128x64xf32, #tpu.memory_space<vmem>>, vector<1x1x16xf32>,
        %get3A_739 = vector.shape_cast %get3A_738 : vector<1x1x16xf32> to vector<16xf32>
        %mul3A_740 = arith.constant 8.000000e+00 : f32
        %mul3A_741 = vector.broadcast %mul3A_740 : f32 to vector<16xf32>
        %mul3A_742 = arith.mulf %get3A_739, %mul3A_741 : vector<16xf32>
        %swap3A_743 = arith.constant 3 : i32
        %swap3A_744 = arith.index_cast %swap3A_743 : i32 to index
        %swap3A_745 = arith.index_cast %scan3A_717 : i32 to index
        %swap3A_746 = arith.constant 16 : index
        %swap3A_747 = tpu.vector_load %arg7[%swap3A_744, %swap3A_745, %swap3A_746] {strides = array<i32>} : memref<4x128x64xf32, #tpu.memory_space<vmem>>, vector<1x1x16xf32>,
        %swap3A_748 = vector.shape_cast %swap3A_747 : vector<1x1x16xf32> to vector<16xf32>
        %swap3A_749 = vector.shape_cast %mul3A_742 : vector<16xf32> to vector<1x1x16xf32>
        tpu.vector_store %arg7[%swap3A_744, %swap3A_745, %swap3A_746], %swap3A_749 {strides = array<i32>} : memref<4x128x64xf32, #tpu.memory_space<vmem>>, vector<1x1x16xf32>,
        %get3A_750 = arith.constant 3 : i32
        %get3A_751 = arith.index_cast %get3A_750 : i32 to index
        %get3A_752 = arith.index_cast %scan3A_717 : i32 to index
        %get3A_753 = arith.constant 32 : index
        %get3A_754 = tpu.vector_load %arg6[%get3A_751, %get3A_752, %get3A_753] {strides = array<i32>} : memref<4x128x64xf32, #tpu.memory_space<vmem>>, vector<1x1x16xf32>,
        %get3A_755 = vector.shape_cast %get3A_754 : vector<1x1x16xf32> to vector<16xf32>
        %mul3A_756 = arith.constant 8.000000e+00 : f32
        %mul3A_757 = vector.broadcast %mul3A_756 : f32 to vector<16xf32>
        %mul3A_758 = arith.mulf %get3A_755, %mul3A_757 : vector<16xf32>
        %swap3A_759 = arith.constant 3 : i32
        %swap3A_760 = arith.index_cast %swap3A_759 : i32 to index
        %swap3A_761 = arith.index_cast %scan3A_717 : i32 to index
        %swap3A_762 = arith.constant 32 : index
        %swap3A_763 = tpu.vector_load %arg7[%swap3A_760, %swap3A_761, %swap3A_762] {strides = array<i32>} : memref<4x128x64xf32, #tpu.memory_space<vmem>>, vector<1x1x16xf32>,
        %swap3A_764 = vector.shape_cast %swap3A_763 : vector<1x1x16xf32> to vector<16xf32>
        %swap3A_765 = vector.shape_cast %mul3A_758 : vector<16xf32> to vector<1x1x16xf32>
        tpu.vector_store %arg7[%swap3A_760, %swap3A_761, %swap3A_762], %swap3A_765 {strides = array<i32>} : memref<4x128x64xf32, #tpu.memory_space<vmem>>, vector<1x1x16xf32>,
        %get3A_766 = arith.constant 3 : i32
        %get3A_767 = arith.index_cast %get3A_766 : i32 to index
        %get3A_768 = arith.index_cast %scan3A_717 : i32 to index
        %get3A_769 = arith.constant 48 : index
        %get3A_770 = tpu.vector_load %arg6[%get3A_767, %get3A_768, %get3A_769] {strides = array<i32>} : memref<4x128x64xf32, #tpu.memory_space<vmem>>, vector<1x1x16xf32>,
        %get3A_771 = vector.shape_cast %get3A_770 : vector<1x1x16xf32> to vector<16xf32>
        %mul3A_772 = arith.constant 8.000000e+00 : f32
        %mul3A_773 = vector.broadcast %mul3A_772 : f32 to vector<16xf32>
        %mul3A_774 = arith.mulf %get3A_771, %mul3A_773 : vector<16xf32>
        %swap3A_775 = arith.constant 3 : i32
        %swap3A_776 = arith.index_cast %swap3A_775 : i32 to index
        %swap3A_777 = arith.index_cast %scan3A_717 : i32 to index
        %swap3A_778 = arith.constant 48 : index
        %swap3A_779 = tpu.vector_load %arg7[%swap3A_776, %swap3A_777, %swap3A_778] {strides = array<i32>} : memref<4x128x64xf32, #tpu.memory_space<vmem>>, vector<1x1x16xf32>,
        %swap3A_780 = vector.shape_cast %swap3A_779 : vector<1x1x16xf32> to vector<16xf32>
        %swap3A_781 = vector.shape_cast %mul3A_774 : vector<16xf32> to vector<1x1x16xf32>
        tpu.vector_store %arg7[%swap3A_776, %swap3A_777, %swap3A_778], %swap3A_781 {strides = array<i32>} : memref<4x128x64xf32, #tpu.memory_space<vmem>>, vector<1x1x16xf32>,
        %scan3A_782 = arith.constant 7 : i32
        %scan3A_783 = arith.addi %scan3A_323, %scan3A_782 : i32
        %get3A_784 = arith.constant 3 : i32
        %get3A_785 = arith.index_cast %get3A_784 : i32 to index
        %get3A_786 = arith.index_cast %scan3A_783 : i32 to index
        %get3A_787 = arith.constant 0 : index
        %get3A_788 = tpu.vector_load %arg6[%get3A_785, %get3A_786, %get3A_787] {strides = array<i32>} : memref<4x128x64xf32, #tpu.memory_space<vmem>>, vector<1x1x16xf32>,
        %get3A_789 = vector.shape_cast %get3A_788 : vector<1x1x16xf32> to vector<16xf32>
        %mul3A_790 = arith.constant 8.000000e+00 : f32
        %mul3A_791 = vector.broadcast %mul3A_790 : f32 to vector<16xf32>
        %mul3A_792 = arith.mulf %get3A_789, %mul3A_791 : vector<16xf32>
        %swap3A_793 = arith.constant 3 : i32
        %swap3A_794 = arith.index_cast %swap3A_793 : i32 to index
        %swap3A_795 = arith.index_cast %scan3A_783 : i32 to index
        %swap3A_796 = arith.constant 0 : index
        %swap3A_797 = tpu.vector_load %arg7[%swap3A_794, %swap3A_795, %swap3A_796] {strides = array<i32>} : memref<4x128x64xf32, #tpu.memory_space<vmem>>, vector<1x1x16xf32>,
        %swap3A_798 = vector.shape_cast %swap3A_797 : vector<1x1x16xf32> to vector<16xf32>
        %swap3A_799 = vector.shape_cast %mul3A_792 : vector<16xf32> to vector<1x1x16xf32>
        tpu.vector_store %arg7[%swap3A_794, %swap3A_795, %swap3A_796], %swap3A_799 {strides = array<i32>} : memref<4x128x64xf32, #tpu.memory_space<vmem>>, vector<1x1x16xf32>,
        %get3A_800 = arith.constant 3 : i32
        %get3A_801 = arith.index_cast %get3A_800 : i32 to index
        %get3A_802 = arith.index_cast %scan3A_783 : i32 to index
        %get3A_803 = arith.constant 16 : index
        %get3A_804 = tpu.vector_load %arg6[%get3A_801, %get3A_802, %get3A_803] {strides = array<i32>} : memref<4x128x64xf32, #tpu.memory_space<vmem>>, vector<1x1x16xf32>,
        %get3A_805 = vector.shape_cast %get3A_804 : vector<1x1x16xf32> to vector<16xf32>
        %mul3A_806 = arith.constant 8.000000e+00 : f32
        %mul3A_807 = vector.broadcast %mul3A_806 : f32 to vector<16xf32>
        %mul3A_808 = arith.mulf %get3A_805, %mul3A_807 : vector<16xf32>
        %swap3A_809 = arith.constant 3 : i32
        %swap3A_810 = arith.index_cast %swap3A_809 : i32 to index
        %swap3A_811 = arith.index_cast %scan3A_783 : i32 to index
        %swap3A_812 = arith.constant 16 : index
        %swap3A_813 = tpu.vector_load %arg7[%swap3A_810, %swap3A_811, %swap3A_812] {strides = array<i32>} : memref<4x128x64xf32, #tpu.memory_space<vmem>>, vector<1x1x16xf32>,
        %swap3A_814 = vector.shape_cast %swap3A_813 : vector<1x1x16xf32> to vector<16xf32>
        %swap3A_815 = vector.shape_cast %mul3A_808 : vector<16xf32> to vector<1x1x16xf32>
        tpu.vector_store %arg7[%swap3A_810, %swap3A_811, %swap3A_812], %swap3A_815 {strides = array<i32>} : memref<4x128x64xf32, #tpu.memory_space<vmem>>, vector<1x1x16xf32>,
        %get3A_816 = arith.constant 3 : i32
        %get3A_817 = arith.index_cast %get3A_816 : i32 to index
        %get3A_818 = arith.index_cast %scan3A_783 : i32 to index
        %get3A_819 = arith.constant 32 : index
        %get3A_820 = tpu.vector_load %arg6[%get3A_817, %get3A_818, %get3A_819] {strides = array<i32>} : memref<4x128x64xf32, #tpu.memory_space<vmem>>, vector<1x1x16xf32>,
        %get3A_821 = vector.shape_cast %get3A_820 : vector<1x1x16xf32> to vector<16xf32>
        %mul3A_822 = arith.constant 8.000000e+00 : f32
        %mul3A_823 = vector.broadcast %mul3A_822 : f32 to vector<16xf32>
        %mul3A_824 = arith.mulf %get3A_821, %mul3A_823 : vector<16xf32>
        %swap3A_825 = arith.constant 3 : i32
        %swap3A_826 = arith.index_cast %swap3A_825 : i32 to index
        %swap3A_827 = arith.index_cast %scan3A_783 : i32 to index
        %swap3A_828 = arith.constant 32 : index
        %swap3A_829 = tpu.vector_load %arg7[%swap3A_826, %swap3A_827, %swap3A_828] {strides = array<i32>} : memref<4x128x64xf32, #tpu.memory_space<vmem>>, vector<1x1x16xf32>,
        %swap3A_830 = vector.shape_cast %swap3A_829 : vector<1x1x16xf32> to vector<16xf32>
        %swap3A_831 = vector.shape_cast %mul3A_824 : vector<16xf32> to vector<1x1x16xf32>
        tpu.vector_store %arg7[%swap3A_826, %swap3A_827, %swap3A_828], %swap3A_831 {strides = array<i32>} : memref<4x128x64xf32, #tpu.memory_space<vmem>>, vector<1x1x16xf32>,
        %get3A_832 = arith.constant 3 : i32
        %get3A_833 = arith.index_cast %get3A_832 : i32 to index
        %get3A_834 = arith.index_cast %scan3A_783 : i32 to index
        %get3A_835 = arith.constant 48 : index
        %get3A_836 = tpu.vector_load %arg6[%get3A_833, %get3A_834, %get3A_835] {strides = array<i32>} : memref<4x128x64xf32, #tpu.memory_space<vmem>>, vector<1x1x16xf32>,
        %get3A_837 = vector.shape_cast %get3A_836 : vector<1x1x16xf32> to vector<16xf32>
        %mul3A_838 = arith.constant 8.000000e+00 : f32
        %mul3A_839 = vector.broadcast %mul3A_838 : f32 to vector<16xf32>
        %mul3A_840 = arith.mulf %get3A_837, %mul3A_839 : vector<16xf32>
        %swap3A_841 = arith.constant 3 : i32
        %swap3A_842 = arith.index_cast %swap3A_841 : i32 to index
        %swap3A_843 = arith.index_cast %scan3A_783 : i32 to index
        %swap3A_844 = arith.constant 48 : index
        %swap3A_845 = tpu.vector_load %arg7[%swap3A_842, %swap3A_843, %swap3A_844] {strides = array<i32>} : memref<4x128x64xf32, #tpu.memory_space<vmem>>, vector<1x1x16xf32>,
        %swap3A_846 = vector.shape_cast %swap3A_845 : vector<1x1x16xf32> to vector<16xf32>
        %swap3A_847 = vector.shape_cast %mul3A_840 : vector<16xf32> to vector<1x1x16xf32>
        tpu.vector_store %arg7[%swap3A_842, %swap3A_843, %swap3A_844], %swap3A_847 {strides = array<i32>} : memref<4x128x64xf32, #tpu.memory_space<vmem>>, vector<1x1x16xf32>,
      }
      %scan3A_299 = arith.constant 128 : i32
      %mul3A_300 = arith.constant 128 : i32
      %mul3A_301 = arith.muli %add3A_277, %mul3A_300 : i32
      %add3A_302 = arith.addi %mul3A_2, %mul3A_301 : i32
      %dma_start3A_303 = arith.constant 3 : i32
      %dma_start3A_304 = arith.constant 0 : i32
      %dma_start3A_305 = arith.constant 0 : i32
      %dma_start3A_306 = tpu.memref_slice %arg7[%dma_start3A_303, %dma_start3A_304, %dma_start3A_305] : memref<4x128x64xf32, #tpu.memory_space<vmem>> -> memref<1x128x64xf32, #tpu.memory_space<vmem>>
      %dma_start3A_307 = tpu.memref_squeeze %dma_start3A_306 : memref<1x128x64xf32, #tpu.memory_space<vmem>> -> memref<128x64xf32, #tpu.memory_space<vmem>>
      %dma_start3A_308 = arith.constant 0 : i32
      %dma_start3A_309 = tpu.memref_slice %arg4[%add3A_302, %dma_start3A_308] : memref<819200x64xf32, #tpu.memory_space<hbm>> -> memref<128x64xf32, #tpu.memory_space<hbm>>
      %dma_start3A_310 = arith.constant 0 : i32
      %dma_start3A_311 = tpu.memref_slice %arg4[%add3A_302, %dma_start3A_310] : memref<819200x64xf32, #tpu.memory_space<hbm>> -> memref<128x64xf32, #tpu.memory_space<hbm>>
      %dma_start3A_312 = arith.constant 0 : i32
      %dma_start3A_313 = arith.constant 0 : i32
      %dma_start3A_314 = tpu.memref_slice %arg7[%dma_start3A_303, %dma_start3A_312, %dma_start3A_313] : memref<4x128x64xf32, #tpu.memory_space<vmem>> -> memref<1x128x64xf32, #tpu.memory_space<vmem>>
      %dma_start3A_315 = tpu.memref_squeeze %dma_start3A_314 : memref<1x128x64xf32, #tpu.memory_space<vmem>> -> memref<128x64xf32, #tpu.memory_space<vmem>>
      tpu.enqueue_dma source(%dma_start3A_315 : memref<128x64xf32, #tpu.memory_space<vmem>>) target(%dma_start3A_311 : memref<128x64xf32, #tpu.memory_space<hbm>>) target_semaphore(%arg16 : memref<!tpu.dma_semaphore, #tpu.memory_space<semaphore_mem>>)
      %add3A_316 = arith.constant 4 : i32
      %add3A_317 = arith.addi %add3A_277, %add3A_316 : i32
      %lt3A_318 = arith.constant 200 : i32
      %lt3A_319 = arith.cmpi slt, %add3A_317, %lt3A_318 : i32
      %convert_element_type3A_320 = arith.extui %lt3A_319 : i1 to i32
      %cond3A_321 = arith.constant 0 : i32
      %cond3A_322 = arith.cmpi ne, %convert_element_type3A_320, %cond3A_321 : i32
      scf.if %cond3A_322 {
        %add3A_323 = arith.constant 4 : i32
        %add3A_324 = arith.addi %add3A_277, %add3A_323 : i32
        %dma_start3A_325 = arith.constant 3 : i32
        %dma_start3A_326 = arith.constant 0 : i32
        %dma_start3A_327 = arith.constant 0 : i32
        %dma_start3A_328 = tpu.memref_slice %arg6[%dma_start3A_325, %dma_start3A_326, %dma_start3A_327] : memref<4x128x64xf32, #tpu.memory_space<vmem>> -> memref<1x128x64xf32, #tpu.memory_space<vmem>>
        %dma_start3A_329 = tpu.memref_squeeze %dma_start3A_328 : memref<1x128x64xf32, #tpu.memory_space<vmem>> -> memref<128x64xf32, #tpu.memory_space<vmem>>
        %dma_start3A_330 = arith.constant 0 : i32
        %dma_start3A_331 = tpu.memref_slice %arg5[%add3A_324, %dma_start3A_330] : memref<200x128xi32, #tpu.memory_space<vmem>> -> memref<1x128xi32, #tpu.memory_space<vmem>>
        %dma_start3A_332 = tpu.memref_squeeze %dma_start3A_331 : memref<1x128xi32, #tpu.memory_space<vmem>> -> memref<128xi32, #tpu.memory_space<vmem>>
        %dma_start3A_333 = arith.constant 0 : i32
        %dma_start3A_334 = arith.constant 0 : i32
        %dma_start3A_335 = tpu.memref_slice %arg3[%dma_start3A_333, %dma_start3A_334] : memref<1000000x64xf32, #tpu.memory_space<hbm>> -> memref<1000000x64xf32, #tpu.memory_space<hbm>>
        tpu.enqueue_indirect_dma source(%dma_start3A_335 : memref<1000000x64xf32, #tpu.memory_space<hbm>>) target(%dma_start3A_329 : memref<128x64xf32, #tpu.memory_space<vmem>>) offsets(%dma_start3A_332 : memref<128xi32, #tpu.memory_space<vmem>>) semaphore(%arg12 : memref<!tpu.dma_semaphore, #tpu.memory_space<semaphore_mem>>)
      } else {
      }
    }
    %scan3A_69 = arith.constant 50 : i32
    %add3A_70 = arith.constant 25088 : i32
    %add3A_71 = arith.addi %mul3A_2, %add3A_70 : i32
    %dma_wait3A_72 = arith.constant 0 : i32
    %dma_wait3A_73 = arith.constant 0 : i32
    %dma_wait3A_74 = arith.constant 0 : i32
    %dma_wait3A_75 = tpu.memref_slice %arg7[%dma_wait3A_72, %dma_wait3A_73, %dma_wait3A_74] : memref<4x128x64xf32, #tpu.memory_space<vmem>> -> memref<1x128x64xf32, #tpu.memory_space<vmem>>
    %dma_wait3A_76 = tpu.memref_squeeze %dma_wait3A_75 : memref<1x128x64xf32, #tpu.memory_space<vmem>> -> memref<128x64xf32, #tpu.memory_space<vmem>>
    %dma_wait3A_77 = arith.constant 0 : i32
    %dma_wait3A_78 = tpu.memref_slice %arg4[%add3A_71, %dma_wait3A_77] : memref<819200x64xf32, #tpu.memory_space<hbm>> -> memref<128x64xf32, #tpu.memory_space<hbm>>
    %dma_wait3A_79 = arith.constant 0 : i32
    %dma_wait3A_80 = tpu.memref_slice %arg4[%add3A_71, %dma_wait3A_79] : memref<819200x64xf32, #tpu.memory_space<hbm>> -> memref<128x64xf32, #tpu.memory_space<hbm>>
    %dma_wait3A_81 = arith.constant 0 : i32
    %dma_wait3A_82 = arith.constant 0 : i32
    %dma_wait3A_83 = tpu.memref_slice %arg7[%dma_wait3A_72, %dma_wait3A_81, %dma_wait3A_82] : memref<4x128x64xf32, #tpu.memory_space<vmem>> -> memref<1x128x64xf32, #tpu.memory_space<vmem>>
    %dma_wait3A_84 = tpu.memref_squeeze %dma_wait3A_83 : memref<1x128x64xf32, #tpu.memory_space<vmem>> -> memref<128x64xf32, #tpu.memory_space<vmem>>
    tpu.wait_dma2 semaphore(%arg13 : memref<!tpu.dma_semaphore, #tpu.memory_space<semaphore_mem>>) src(%dma_wait3A_84 : memref<128x64xf32, #tpu.memory_space<vmem>>) dst(%dma_wait3A_80 : memref<128x64xf32, #tpu.memory_space<hbm>>)
    %add3A_85 = arith.constant 25216 : i32
    %add3A_86 = arith.addi %mul3A_2, %add3A_85 : i32
    %dma_wait3A_87 = arith.constant 1 : i32
    %dma_wait3A_88 = arith.constant 0 : i32
    %dma_wait3A_89 = arith.constant 0 : i32
    %dma_wait3A_90 = tpu.memref_slice %arg7[%dma_wait3A_87, %dma_wait3A_88, %dma_wait3A_89] : memref<4x128x64xf32, #tpu.memory_space<vmem>> -> memref<1x128x64xf32, #tpu.memory_space<vmem>>
    %dma_wait3A_91 = tpu.memref_squeeze %dma_wait3A_90 : memref<1x128x64xf32, #tpu.memory_space<vmem>> -> memref<128x64xf32, #tpu.memory_space<vmem>>
    %dma_wait3A_92 = arith.constant 0 : i32
    %dma_wait3A_93 = tpu.memref_slice %arg4[%add3A_86, %dma_wait3A_92] : memref<819200x64xf32, #tpu.memory_space<hbm>> -> memref<128x64xf32, #tpu.memory_space<hbm>>
    %dma_wait3A_94 = arith.constant 0 : i32
    %dma_wait3A_95 = tpu.memref_slice %arg4[%add3A_86, %dma_wait3A_94] : memref<819200x64xf32, #tpu.memory_space<hbm>> -> memref<128x64xf32, #tpu.memory_space<hbm>>
    %dma_wait3A_96 = arith.constant 0 : i32
    %dma_wait3A_97 = arith.constant 0 : i32
    %dma_wait3A_98 = tpu.memref_slice %arg7[%dma_wait3A_87, %dma_wait3A_96, %dma_wait3A_97] : memref<4x128x64xf32, #tpu.memory_space<vmem>> -> memref<1x128x64xf32, #tpu.memory_space<vmem>>
    %dma_wait3A_99 = tpu.memref_squeeze %dma_wait3A_98 : memref<1x128x64xf32, #tpu.memory_space<vmem>> -> memref<128x64xf32, #tpu.memory_space<vmem>>
    tpu.wait_dma2 semaphore(%arg14 : memref<!tpu.dma_semaphore, #tpu.memory_space<semaphore_mem>>) src(%dma_wait3A_99 : memref<128x64xf32, #tpu.memory_space<vmem>>) dst(%dma_wait3A_95 : memref<128x64xf32, #tpu.memory_space<hbm>>)
    %add3A_100 = arith.constant 25344 : i32
    %add3A_101 = arith.addi %mul3A_2, %add3A_100 : i32
    %dma_wait3A_102 = arith.constant 2 : i32
    %dma_wait3A_103 = arith.constant 0 : i32
    %dma_wait3A_104 = arith.constant 0 : i32
    %dma_wait3A_105 = tpu.memref_slice %arg7[%dma_wait3A_102, %dma_wait3A_103, %dma_wait3A_104] : memref<4x128x64xf32, #tpu.memory_space<vmem>> -> memref<1x128x64xf32, #tpu.memory_space<vmem>>
    %dma_wait3A_106 = tpu.memref_squeeze %dma_wait3A_105 : memref<1x128x64xf32, #tpu.memory_space<vmem>> -> memref<128x64xf32, #tpu.memory_space<vmem>>
    %dma_wait3A_107 = arith.constant 0 : i32
    %dma_wait3A_108 = tpu.memref_slice %arg4[%add3A_101, %dma_wait3A_107] : memref<819200x64xf32, #tpu.memory_space<hbm>> -> memref<128x64xf32, #tpu.memory_space<hbm>>
    %dma_wait3A_109 = arith.constant 0 : i32
    %dma_wait3A_110 = tpu.memref_slice %arg4[%add3A_101, %dma_wait3A_109] : memref<819200x64xf32, #tpu.memory_space<hbm>> -> memref<128x64xf32, #tpu.memory_space<hbm>>
    %dma_wait3A_111 = arith.constant 0 : i32
    %dma_wait3A_112 = arith.constant 0 : i32
    %dma_wait3A_113 = tpu.memref_slice %arg7[%dma_wait3A_102, %dma_wait3A_111, %dma_wait3A_112] : memref<4x128x64xf32, #tpu.memory_space<vmem>> -> memref<1x128x64xf32, #tpu.memory_space<vmem>>
    %dma_wait3A_114 = tpu.memref_squeeze %dma_wait3A_113 : memref<1x128x64xf32, #tpu.memory_space<vmem>> -> memref<128x64xf32, #tpu.memory_space<vmem>>
    tpu.wait_dma2 semaphore(%arg15 : memref<!tpu.dma_semaphore, #tpu.memory_space<semaphore_mem>>) src(%dma_wait3A_114 : memref<128x64xf32, #tpu.memory_space<vmem>>) dst(%dma_wait3A_110 : memref<128x64xf32, #tpu.memory_space<hbm>>)
    %add3A_115 = arith.constant 25472 : i32
    %add3A_116 = arith.addi %mul3A_2, %add3A_115 : i32
    %dma_wait3A_117 = arith.constant 3 : i32
    %dma_wait3A_118 = arith.constant 0 : i32
    %dma_wait3A_119 = arith.constant 0 : i32
    %dma_wait3A_120 = tpu.memref_slice %arg7[%dma_wait3A_117, %dma_wait3A_118, %dma_wait3A_119] : memref<4x128x64xf32, #tpu.memory_space<vmem>> -> memref<1x128x64xf32, #tpu.memory_space<vmem>>
    %dma_wait3A_121 = tpu.memref_squeeze %dma_wait3A_120 : memref<1x128x64xf32, #tpu.memory_space<vmem>> -> memref<128x64xf32, #tpu.memory_space<vmem>>
    %dma_wait3A_122 = arith.constant 0 : i32
    %dma_wait3A_123 = tpu.memref_slice %arg4[%add3A_116, %dma_wait3A_122] : memref<819200x64xf32, #tpu.memory_space<hbm>> -> memref<128x64xf32, #tpu.memory_space<hbm>>
    %dma_wait3A_124 = arith.constant 0 : i32
    %dma_wait3A_125 = tpu.memref_slice %arg4[%add3A_116, %dma_wait3A_124] : memref<819200x64xf32, #tpu.memory_space<hbm>> -> memref<128x64xf32, #tpu.memory_space<hbm>>
    %dma_wait3A_126 = arith.constant 0 : i32
    %dma_wait3A_127 = arith.constant 0 : i32
    %dma_wait3A_128 = tpu.memref_slice %arg7[%dma_wait3A_117, %dma_wait3A_126, %dma_wait3A_127] : memref<4x128x64xf32, #tpu.memory_space<vmem>> -> memref<1x128x64xf32, #tpu.memory_space<vmem>>
    %dma_wait3A_129 = tpu.memref_squeeze %dma_wait3A_128 : memref<1x128x64xf32, #tpu.memory_space<vmem>> -> memref<128x64xf32, #tpu.memory_space<vmem>>
    tpu.wait_dma2 semaphore(%arg16 : memref<!tpu.dma_semaphore, #tpu.memory_space<semaphore_mem>>) src(%dma_wait3A_129 : memref<128x64xf32, #tpu.memory_space<vmem>>) dst(%dma_wait3A_125 : memref<128x64xf32, #tpu.memory_space<hbm>>)
    return
  }
}

</mosaic_0001>

<sc_bundles>
// kernel: kernel.3.cloned.1.call-start
scs
__scs_entry_jumppad:
0x0: {  	(pc) =	sbr.rel $0x88, $3  }
0x1: {  	(tag) =	ssettag $0x0;
	lr =	simm.s32 $0x1  }
0x2: {  	[smem:$0x3F9F] =	sst lr;
	_ =	strace $0xD0000000  }
0x3: {  	_ = 	snop  }
0x4: {  	_ = 	snop  }
0x5: {  	_ = 	snop  }
0x6: {  	_ = 	snop  }
0x7: {  	_ = 	snop  }
__scs_overlays_trampoline_lowered:
0x8: {  	[smem:$0x3FAE] =	sst s0  }
0x9: {  	[smem:$0x3FAF] =	sst s1  }
0xa: {  	[smem:$0x3FB0] =	sst s2  }
0xb: {  	[smem:$0x3FB1] =	sst s3  }
0xc: {  	[smem:$0x3FB2] =	sst s4  }
0xd: {  	[smem:$0x3FB3] =	sst s5  }
0xe: {  	[smem:$0x3FB4] =	sst s6  }
0xf: {  	[smem:$0x3FB5] =	sst s7  }
0x10: {  	[smem:$0x3FB6] =	sst s8  }
0x11: {  	[smem:$0x3FB7] =	sst s9;
	s0 =	simm.s32 @!p0 $0x0  }
0x12: {  	s1 =	sld [smem:$0x3F9D];
	s0 =	simm.s32 @p0 $0x1  }
0x13: {  	[smem:$0x3FB8] =	sst s0;
	s0 =	simm.s32 @!p1 $0x0  }
0x14: {  	s2 =	sld [smem:$0x3F9C];
	s0 =	simm.s32 @p1 $0x1  }
0x15: {  	[smem:$0x3FB9] =	sst s0;
	s0 =	simm.s32 @!p2 $0x0  }
0x16: {  	s3 =	sld [smem:$0x3FDB];
	s0 =	simm.s32 @p2 $0x1  }
0x17: {  	s4 =	simm.s32 $0x1BF5;
	[smem:$0x3FBB] =	sst s0  }
0x18: {  	s0 =	sld [smem:$0x3F9E];
	_ =	swait.ge [sflag:s4], $0x0  }
0x19: {  	s7 =	sld [smem:$0x3F9F]  }
0x1a: {  	s8 =	sadd.s32 $0xFFFFE003, lr  }
0x1b: {  	s9 =	sadd.s32 $0xFFFFFEF7, lr;
	s5 =	simm.s32 $0xFFFFFFFF;
	p2 =	slt.u32 s8, $0xFFFFF086  }
0x1c: {  	p1 =	slt.u32 s9, $0xF7A;
	s5 =	simm.s32 @!p2 $0x0  }
0x1d: {  	s5 =	simm.s32 @p1 $0x1;
	p0 =	seq.s32 s7, s2  }
0x1e: {  	s7 =	smul.u32 @!p0 $0xF7A, s2;
	p2 =	seq.s32 @!p0 s5, $0x0  }
0x1f: {  	s9 =	smul.u32 $0xF7A, s1;
	s8 =	simm.s32 @!p0 $0x1BF5;
	p2 =	por !p2, p0  }
0x20: {  	[sflag:s8] =	ssyncset.s32 @!p0 $0xFFFFF086;
	s6 =	sadd.s32 @!p0 s3, s7;
	s7 =	simm.s32 @!p0 $0x108  }
0x21: {  	s3 =	sadd.s32 s3, s9;
	s6 =	sadd.s32 @!p0 $0x88, s6;
	s7 =	simm.s32 @p2 $0x1082  }
0x22: {  	[simem:s7], [sflag:s8] =	dma.local @!p0 [hbm:s6], $0xF7A  }
0x23: {  	s9 =	sor.u32 $0xD0000000, s2;
	s6 =	simm.s32 $0x108;
	_ =	swait.ge @!p0 [sflag:s8], $0x0  }
0x24: {  	s3 =	sadd.s32 $0x88, s3;
	s6 =	simm.s32 @!p1 $0x1082;
	[sflag:s4] =	ssyncset.s32 $0xFFFFF086  }
0x25: {  	[simem:s6], [sflag:s4] =	dma.local [hbm:s3], $0xF7A  }
0x26: {  	[smem:$0x3F9F] =	sst s1;
	(tag) =	ssettag s2;
	_ =	strace s9  }
0x27: {  	s1 =	sld [smem:$0x3FAF]  }
0x28: {  	s2 =	sld [smem:$0x3FB0]  }
0x29: {  	s4 =	sld [smem:$0x3FB2]  }
0x2a: {  	p0 =	seq.s32 s5, $0x0;
	s5 =	sld [smem:$0x3FB3]  }
0x2b: {  	s6 =	sld [smem:$0x3FB4]  }
0x2c: {  	s7 =	sld [smem:$0x3FB5]  }
0x2d: {  	s3 =	simm.s32 $0x108;
	s8 =	sld [smem:$0x3FB6]  }
0x2e: {  	s3 =	simm.s32 @!p0 $0x1082;
	s9 =	sld [smem:$0x3FB7]  }
0x2f: {  	lr =	sadd.s32 s0, s3;
	s0 =	sld [smem:$0x3FAE]  }
0x30: {  	s3 =	sld [smem:$0x3FB1]  }
0x31: {  	[smem:$0x3FBA] =	sst s10  }
0x32: {  	s10 =	sld [smem:$0x3FB8];
	_ =	sdelay $0x3  }
0x33: {  	p0 =	seq.s32 s10, $0x1;
	s10 =	sld [smem:$0x3FBA];
	_ =	sdelay $0x3  }
0x34: {  	[smem:$0x3FBA] =	sst s10  }
0x35: {  	s10 =	sld [smem:$0x3FB9];
	_ =	sdelay $0x3  }
0x36: {  	p1 =	seq.s32 s10, $0x1;
	s10 =	sld [smem:$0x3FBA];
	_ =	sdelay $0x3  }
0x37: {  	[smem:$0x3FBA] =	sst s10  }
0x38: {  	s10 =	sld [smem:$0x3FBB]  }
0x39: {  	_ = 	snop;
	(pc) =	sbr.ind lr, $3  }
0x3a: {  	_ = 	snop  }
0x3b: {  	_ = 	snop  }
0x3c: {  	p2 =	seq.s32 s10, $0x1;
	s10 =	sld [smem:$0x3FBA]  }
0x3d: {  	_ =	shalt  }
0x3e: {  	_ =	shalt  }
0x3f: {  	_ =	shalt  }
0x40: {  	_ =	shalt  }
0x41: {  	_ =	shalt  }
0x42: {  	_ =	shalt  }
0x43: {  	_ =	shalt  }
0x44: {  	_ =	shalt  }
0x45: {  	_ =	shalt  }
0x46: {  	_ =	shalt  }
0x47: {  	_ =	shalt  }
0x48: {  	_ =	shalt  }
0x49: {  	_ =	shalt  }
0x4a: {  	_ =	shalt  }
0x4b: {  	_ =	shalt  }
0x4c: {  	_ =	shalt  }
0x4d: {  	_ =	shalt  }
0x4e: {  	_ =	shalt  }
0x4f: {  	_ =	shalt  }
0x50: {  	_ =	shalt  }
0x51: {  	_ =	shalt  }
0x52: {  	_ =	shalt  }
0x53: {  	_ =	shalt  }
0x54: {  	_ =	shalt  }
0x55: {  	_ =	shalt  }
0x56: {  	_ =	shalt  }
0x57: {  	_ =	shalt  }
0x58: {  	_ =	shalt  }
0x59: {  	_ =	shalt  }
0x5a: {  	_ =	shalt  }
0x5b: {  	_ =	shalt  }
0x5c: {  	_ =	shalt  }
0x5d: {  	_ =	shalt  }
0x5e: {  	_ =	shalt  }
0x5f: {  	_ =	shalt  }
0x60: {  	_ =	shalt  }
0x61: {  	_ =	shalt  }
0x62: {  	_ =	shalt  }
0x63: {  	_ =	shalt  }
0x64: {  	_ =	shalt  }
0x65: {  	_ =	shalt  }
0x66: {  	_ =	shalt  }
0x67: {  	_ =	shalt  }
0x68: {  	_ =	shalt  }
0x69: {  	_ =	shalt  }
0x6a: {  	_ =	shalt  }
0x6b: {  	_ =	shalt  }
0x6c: {  	_ =	shalt  }
0x6d: {  	_ =	shalt  }
0x6e: {  	_ =	shalt  }
0x6f: {  	_ =	shalt  }
0x70: {  	_ =	shalt  }
0x71: {  	_ =	shalt  }
0x72: {  	_ =	shalt  }
0x73: {  	_ =	shalt  }
0x74: {  	_ =	shalt  }
0x75: {  	_ =	shalt  }
0x76: {  	_ =	shalt  }
0x77: {  	_ =	shalt  }
0x78: {  	_ =	shalt  }
0x79: {  	_ =	shalt  }
0x7a: {  	_ =	shalt  }
0x7b: {  	_ =	shalt  }
0x7c: {  	_ =	shalt  }
0x7d: {  	_ =	shalt  }
0x7e: {  	_ =	shalt  }
0x7f: {  	_ =	shalt  }
0x80: {  	_ =	shalt  }
0x81: {  	_ =	shalt  }
0x82: {  	_ =	shalt  }
0x83: {  	_ =	shalt  }
0x84: {  	_ =	shalt  }
0x85: {  	_ =	shalt  }
0x86: {  	_ =	shalt  }
0x87: {  	_ =	shalt  }
.Lfunc_end0:
.L_simem_size_0:
called_computation.1_lowered:
.L_overlay_start_0:
0x88: {  	s2 =	sld [smem:$0x3FD9]  }
0x89: {  	s3 =	sld [smem:$0x3FFE];
	_ =	sdelay $0x1  }
0x8a: {  	s1 =	srdreg.scid  }
0x8b: {  	s0 =	sand.u32 $0x1, s1  }
0x8c: {  	s17 =	sshll.u32 s0, $0xA;
	s2 =	sadd.s32 s3, s2  }
0x8d: {  	s2 =	sadd.s32 s2, s17  }
0x8e: {  	[smem:$0x3FC6] =	sst s2  }
0x8f: {  	_ = 	snop  }
0x90: {  	s2 =	sld [smem:$0x3FD0];
	(tm) =	ssettm $0x1  }
0x91: {  	s18 =	sld [smem:$0x3FFB];
	_ =	sdelay $0x3  }
0x92: {  	_ =	strace s18  }
0x93: {  	s3 =	sld [smem:$0x3FFC];
	_ =	sdelay $0x3  }
0x94: {  	_ =	strace s3  }
0x95: {  	s3 =	sld [smem:$0x3FFD];
	_ =	sdelay $0x3  }
0x96: {  	_ =	strace s3  }
0x97: {  	_ =	strace $0x8FFFFFFF  }
0x98: {  	s19 =	sld [smem:$0x3FDB];
	_ =	sdelay $0x1  }
0x99: {  	s4 =	simm.s32 $_scs_section_size  }
0x9a: {  	s5 =	simm.s32 $_size__tile_overlayer_lowered;
	s6 =	simm.s32 $_tile_overlayer_lowered  }
0x9b: {  	s22 =	simm.s32 $0x1BFF;
	s21 =	sshll.u32 s6, $0x1;
	s3 =	sadd.s32 s4, s19  }
0x9c: {  	s7 =	simm.s32 $0x0;
	s20 =	sshll.u32 s5, $0x1;
	s5 =	sadd.s32 s21, s3  }
0x9d: {  	[timem:s7], [sflag:s22] =	dma.local [hbm:s5], s20  }
0x9e: {  	_ =	swait.ge [sflag:s22], s20  }
0x9f: {  	s4 =	ssub.s32 $0x0, s20;
	[sflag:s22] =	ssyncset.done $0x0  }
0xa0: {  	[sflag:s22] =	ssyncadd.s32 s4;
	_ =	sdelay $0x1  }
0xa1: {  	s23 =	simm.s32 $0x1B8B  }
0xa2: {  	_ =	swait.ge [sflag:s23], $0x1  }
0xa3: {  	[sflag:s23] =	ssyncset.done $0x0  }
0xa4: {  	s25 =	simm.s32 $0x1B8E;
	s24 =	sld [smem:$0x3FFE];
	[sflag:s23] =	ssyncadd.s32 $0xFFFFFFFF  }
0xa5: {  	s26 =	simm.s32 $execute0_lowered;
	[smem:$0x3FD2] =	sst s25  }
0xa6: {  	s5 =	sshll.u32 s26, $0x1;
	_ =	strace $0x80000046;
	[dreg:$0x1] =	wrdreg $0xFFFFFFFF  }
0xa7: {  	s28 =	simm.s32 $_size_execute0_lowered;
	s3 =	sadd.s32 s3, s5;
	[dreg:$0x0] =	wrdreg $0x0  }
0xa8: {  	s5 =	sshll.u32 s28, $0x1;
	[dreg:$0x2] =	wrdreg s3  }
0xa9: {  	[dreg:$0x3] =	wrdreg s5  }
0xaa: {  	[dreg:$0x4] =	wrdreg $0xC0  }
0xab: {  	_ =	task [dreg:s7], $0x5FFFF  }
0xac: {  	[dreg:$0x1] =	wrdreg $0xFFFFFFFF  }
0xad: {  	[dreg:$0x0] =	wrdreg $0x60  }
0xae: {  	[dreg:$0x2] =	wrdreg s24  }
0xaf: {  	[dreg:$0x3] =	wrdreg s2  }
0xb0: {  	[dreg:$0x4] =	wrdreg $0x9  }
0xb1: {  	_ =	task.clear_ibuf [dreg:s7], $0x5FFFF;
	_ =	strace $0x90000046  }
0xb2: {  	s29 =	simm.s32 $0x9;
	_ =	strace $0x80000048  }
0xb3: {  	_ =	swait.ge [sflag:s29], $0x1  }
0xb4: {  	[sflag:s29] =	ssyncadd.s32 $0xFFFFFFFF  }
0xb5: {  	_ =	strace $0x90000048  }
0xb6: {  	_ =	sfence  }
0xb7: {  	s30 =	sld [smem:$0x0];
	_ =	sdelay $0x2  }
0xb8: {  	s31 =	sshll.u32 s1, $0xD;
	s1 =	sshrl.u32 s1, $0x2  }
0xb9: {  	s3 =	sand.u32 $0x4000, s31;
	s1 =	sadd.s32 s1, s30  }
0xba: {  	s0 =	sor.u32 s3, s0;
	s1 =	sshll.u32 s1, $0x11  }
0xbb: {  	s0 =	sor.u32 s1, s0  }
0xbc: {  	s0 =	sadd.s32 $0x8F2B, s0  }
0xbd: {  	[sflag:s0] =	ssyncadd.remote.s32 $0x1  }
0xbe: {  	_ =	sfence.sel $0xFFFF  }
0xbf: {  	[dreg:$0x0] =	wrdreg $0xFFFFFFFF;
	(pc) =	sbr.abs _section_cstart, $3  }
0xc0: {  	[dreg:$0x1] =	wrdreg $0xFFFFFFFF  }
0xc1: {  	_ =	task.clear_ibuf [dreg:s7], $0x2FFFF;
	_ =	strace $0x9FFFFFFF  }
0xc2: {  	(tm) =	ssettm $0x7FFFFFFF  }
0xc3: {  	_ =	shalt  }
tec
execute0_lowered:
.L_overlay_start_1:
0x0: {  	(tag) =	ssettag $0x1  }
0x1: {  	s0 =	srdreg.scid  }
0x2: {  	s2 =	stileid.u32;
	s1 =	rddreg [dreg:$0x0];
	s12 =	simm.s32 $0x80  }
0x3: {  	s13 =	simm.s32 $0x6400;
	s14 =	simm.s32 $0x8400;
	s16 =	simm.s32 $0xA400  }
0x4: {  	s18 =	simm.s32 $0xC400;
	s19 =	simm.s32 $0x2;
	s20 =	simm.s32 $0xE400  }
0x5: {  	s21 =	simm.s32 $0x3;
	s22 =	simm.s32 $0x7;
	s23 =	simm.s32 $0x10400  }
0x6: {  	s24 =	simm.s32 $0x4;
	s25 =	simm.s32 $0x8;
	s26 =	simm.s32 $0x12400  }
0x7: {  	s28 =	simm.s32 $0x5;
	s29 =	simm.s32 $0x9;
	s30 =	simm.s32 $0x14400  }
0x8: {  	s0 =	sand.u32 $0x1, s0;
	s3 =	sshll.u32 s2, $0x1;
	s2 =	rddreg [dreg:$0x1]  }
0x9: {  	s5 =	sor.u32 s0, s3;
	s3 =	simm.s32 $0x0;
	s0 =	ssub.s32 $0x2, s0  }
0xa: {  	s9 =	smul.u32 $0x6400, s5;
	[smem:$0x7FF] =	sst s3;
	s6 =	sshrl.u32 s0, $0x1  }
.Ltmp0:
0xb: {  	_ =	strace $0x80000047;
	s0 =	ssub.s32 s0, s6;
	(pc) =	sbr.rel .LBB2_1-.Ltmp0, $4  }
0xc: {  	s6 =	smul.u32 $0x190000, s5;
	s4 =	sshrl.u32 s9, $0x3;
	s8 =	sor.u32 $0x100, s9  }
0xd: {  	s0 =	smax.u32 s0, $0x1;
	s7 =	sadd.s32 s4, s1;
	s4 =	sadd.s32 $0xF42E00, s1  }
0xe: {  	[dreg:$0x4] =	wrdreg s0;
	s1 =	simm.s32 $0x0;
	s31 =	sadd.s32 $0xA00, s7  }
0xf: {  	s7 =	sor.u32 $0x80, s9;
	s9 =	sor.u32 $0x180, s9;
	[dreg:$0x3] =	wrdreg s31  }
.LBB2_24:
0x10: {  	s0 =	simm.s32 $0x6  }
0x11: {  	_ =	swait.ge [sflag:s0], $0x2000  }
0x12: {  	[sflag:s0] =	ssyncset.done $0x0  }
0x13: {  	[sflag:s0] =	ssyncadd.s32 $0xFFFFE000  }
0x14: {  	_ =	swait.ge [sflag:s22], $0x2000  }
0x15: {  	[sflag:s22] =	ssyncset.done $0x0  }
0x16: {  	[sflag:s22] =	ssyncadd.s32 $0xFFFFE000  }
0x17: {  	_ =	swait.ge [sflag:s25], $0x2000  }
0x18: {  	[sflag:s25] =	ssyncset.done $0x0  }
0x19: {  	[sflag:s25] =	ssyncadd.s32 $0xFFFFE000  }
0x1a: {  	_ =	swait.ge [sflag:s29], $0x2000  }
0x1b: {  	s1 =	sadd.s32 $0x1, s1;
	s31 =	rddreg [dreg:$0x4]  }
0x1c: {  	p0 =	sne.s32 s1, s31  }
.Ltmp1:
0x1d: {  	_ = 	snop;
	(pc) =	sbr.rel @!p0 .LBB2_25-.Ltmp1, $3  }
0x1e: {  	_ =	sdelay $0x1  }
0x1f: {  	[sflag:s29] =	ssyncset.done $0x0  }
0x20: {  	[sflag:s29] =	ssyncadd.s32 $0xFFFFE000  }
.LBB2_1:
0x21: {  	s0 =	rddreg [dreg:$0x3];
	s15 =	simm.s32 $0x1  }
0x22: {  	[tilespmem:s3], [sflag:$0x1] =	stream.linear.gather [hbm4b:s0+s3], $0x6400, $0x38;
	[tilespmem:$0x16400] =	vst v63  }
0x23: {  	_ =	swait.ge [sflag:s15], $0x6400  }
0x24: {  	[sflag:s15] =	ssyncset.done $0x0  }
0x25: {  	[sflag:s15] =	ssyncadd.s32 $0xFFFF9C00  }
0x26: {  	[tilespmem:s13], [sflag:$0x2] =	stream.indirect.gather [hbm4b:s4+s12], $0x40, s3, s12, $0xb8;
	[tilespmem:$0x16400] =	vst v63  }
0x27: {  	_ = 	snop  }
0x28: {  	[tilespmem:s14], [sflag:$0x3] =	stream.indirect.gather [hbm4b:s4+s12], $0x40, s12, s12, $0xb8;
	[tilespmem:$0x16400] =	vst v63  }
0x29: {  	s17 =	simm.s32 $0x100  }
0x2a: {  	[tilespmem:s16], [sflag:$0x4] =	stream.indirect.gather [hbm4b:s4+s12], $0x40, s17, s12, $0xb8;
	[tilespmem:$0x16400] =	vst v63  }
0x2b: {  	s31 =	simm.s32 $0x180;
	s0 =	simm.s32 $0x0  }
0x2c: {  	[tilespmem:s18], [sflag:$0x5] =	stream.indirect.gather [hbm4b:s4+s12], $0x40, s31, s12, $0xb8;
	[tilespmem:$0x16400] =	vst v63  }
.LBB2_2:
0x2d: {  	_ =	swait.ge [sflag:s19], $0x2000  }
0x2e: {  	p0 =	seq.s32 s0, $0x0;
	[sflag:s19] =	ssyncset.done $0x0  }
0x2f: {  	s5 =	simm.s32 @!p0 $0x6;
	[sflag:s19] =	ssyncadd.s32 $0xFFFFE000  }
0x30: {  	_ =	swait.ge @!p0 [sflag:s5], $0x2000  }
0x31: {  	[sflag:s5] =	ssyncset.done @!p0 $0x0  }
0x32: {  	s31 =	simm.s32 $0x6500;
	[sflag:s5] =	ssyncadd.s32 @!p0 $0xFFFFE000  }
0x33: {  	v0 =	vld [tilespmem:s31+$0xFFFFFF00];
	_ =	sdelay $0x4  }
0x34: {  	v0 =	vmul.f32 $8.000000000e+00, v0  }
0x35: {  	s17 =	simm.s32 $0xE500  }
0x36: {  	[tilespmem:s17+$0xFFFFFF00] =	vst v0  }
0x37: {  	v0 =	vld [tilespmem:s31+$0xFFFFFF10];
	_ =	sdelay $0x4  }
0x38: {  	v0 =	vmul.f32 $8.000000000e+00, v0;
	_ =	sdelay $0x1  }
0x39: {  	[tilespmem:s17+$0xFFFFFF10] =	vst v0  }
0x3a: {  	v0 =	vld [tilespmem:s31+$0xFFFFFF20];
	_ =	sdelay $0x4  }
0x3b: {  	v0 =	vmul.f32 $8.000000000e+00, v0;
	_ =	sdelay $0x1  }
0x3c: {  	[tilespmem:s17+$0xFFFFFF20] =	vst v0  }
0x3d: {  	v0 =	vld [tilespmem:s31+$0xFFFFFF30];
	_ =	sdelay $0x4  }
0x3e: {  	v0 =	vmul.f32 $8.000000000e+00, v0;
	_ =	sdelay $0x1  }
0x3f: {  	[tilespmem:s17+$0xFFFFFF30] =	vst v0  }
0x40: {  	v0 =	vld [tilespmem:s31+$0xFFFFFF40];
	_ =	sdelay $0x4  }
0x41: {  	v0 =	vmul.f32 $8.000000000e+00, v0;
	_ =	sdelay $0x1  }
0x42: {  	[tilespmem:s17+$0xFFFFFF40] =	vst v0  }
0x43: {  	v0 =	vld [tilespmem:s31+$0xFFFFFF50];
	_ =	sdelay $0x4  }
0x44: {  	v0 =	vmul.f32 $8.000000000e+00, v0;
	_ =	sdelay $0x1  }
0x45: {  	[tilespmem:s17+$0xFFFFFF50] =	vst v0  }
0x46: {  	v0 =	vld [tilespmem:s31+$0xFFFFFF60];
	_ =	sdelay $0x4  }
0x47: {  	v0 =	vmul.f32 $8.000000000e+00, v0;
	_ =	sdelay $0x1  }
0x48: {  	[tilespmem:s17+$0xFFFFFF60] =	vst v0  }
0x49: {  	v0 =	vld [tilespmem:s31+$0xFFFFFF70];
	_ =	sdelay $0x4  }
0x4a: {  	v0 =	vmul.f32 $8.000000000e+00, v0;
	_ =	sdelay $0x1  }
0x4b: {  	[tilespmem:s17+$0xFFFFFF70] =	vst v0  }
0x4c: {  	v0 =	vld [tilespmem:s31+$0xFFFFFF80];
	_ =	sdelay $0x4  }
0x4d: {  	v0 =	vmul.f32 $8.000000000e+00, v0;
	_ =	sdelay $0x1  }
0x4e: {  	[tilespmem:s17+$0xFFFFFF80] =	vst v0  }
0x4f: {  	v0 =	vld [tilespmem:s31+$0xFFFFFF90];
	_ =	sdelay $0x4  }
0x50: {  	v0 =	vmul.f32 $8.000000000e+00, v0;
	_ =	sdelay $0x1  }
0x51: {  	[tilespmem:s17+$0xFFFFFF90] =	vst v0  }
0x52: {  	v0 =	vld [tilespmem:s31+$0xFFFFFFA0];
	_ =	sdelay $0x4  }
0x53: {  	v0 =	vmul.f32 $8.000000000e+00, v0;
	_ =	sdelay $0x1  }
0x54: {  	[tilespmem:s17+$0xFFFFFFA0] =	vst v0  }
0x55: {  	v0 =	vld [tilespmem:s31+$0xFFFFFFB0];
	_ =	sdelay $0x4  }
0x56: {  	v0 =	vmul.f32 $8.000000000e+00, v0;
	_ =	sdelay $0x1  }
0x57: {  	[tilespmem:s17+$0xFFFFFFB0] =	vst v0  }
0x58: {  	v0 =	vld [tilespmem:s31+$0xFFFFFFC0];
	_ =	sdelay $0x4  }
0x59: {  	v0 =	vmul.f32 $8.000000000e+00, v0;
	_ =	sdelay $0x1  }
0x5a: {  	[tilespmem:s17+$0xFFFFFFC0] =	vst v0  }
0x5b: {  	v0 =	vld [tilespmem:s31+$0xFFFFFFD0];
	_ =	sdelay $0x4  }
0x5c: {  	v0 =	vmul.f32 $8.000000000e+00, v0;
	_ =	sdelay $0x1  }
0x5d: {  	[tilespmem:s17+$0xFFFFFFD0] =	vst v0  }
0x5e: {  	v0 =	vld [tilespmem:s31+$0xFFFFFFE0];
	_ =	sdelay $0x4  }
0x5f: {  	v0 =	vmul.f32 $8.000000000e+00, v0;
	_ =	sdelay $0x1  }
0x60: {  	[tilespmem:s17+$0xFFFFFFE0] =	vst v0  }
0x61: {  	v0 =	vld [tilespmem:s31+$0xFFFFFFF0];
	_ =	sdelay $0x4  }
0x62: {  	v0 =	vmul.f32 $8.000000000e+00, v0;
	_ =	sdelay $0x1  }
0x63: {  	[tilespmem:s17+$0xFFFFFFF0] =	vst v0  }
0x64: {  	v0 =	vld [tilespmem:s31+$0x0];
	_ =	sdelay $0x4  }
0x65: {  	v0 =	vmul.f32 $8.000000000e+00, v0;
	_ =	sdelay $0x1  }
0x66: {  	[tilespmem:s17+$0x0] =	vst v0  }
0x67: {  	v0 =	vld [tilespmem:s31+$0x10];
	_ =	sdelay $0x4  }
0x68: {  	v0 =	vmul.f32 $8.000000000e+00, v0;
	_ =	sdelay $0x1  }
0x69: {  	[tilespmem:s17+$0x10] =	vst v0  }
0x6a: {  	v0 =	vld [tilespmem:s31+$0x20];
	_ =	sdelay $0x4  }
0x6b: {  	v0 =	vmul.f32 $8.000000000e+00, v0;
	_ =	sdelay $0x1  }
0x6c: {  	[tilespmem:s17+$0x20] =	vst v0  }
0x6d: {  	v0 =	vld [tilespmem:s31+$0x30];
	_ =	sdelay $0x4  }
0x6e: {  	v0 =	vmul.f32 $8.000000000e+00, v0;
	_ =	sdelay $0x1  }
0x6f: {  	[tilespmem:s17+$0x30] =	vst v0  }
0x70: {  	v0 =	vld [tilespmem:s31+$0x40];
	_ =	sdelay $0x4  }
0x71: {  	v0 =	vmul.f32 $8.000000000e+00, v0;
	_ =	sdelay $0x1  }
0x72: {  	[tilespmem:s17+$0x40] =	vst v0  }
0x73: {  	v0 =	vld [tilespmem:s31+$0x50];
	_ =	sdelay $0x4  }
0x74: {  	v0 =	vmul.f32 $8.000000000e+00, v0;
	_ =	sdelay $0x1  }
0x75: {  	[tilespmem:s17+$0x50] =	vst v0  }
0x76: {  	v0 =	vld [tilespmem:s31+$0x60];
	_ =	sdelay $0x4  }
0x77: {  	v0 =	vmul.f32 $8.000000000e+00, v0;
	_ =	sdelay $0x1  }
0x78: {  	[tilespmem:s17+$0x60] =	vst v0  }
0x79: {  	v0 =	vld [tilespmem:s31+$0x70];
	_ =	sdelay $0x4  }
0x7a: {  	v0 =	vmul.f32 $8.000000000e+00, v0;
	_ =	sdelay $0x1  }
0x7b: {  	[tilespmem:s17+$0x70] =	vst v0  }
0x7c: {  	v0 =	vld [tilespmem:s31+$0x80];
	_ =	sdelay $0x4  }
0x7d: {  	v0 =	vmul.f32 $8.000000000e+00, v0;
	_ =	sdelay $0x1  }
0x7e: {  	[tilespmem:s17+$0x80] =	vst v0  }
0x7f: {  	v0 =	vld [tilespmem:s31+$0x90];
	_ =	sdelay $0x4  }
0x80: {  	v0 =	vmul.f32 $8.000000000e+00, v0;
	_ =	sdelay $0x1  }
0x81: {  	[tilespmem:s17+$0x90] =	vst v0  }
0x82: {  	v0 =	vld [tilespmem:s31+$0xA0];
	_ =	sdelay $0x4  }
0x83: {  	v0 =	vmul.f32 $8.000000000e+00, v0;
	_ =	sdelay $0x1  }
0x84: {  	[tilespmem:s17+$0xA0] =	vst v0  }
0x85: {  	v0 =	vld [tilespmem:s31+$0xB0];
	_ =	sdelay $0x4  }
0x86: {  	v0 =	vmul.f32 $8.000000000e+00, v0;
	_ =	sdelay $0x1  }
0x87: {  	[tilespmem:s17+$0xB0] =	vst v0  }
0x88: {  	v0 =	vld [tilespmem:s31+$0xC0];
	_ =	sdelay $0x4  }
0x89: {  	v0 =	vmul.f32 $8.000000000e+00, v0;
	_ =	sdelay $0x1  }
0x8a: {  	[tilespmem:s17+$0xC0] =	vst v0  }
0x8b: {  	v0 =	vld [tilespmem:s31+$0xD0];
	_ =	sdelay $0x4  }
0x8c: {  	v0 =	vmul.f32 $8.000000000e+00, v0;
	_ =	sdelay $0x1  }
0x8d: {  	[tilespmem:s17+$0xD0] =	vst v0  }
0x8e: {  	v0 =	vld [tilespmem:s31+$0xE0];
	_ =	sdelay $0x4  }
0x8f: {  	v0 =	vmul.f32 $8.000000000e+00, v0;
	_ =	sdelay $0x1  }
0x90: {  	[tilespmem:s17+$0xE0] =	vst v0  }
0x91: {  	v0 =	vld [tilespmem:s31+$0xF0];
	_ =	sdelay $0x4  }
0x92: {  	v0 =	vmul.f32 $8.000000000e+00, v0;
	_ =	sdelay $0x1  }
0x93: {  	s15 =	sshll.u32 s0, $0xB;
	s10 =	simm.s32 $0x6700;
	s5 =	simm.s32 $0x0;
	[tilespmem:s17+$0xF0] =	vst v0  }
.LBB2_3:
0x94: {  	v0 =	vld [tilespmem:s10+$0xFFFFFF00];
	s5 =	sadd.s32 $0x8, s5  }
0x95: {  	p1 =	slt.u32 s5, $0x78;
	_ =	sdelay $0x3  }
0x96: {  	v0 =	vmul.f32 $8.000000000e+00, v0  }
0x97: {  	s17 =	sadd.s32 $0x200, s17  }
0x98: {  	[tilespmem:s17+$0xFFFFFF00] =	vst v0  }
0x99: {  	v0 =	vld [tilespmem:s10+$0xFFFFFF10];
	_ =	sdelay $0x4  }
0x9a: {  	v0 =	vmul.f32 $8.000000000e+00, v0;
	_ =	sdelay $0x1  }
0x9b: {  	[tilespmem:s17+$0xFFFFFF10] =	vst v0  }
0x9c: {  	v0 =	vld [tilespmem:s10+$0xFFFFFF20];
	_ =	sdelay $0x4  }
0x9d: {  	v0 =	vmul.f32 $8.000000000e+00, v0;
	_ =	sdelay $0x1  }
0x9e: {  	[tilespmem:s17+$0xFFFFFF20] =	vst v0  }
0x9f: {  	v0 =	vld [tilespmem:s10+$0xFFFFFF30];
	_ =	sdelay $0x4  }
0xa0: {  	v0 =	vmul.f32 $8.000000000e+00, v0;
	_ =	sdelay $0x1  }
0xa1: {  	[tilespmem:s17+$0xFFFFFF30] =	vst v0  }
0xa2: {  	v0 =	vld [tilespmem:s10+$0xFFFFFF40];
	_ =	sdelay $0x4  }
0xa3: {  	v0 =	vmul.f32 $8.000000000e+00, v0;
	_ =	sdelay $0x1  }
0xa4: {  	[tilespmem:s17+$0xFFFFFF40] =	vst v0  }
0xa5: {  	v0 =	vld [tilespmem:s10+$0xFFFFFF50];
	_ =	sdelay $0x4  }
0xa6: {  	v0 =	vmul.f32 $8.000000000e+00, v0;
	_ =	sdelay $0x1  }
0xa7: {  	[tilespmem:s17+$0xFFFFFF50] =	vst v0  }
0xa8: {  	v0 =	vld [tilespmem:s10+$0xFFFFFF60];
	_ =	sdelay $0x4  }
0xa9: {  	v0 =	vmul.f32 $8.000000000e+00, v0;
	_ =	sdelay $0x1  }
0xaa: {  	[tilespmem:s17+$0xFFFFFF60] =	vst v0  }
0xab: {  	v0 =	vld [tilespmem:s10+$0xFFFFFF70];
	_ =	sdelay $0x4  }
0xac: {  	v0 =	vmul.f32 $8.000000000e+00, v0;
	_ =	sdelay $0x1  }
0xad: {  	[tilespmem:s17+$0xFFFFFF70] =	vst v0  }
0xae: {  	v0 =	vld [tilespmem:s10+$0xFFFFFF80];
	_ =	sdelay $0x4  }
0xaf: {  	v0 =	vmul.f32 $8.000000000e+00, v0;
	_ =	sdelay $0x1  }
0xb0: {  	[tilespmem:s17+$0xFFFFFF80] =	vst v0  }
0xb1: {  	v0 =	vld [tilespmem:s10+$0xFFFFFF90];
	_ =	sdelay $0x4  }
0xb2: {  	v0 =	vmul.f32 $8.000000000e+00, v0;
	_ =	sdelay $0x1  }
0xb3: {  	[tilespmem:s17+$0xFFFFFF90] =	vst v0  }
0xb4: {  	v0 =	vld [tilespmem:s10+$0xFFFFFFA0];
	_ =	sdelay $0x4  }
0xb5: {  	v0 =	vmul.f32 $8.000000000e+00, v0;
	_ =	sdelay $0x1  }
0xb6: {  	[tilespmem:s17+$0xFFFFFFA0] =	vst v0  }
0xb7: {  	v0 =	vld [tilespmem:s10+$0xFFFFFFB0];
	_ =	sdelay $0x4  }
0xb8: {  	v0 =	vmul.f32 $8.000000000e+00, v0;
	_ =	sdelay $0x1  }
0xb9: {  	[tilespmem:s17+$0xFFFFFFB0] =	vst v0  }
0xba: {  	v0 =	vld [tilespmem:s10+$0xFFFFFFC0];
	_ =	sdelay $0x4  }
0xbb: {  	v0 =	vmul.f32 $8.000000000e+00, v0;
	_ =	sdelay $0x1  }
0xbc: {  	[tilespmem:s17+$0xFFFFFFC0] =	vst v0  }
0xbd: {  	v0 =	vld [tilespmem:s10+$0xFFFFFFD0];
	_ =	sdelay $0x4  }
0xbe: {  	v0 =	vmul.f32 $8.000000000e+00, v0;
	_ =	sdelay $0x1  }
0xbf: {  	[tilespmem:s17+$0xFFFFFFD0] =	vst v0  }
0xc0: {  	v0 =	vld [tilespmem:s10+$0xFFFFFFE0];
	_ =	sdelay $0x4  }
0xc1: {  	v0 =	vmul.f32 $8.000000000e+00, v0;
	_ =	sdelay $0x1  }
0xc2: {  	[tilespmem:s17+$0xFFFFFFE0] =	vst v0  }
0xc3: {  	v0 =	vld [tilespmem:s10+$0xFFFFFFF0];
	_ =	sdelay $0x4  }
0xc4: {  	v0 =	vmul.f32 $8.000000000e+00, v0;
	_ =	sdelay $0x1  }
0xc5: {  	[tilespmem:s17+$0xFFFFFFF0] =	vst v0  }
0xc6: {  	v0 =	vld [tilespmem:s10+$0x0];
	_ =	sdelay $0x4  }
0xc7: {  	v0 =	vmul.f32 $8.000000000e+00, v0;
	_ =	sdelay $0x1  }
0xc8: {  	[tilespmem:s17+$0x0] =	vst v0  }
0xc9: {  	v0 =	vld [tilespmem:s10+$0x10];
	_ =	sdelay $0x4  }
0xca: {  	v0 =	vmul.f32 $8.000000000e+00, v0;
	_ =	sdelay $0x1  }
0xcb: {  	[tilespmem:s17+$0x10] =	vst v0  }
0xcc: {  	v0 =	vld [tilespmem:s10+$0x20];
	_ =	sdelay $0x4  }
0xcd: {  	v0 =	vmul.f32 $8.000000000e+00, v0;
	_ =	sdelay $0x1  }
0xce: {  	[tilespmem:s17+$0x20] =	vst v0  }
0xcf: {  	v0 =	vld [tilespmem:s10+$0x30];
	_ =	sdelay $0x4  }
0xd0: {  	v0 =	vmul.f32 $8.000000000e+00, v0;
	_ =	sdelay $0x1  }
0xd1: {  	[tilespmem:s17+$0x30] =	vst v0  }
0xd2: {  	v0 =	vld [tilespmem:s10+$0x40];
	_ =	sdelay $0x4  }
0xd3: {  	v0 =	vmul.f32 $8.000000000e+00, v0;
	_ =	sdelay $0x1  }
0xd4: {  	[tilespmem:s17+$0x40] =	vst v0  }
0xd5: {  	v0 =	vld [tilespmem:s10+$0x50];
	_ =	sdelay $0x4  }
0xd6: {  	v0 =	vmul.f32 $8.000000000e+00, v0;
	_ =	sdelay $0x1  }
0xd7: {  	[tilespmem:s17+$0x50] =	vst v0  }
0xd8: {  	v0 =	vld [tilespmem:s10+$0x60];
	_ =	sdelay $0x4  }
0xd9: {  	v0 =	vmul.f32 $8.000000000e+00, v0;
	_ =	sdelay $0x1  }
0xda: {  	[tilespmem:s17+$0x60] =	vst v0  }
0xdb: {  	v0 =	vld [tilespmem:s10+$0x70];
	_ =	sdelay $0x4  }
0xdc: {  	v0 =	vmul.f32 $8.000000000e+00, v0;
	_ =	sdelay $0x1  }
0xdd: {  	[tilespmem:s17+$0x70] =	vst v0  }
0xde: {  	v0 =	vld [tilespmem:s10+$0x80];
	_ =	sdelay $0x4  }
0xdf: {  	v0 =	vmul.f32 $8.000000000e+00, v0;
	_ =	sdelay $0x1  }
0xe0: {  	[tilespmem:s17+$0x80] =	vst v0  }
0xe1: {  	v0 =	vld [tilespmem:s10+$0x90];
	_ =	sdelay $0x4  }
0xe2: {  	v0 =	vmul.f32 $8.000000000e+00, v0;
	_ =	sdelay $0x1  }
0xe3: {  	[tilespmem:s17+$0x90] =	vst v0  }
0xe4: {  	v0 =	vld [tilespmem:s10+$0xA0];
	_ =	sdelay $0x4  }
0xe5: {  	v0 =	vmul.f32 $8.000000000e+00, v0;
	_ =	sdelay $0x1  }
0xe6: {  	[tilespmem:s17+$0xA0] =	vst v0  }
0xe7: {  	v0 =	vld [tilespmem:s10+$0xB0];
	_ =	sdelay $0x4  }
0xe8: {  	v0 =	vmul.f32 $8.000000000e+00, v0;
	_ =	sdelay $0x1  }
0xe9: {  	[tilespmem:s17+$0xB0] =	vst v0  }
0xea: {  	v0 =	vld [tilespmem:s10+$0xC0];
	_ =	sdelay $0x4  }
0xeb: {  	v0 =	vmul.f32 $8.000000000e+00, v0;
	_ =	sdelay $0x1  }
0xec: {  	[tilespmem:s17+$0xC0] =	vst v0  }
0xed: {  	v0 =	vld [tilespmem:s10+$0xD0];
	_ =	sdelay $0x4  }
0xee: {  	v0 =	vmul.f32 $8.000000000e+00, v0;
	_ =	sdelay $0x1  }
0xef: {  	[tilespmem:s17+$0xD0] =	vst v0  }
0xf0: {  	v0 =	vld [tilespmem:s10+$0xE0];
	_ =	sdelay $0x4  }
0xf1: {  	v0 =	vmul.f32 $8.000000000e+00, v0;
	_ =	sdelay $0x1  }
0xf2: {  	[tilespmem:s17+$0xE0] =	vst v0  }
0xf3: {  	v0 =	vld [tilespmem:s10+$0xF0];
	_ =	sdelay $0x2  }
.Ltmp2:
0xf4: {  	(pc) =	sbr.rel @p1 .LBB2_3-.Ltmp2, $3  }
0xf5: {  	_ = 	snop  }
0xf6: {  	v0 =	vmul.f32 $8.000000000e+00, v0;
	_ =	sdelay $0x1  }
0xf7: {  	s10 =	sadd.s32 $0x200, s10;
	[tilespmem:s17+$0xF0] =	vst v0  }
0xf8: {  	p1 =	sne.s32 s0, $0x31  }
.Ltmp3:
0xf9: {  	s5 =	sshll.u32 s0, $0xF;
	(pc) =	sbr.rel @p1 .LBB2_6-.Ltmp3, $4  }
0xfa: {  	s5 =	sadd.s32 s6, s5  }
0xfb: {  	s5 =	sshrl.u32 s5, $0x3  }
0xfc: {  	s5 =	sadd.s32 s2, s5  }
0xfd: {  	[hbm4b:s5+s3] =	stream.linear.scatter [tilespmem:s20], [sflag:$0x6], $0x2000, $0x38;
	[tilespmem:$0x16400] =	vst v63  }
.Ltmp4:
0xfe: {  	(pc) =	sbr.rel .LBB2_7-.Ltmp4, $4  }
0xff: {  	_ = 	snop  }
0x100: {  	_ =	swait.ge [sflag:s21], $0x2000  }
0x101: {  	[sflag:s21] =	ssyncset.done $0x0  }
0x102: {  	[sflag:s21] =	ssyncadd.s32 $0xFFFFE000  }
.LBB2_6:
0x103: {  	s5 =	sshrl.u32 s15, $0x2  }
.Ltmp5:
0x104: {  	s5 =	sadd.s32 $0x200, s5;
	(pc) =	sbr.rel @p0 .LBB2_8-.Ltmp5, $4  }
0x105: {  	[tilespmem:s13], [sflag:$0x2] =	stream.indirect.gather [hbm4b:s4+s12], $0x40, s5, s12, $0xb8;
	[tilespmem:$0x16400] =	vst v63  }
0x106: {  	_ =	swait.ge [sflag:s21], $0x2000  }
0x107: {  	[sflag:s21] =	ssyncset.done $0x0  }
0x108: {  	[sflag:s21] =	ssyncadd.s32 $0xFFFFE000  }
.LBB2_7:
0x109: {  	_ =	swait.ge [sflag:s22], $0x2000  }
0x10a: {  	[sflag:s22] =	ssyncset.done $0x0  }
0x10b: {  	[sflag:s22] =	ssyncadd.s32 $0xFFFFE000  }
.LBB2_8:
0x10c: {  	s5 =	simm.s32 $0x85F0  }
0x10d: {  	v0 =	vld [tilespmem:s5+$0xFFFFFE10];
	_ =	sdelay $0x4  }
0x10e: {  	v0 =	vmul.f32 $8.000000000e+00, v0  }
0x10f: {  	s17 =	simm.s32 $0x105F0  }
0x110: {  	[tilespmem:s17+$0xFFFFFE10] =	vst v0  }
0x111: {  	v0 =	vld [tilespmem:s5+$0xFFFFFE20];
	_ =	sdelay $0x4  }
0x112: {  	v0 =	vmul.f32 $8.000000000e+00, v0;
	_ =	sdelay $0x1  }
0x113: {  	[tilespmem:s17+$0xFFFFFE20] =	vst v0  }
0x114: {  	v0 =	vld [tilespmem:s5+$0xFFFFFE30];
	_ =	sdelay $0x4  }
0x115: {  	v0 =	vmul.f32 $8.000000000e+00, v0;
	_ =	sdelay $0x1  }
0x116: {  	[tilespmem:s17+$0xFFFFFE30] =	vst v0  }
0x117: {  	v0 =	vld [tilespmem:s5+$0xFFFFFE40];
	_ =	sdelay $0x4  }
0x118: {  	v0 =	vmul.f32 $8.000000000e+00, v0;
	_ =	sdelay $0x1  }
0x119: {  	[tilespmem:s17+$0xFFFFFE40] =	vst v0  }
0x11a: {  	v0 =	vld [tilespmem:s5+$0xFFFFFE50];
	_ =	sdelay $0x4  }
0x11b: {  	v0 =	vmul.f32 $8.000000000e+00, v0;
	_ =	sdelay $0x1  }
0x11c: {  	[tilespmem:s17+$0xFFFFFE50] =	vst v0  }
0x11d: {  	v0 =	vld [tilespmem:s5+$0xFFFFFE60];
	_ =	sdelay $0x4  }
0x11e: {  	v0 =	vmul.f32 $8.000000000e+00, v0;
	_ =	sdelay $0x1  }
0x11f: {  	[tilespmem:s17+$0xFFFFFE60] =	vst v0  }
0x120: {  	v0 =	vld [tilespmem:s5+$0xFFFFFE70];
	_ =	sdelay $0x4  }
0x121: {  	v0 =	vmul.f32 $8.000000000e+00, v0;
	_ =	sdelay $0x1  }
0x122: {  	[tilespmem:s17+$0xFFFFFE70] =	vst v0  }
0x123: {  	v0 =	vld [tilespmem:s5+$0xFFFFFE80];
	_ =	sdelay $0x4  }
0x124: {  	v0 =	vmul.f32 $8.000000000e+00, v0;
	_ =	sdelay $0x1  }
0x125: {  	[tilespmem:s17+$0xFFFFFE80] =	vst v0  }
0x126: {  	v0 =	vld [tilespmem:s5+$0xFFFFFE90];
	_ =	sdelay $0x4  }
0x127: {  	v0 =	vmul.f32 $8.000000000e+00, v0;
	_ =	sdelay $0x1  }
0x128: {  	[tilespmem:s17+$0xFFFFFE90] =	vst v0  }
0x129: {  	v0 =	vld [tilespmem:s5+$0xFFFFFEA0];
	_ =	sdelay $0x4  }
0x12a: {  	v0 =	vmul.f32 $8.000000000e+00, v0;
	_ =	sdelay $0x1  }
0x12b: {  	[tilespmem:s17+$0xFFFFFEA0] =	vst v0  }
0x12c: {  	v0 =	vld [tilespmem:s5+$0xFFFFFEB0];
	_ =	sdelay $0x4  }
0x12d: {  	v0 =	vmul.f32 $8.000000000e+00, v0;
	_ =	sdelay $0x1  }
0x12e: {  	[tilespmem:s17+$0xFFFFFEB0] =	vst v0  }
0x12f: {  	v0 =	vld [tilespmem:s5+$0xFFFFFEC0];
	_ =	sdelay $0x4  }
0x130: {  	v0 =	vmul.f32 $8.000000000e+00, v0;
	_ =	sdelay $0x1  }
0x131: {  	[tilespmem:s17+$0xFFFFFEC0] =	vst v0  }
0x132: {  	v0 =	vld [tilespmem:s5+$0xFFFFFED0];
	_ =	sdelay $0x4  }
0x133: {  	v0 =	vmul.f32 $8.000000000e+00, v0;
	_ =	sdelay $0x1  }
0x134: {  	[tilespmem:s17+$0xFFFFFED0] =	vst v0  }
0x135: {  	v0 =	vld [tilespmem:s5+$0xFFFFFEE0];
	_ =	sdelay $0x4  }
0x136: {  	v0 =	vmul.f32 $8.000000000e+00, v0;
	_ =	sdelay $0x1  }
0x137: {  	[tilespmem:s17+$0xFFFFFEE0] =	vst v0  }
0x138: {  	v0 =	vld [tilespmem:s5+$0xFFFFFEF0];
	_ =	sdelay $0x4  }
0x139: {  	v0 =	vmul.f32 $8.000000000e+00, v0;
	_ =	sdelay $0x1  }
0x13a: {  	[tilespmem:s17+$0xFFFFFEF0] =	vst v0  }
0x13b: {  	v0 =	vld [tilespmem:s5+$0xFFFFFF00];
	_ =	sdelay $0x4  }
0x13c: {  	v0 =	vmul.f32 $8.000000000e+00, v0;
	_ =	sdelay $0x1  }
0x13d: {  	[tilespmem:s17+$0xFFFFFF00] =	vst v0  }
0x13e: {  	v0 =	vld [tilespmem:s5+$0xFFFFFF10];
	_ =	sdelay $0x4  }
0x13f: {  	v0 =	vmul.f32 $8.000000000e+00, v0;
	_ =	sdelay $0x1  }
0x140: {  	[tilespmem:s17+$0xFFFFFF10] =	vst v0  }
0x141: {  	v0 =	vld [tilespmem:s5+$0xFFFFFF20];
	_ =	sdelay $0x4  }
0x142: {  	v0 =	vmul.f32 $8.000000000e+00, v0;
	_ =	sdelay $0x1  }
0x143: {  	[tilespmem:s17+$0xFFFFFF20] =	vst v0  }
0x144: {  	v0 =	vld [tilespmem:s5+$0xFFFFFF30];
	_ =	sdelay $0x4  }
0x145: {  	v0 =	vmul.f32 $8.000000000e+00, v0;
	_ =	sdelay $0x1  }
0x146: {  	[tilespmem:s17+$0xFFFFFF30] =	vst v0  }
0x147: {  	v0 =	vld [tilespmem:s5+$0xFFFFFF40];
	_ =	sdelay $0x4  }
0x148: {  	v0 =	vmul.f32 $8.000000000e+00, v0;
	_ =	sdelay $0x1  }
0x149: {  	[tilespmem:s17+$0xFFFFFF40] =	vst v0  }
0x14a: {  	v0 =	vld [tilespmem:s5+$0xFFFFFF50];
	_ =	sdelay $0x4  }
0x14b: {  	v0 =	vmul.f32 $8.000000000e+00, v0;
	_ =	sdelay $0x1  }
0x14c: {  	[tilespmem:s17+$0xFFFFFF50] =	vst v0  }
0x14d: {  	v0 =	vld [tilespmem:s5+$0xFFFFFF60];
	_ =	sdelay $0x4  }
0x14e: {  	v0 =	vmul.f32 $8.000000000e+00, v0;
	_ =	sdelay $0x1  }
0x14f: {  	[tilespmem:s17+$0xFFFFFF60] =	vst v0  }
0x150: {  	v0 =	vld [tilespmem:s5+$0xFFFFFF70];
	_ =	sdelay $0x4  }
0x151: {  	v0 =	vmul.f32 $8.000000000e+00, v0;
	_ =	sdelay $0x1  }
0x152: {  	[tilespmem:s17+$0xFFFFFF70] =	vst v0  }
0x153: {  	v0 =	vld [tilespmem:s5+$0xFFFFFF80];
	_ =	sdelay $0x4  }
0x154: {  	v0 =	vmul.f32 $8.000000000e+00, v0;
	_ =	sdelay $0x1  }
0x155: {  	[tilespmem:s17+$0xFFFFFF80] =	vst v0  }
0x156: {  	v0 =	vld [tilespmem:s5+$0xFFFFFF90];
	_ =	sdelay $0x4  }
0x157: {  	v0 =	vmul.f32 $8.000000000e+00, v0;
	_ =	sdelay $0x1  }
0x158: {  	[tilespmem:s17+$0xFFFFFF90] =	vst v0  }
0x159: {  	v0 =	vld [tilespmem:s5+$0xFFFFFFA0];
	_ =	sdelay $0x4  }
0x15a: {  	v0 =	vmul.f32 $8.000000000e+00, v0;
	_ =	sdelay $0x1  }
0x15b: {  	[tilespmem:s17+$0xFFFFFFA0] =	vst v0  }
0x15c: {  	v0 =	vld [tilespmem:s5+$0xFFFFFFB0];
	_ =	sdelay $0x4  }
0x15d: {  	v0 =	vmul.f32 $8.000000000e+00, v0;
	_ =	sdelay $0x1  }
0x15e: {  	[tilespmem:s17+$0xFFFFFFB0] =	vst v0  }
0x15f: {  	v0 =	vld [tilespmem:s5+$0xFFFFFFC0];
	_ =	sdelay $0x4  }
0x160: {  	v0 =	vmul.f32 $8.000000000e+00, v0;
	_ =	sdelay $0x1  }
0x161: {  	[tilespmem:s17+$0xFFFFFFC0] =	vst v0  }
0x162: {  	v0 =	vld [tilespmem:s5+$0xFFFFFFD0];
	_ =	sdelay $0x4  }
0x163: {  	v0 =	vmul.f32 $8.000000000e+00, v0;
	_ =	sdelay $0x1  }
0x164: {  	[tilespmem:s17+$0xFFFFFFD0] =	vst v0  }
0x165: {  	v0 =	vld [tilespmem:s5+$0xFFFFFFE0];
	_ =	sdelay $0x4  }
0x166: {  	v0 =	vmul.f32 $8.000000000e+00, v0;
	_ =	sdelay $0x1  }
0x167: {  	[tilespmem:s17+$0xFFFFFFE0] =	vst v0  }
0x168: {  	v0 =	vld [tilespmem:s5+$0xFFFFFFF0];
	_ =	sdelay $0x4  }
0x169: {  	v0 =	vmul.f32 $8.000000000e+00, v0;
	_ =	sdelay $0x1  }
0x16a: {  	[tilespmem:s17+$0xFFFFFFF0] =	vst v0  }
0x16b: {  	v0 =	vld [tilespmem:s5+$0x0];
	_ =	sdelay $0x4  }
0x16c: {  	v0 =	vmul.f32 $8.000000000e+00, v0;
	_ =	sdelay $0x1  }
0x16d: {  	s10 =	simm.s32 $0x87F0;
	s5 =	simm.s32 $0x0;
	[tilespmem:s17+$0x0] =	vst v0  }
.LBB2_9:
0x16e: {  	v0 =	vld [tilespmem:s10+$0xFFFFFE10];
	s5 =	sadd.s32 $0x8, s5  }
0x16f: {  	p2 =	slt.u32 s5, $0x78;
	_ =	sdelay $0x3  }
0x170: {  	v0 =	vmul.f32 $8.000000000e+00, v0  }
0x171: {  	s17 =	sadd.s32 $0x200, s17  }
0x172: {  	[tilespmem:s17+$0xFFFFFE10] =	vst v0  }
0x173: {  	v0 =	vld [tilespmem:s10+$0xFFFFFE20];
	_ =	sdelay $0x4  }
0x174: {  	v0 =	vmul.f32 $8.000000000e+00, v0;
	_ =	sdelay $0x1  }
0x175: {  	[tilespmem:s17+$0xFFFFFE20] =	vst v0  }
0x176: {  	v0 =	vld [tilespmem:s10+$0xFFFFFE30];
	_ =	sdelay $0x4  }
0x177: {  	v0 =	vmul.f32 $8.000000000e+00, v0;
	_ =	sdelay $0x1  }
0x178: {  	[tilespmem:s17+$0xFFFFFE30] =	vst v0  }
0x179: {  	v0 =	vld [tilespmem:s10+$0xFFFFFE40];
	_ =	sdelay $0x4  }
0x17a: {  	v0 =	vmul.f32 $8.000000000e+00, v0;
	_ =	sdelay $0x1  }
0x17b: {  	[tilespmem:s17+$0xFFFFFE40] =	vst v0  }
0x17c: {  	v0 =	vld [tilespmem:s10+$0xFFFFFE50];
	_ =	sdelay $0x4  }
0x17d: {  	v0 =	vmul.f32 $8.000000000e+00, v0;
	_ =	sdelay $0x1  }
0x17e: {  	[tilespmem:s17+$0xFFFFFE50] =	vst v0  }
0x17f: {  	v0 =	vld [tilespmem:s10+$0xFFFFFE60];
	_ =	sdelay $0x4  }
0x180: {  	v0 =	vmul.f32 $8.000000000e+00, v0;
	_ =	sdelay $0x1  }
0x181: {  	[tilespmem:s17+$0xFFFFFE60] =	vst v0  }
0x182: {  	v0 =	vld [tilespmem:s10+$0xFFFFFE70];
	_ =	sdelay $0x4  }
0x183: {  	v0 =	vmul.f32 $8.000000000e+00, v0;
	_ =	sdelay $0x1  }
0x184: {  	[tilespmem:s17+$0xFFFFFE70] =	vst v0  }
0x185: {  	v0 =	vld [tilespmem:s10+$0xFFFFFE80];
	_ =	sdelay $0x4  }
0x186: {  	v0 =	vmul.f32 $8.000000000e+00, v0;
	_ =	sdelay $0x1  }
0x187: {  	[tilespmem:s17+$0xFFFFFE80] =	vst v0  }
0x188: {  	v0 =	vld [tilespmem:s10+$0xFFFFFE90];
	_ =	sdelay $0x4  }
0x189: {  	v0 =	vmul.f32 $8.000000000e+00, v0;
	_ =	sdelay $0x1  }
0x18a: {  	[tilespmem:s17+$0xFFFFFE90] =	vst v0  }
0x18b: {  	v0 =	vld [tilespmem:s10+$0xFFFFFEA0];
	_ =	sdelay $0x4  }
0x18c: {  	v0 =	vmul.f32 $8.000000000e+00, v0;
	_ =	sdelay $0x1  }
0x18d: {  	[tilespmem:s17+$0xFFFFFEA0] =	vst v0  }
0x18e: {  	v0 =	vld [tilespmem:s10+$0xFFFFFEB0];
	_ =	sdelay $0x4  }
0x18f: {  	v0 =	vmul.f32 $8.000000000e+00, v0;
	_ =	sdelay $0x1  }
0x190: {  	[tilespmem:s17+$0xFFFFFEB0] =	vst v0  }
0x191: {  	v0 =	vld [tilespmem:s10+$0xFFFFFEC0];
	_ =	sdelay $0x4  }
0x192: {  	v0 =	vmul.f32 $8.000000000e+00, v0;
	_ =	sdelay $0x1  }
0x193: {  	[tilespmem:s17+$0xFFFFFEC0] =	vst v0  }
0x194: {  	v0 =	vld [tilespmem:s10+$0xFFFFFED0];
	_ =	sdelay $0x4  }
0x195: {  	v0 =	vmul.f32 $8.000000000e+00, v0;
	_ =	sdelay $0x1  }
0x196: {  	[tilespmem:s17+$0xFFFFFED0] =	vst v0  }
0x197: {  	v0 =	vld [tilespmem:s10+$0xFFFFFEE0];
	_ =	sdelay $0x4  }
0x198: {  	v0 =	vmul.f32 $8.000000000e+00, v0;
	_ =	sdelay $0x1  }
0x199: {  	[tilespmem:s17+$0xFFFFFEE0] =	vst v0  }
0x19a: {  	v0 =	vld [tilespmem:s10+$0xFFFFFEF0];
	_ =	sdelay $0x4  }
0x19b: {  	v0 =	vmul.f32 $8.000000000e+00, v0;
	_ =	sdelay $0x1  }
0x19c: {  	[tilespmem:s17+$0xFFFFFEF0] =	vst v0  }
0x19d: {  	v0 =	vld [tilespmem:s10+$0xFFFFFF00];
	_ =	sdelay $0x4  }
0x19e: {  	v0 =	vmul.f32 $8.000000000e+00, v0;
	_ =	sdelay $0x1  }
0x19f: {  	[tilespmem:s17+$0xFFFFFF00] =	vst v0  }
0x1a0: {  	v0 =	vld [tilespmem:s10+$0xFFFFFF10];
	_ =	sdelay $0x4  }
0x1a1: {  	v0 =	vmul.f32 $8.000000000e+00, v0;
	_ =	sdelay $0x1  }
0x1a2: {  	[tilespmem:s17+$0xFFFFFF10] =	vst v0  }
0x1a3: {  	v0 =	vld [tilespmem:s10+$0xFFFFFF20];
	_ =	sdelay $0x4  }
0x1a4: {  	v0 =	vmul.f32 $8.000000000e+00, v0;
	_ =	sdelay $0x1  }
0x1a5: {  	[tilespmem:s17+$0xFFFFFF20] =	vst v0  }
0x1a6: {  	v0 =	vld [tilespmem:s10+$0xFFFFFF30];
	_ =	sdelay $0x4  }
0x1a7: {  	v0 =	vmul.f32 $8.000000000e+00, v0;
	_ =	sdelay $0x1  }
0x1a8: {  	[tilespmem:s17+$0xFFFFFF30] =	vst v0  }
0x1a9: {  	v0 =	vld [tilespmem:s10+$0xFFFFFF40];
	_ =	sdelay $0x4  }
0x1aa: {  	v0 =	vmul.f32 $8.000000000e+00, v0;
	_ =	sdelay $0x1  }
0x1ab: {  	[tilespmem:s17+$0xFFFFFF40] =	vst v0  }
0x1ac: {  	v0 =	vld [tilespmem:s10+$0xFFFFFF50];
	_ =	sdelay $0x4  }
0x1ad: {  	v0 =	vmul.f32 $8.000000000e+00, v0;
	_ =	sdelay $0x1  }
0x1ae: {  	[tilespmem:s17+$0xFFFFFF50] =	vst v0  }
0x1af: {  	v0 =	vld [tilespmem:s10+$0xFFFFFF60];
	_ =	sdelay $0x4  }
0x1b0: {  	v0 =	vmul.f32 $8.000000000e+00, v0;
	_ =	sdelay $0x1  }
0x1b1: {  	[tilespmem:s17+$0xFFFFFF60] =	vst v0  }
0x1b2: {  	v0 =	vld [tilespmem:s10+$0xFFFFFF70];
	_ =	sdelay $0x4  }
0x1b3: {  	v0 =	vmul.f32 $8.000000000e+00, v0;
	_ =	sdelay $0x1  }
0x1b4: {  	[tilespmem:s17+$0xFFFFFF70] =	vst v0  }
0x1b5: {  	v0 =	vld [tilespmem:s10+$0xFFFFFF80];
	_ =	sdelay $0x4  }
0x1b6: {  	v0 =	vmul.f32 $8.000000000e+00, v0;
	_ =	sdelay $0x1  }
0x1b7: {  	[tilespmem:s17+$0xFFFFFF80] =	vst v0  }
0x1b8: {  	v0 =	vld [tilespmem:s10+$0xFFFFFF90];
	_ =	sdelay $0x4  }
0x1b9: {  	v0 =	vmul.f32 $8.000000000e+00, v0;
	_ =	sdelay $0x1  }
0x1ba: {  	[tilespmem:s17+$0xFFFFFF90] =	vst v0  }
0x1bb: {  	v0 =	vld [tilespmem:s10+$0xFFFFFFA0];
	_ =	sdelay $0x4  }
0x1bc: {  	v0 =	vmul.f32 $8.000000000e+00, v0;
	_ =	sdelay $0x1  }
0x1bd: {  	[tilespmem:s17+$0xFFFFFFA0] =	vst v0  }
0x1be: {  	v0 =	vld [tilespmem:s10+$0xFFFFFFB0];
	_ =	sdelay $0x4  }
0x1bf: {  	v0 =	vmul.f32 $8.000000000e+00, v0;
	_ =	sdelay $0x1  }
0x1c0: {  	[tilespmem:s17+$0xFFFFFFB0] =	vst v0  }
0x1c1: {  	v0 =	vld [tilespmem:s10+$0xFFFFFFC0];
	_ =	sdelay $0x4  }
0x1c2: {  	v0 =	vmul.f32 $8.000000000e+00, v0;
	_ =	sdelay $0x1  }
0x1c3: {  	[tilespmem:s17+$0xFFFFFFC0] =	vst v0  }
0x1c4: {  	v0 =	vld [tilespmem:s10+$0xFFFFFFD0];
	_ =	sdelay $0x4  }
0x1c5: {  	v0 =	vmul.f32 $8.000000000e+00, v0;
	_ =	sdelay $0x1  }
0x1c6: {  	[tilespmem:s17+$0xFFFFFFD0] =	vst v0  }
0x1c7: {  	v0 =	vld [tilespmem:s10+$0xFFFFFFE0];
	_ =	sdelay $0x4  }
0x1c8: {  	v0 =	vmul.f32 $8.000000000e+00, v0;
	_ =	sdelay $0x1  }
0x1c9: {  	[tilespmem:s17+$0xFFFFFFE0] =	vst v0  }
0x1ca: {  	v0 =	vld [tilespmem:s10+$0xFFFFFFF0];
	_ =	sdelay $0x4  }
0x1cb: {  	v0 =	vmul.f32 $8.000000000e+00, v0;
	_ =	sdelay $0x1  }
0x1cc: {  	[tilespmem:s17+$0xFFFFFFF0] =	vst v0  }
0x1cd: {  	v0 =	vld [tilespmem:s10+$0x0];
	_ =	sdelay $0x2  }
.Ltmp6:
0x1ce: {  	(pc) =	sbr.rel @p2 .LBB2_9-.Ltmp6, $3  }
0x1cf: {  	_ = 	snop  }
0x1d0: {  	v0 =	vmul.f32 $8.000000000e+00, v0;
	_ =	sdelay $0x1  }
0x1d1: {  	s10 =	sadd.s32 $0x200, s10;
	[tilespmem:s17+$0x0] =	vst v0  }
0x1d2: {  	s17 =	sshll.u32 s0, $0x9  }
.Ltmp7:
0x1d3: {  	s5 =	sadd.s32 s17, s7;
	(pc) =	sbr.rel @p1 .LBB2_12-.Ltmp7, $4  }
0x1d4: {  	s5 =	sshll.u32 s5, $0x3  }
0x1d5: {  	s5 =	sand.u32 $0x1FFFF400, s5  }
0x1d6: {  	s5 =	sadd.s32 s2, s5  }
0x1d7: {  	[hbm4b:s5+s3] =	stream.linear.scatter [tilespmem:s23], [sflag:$0x7], $0x2000, $0x38;
	[tilespmem:$0x16400] =	vst v63  }
.Ltmp8:
0x1d8: {  	(pc) =	sbr.rel .LBB2_13-.Ltmp8, $4  }
0x1d9: {  	_ = 	snop  }
0x1da: {  	_ =	swait.ge [sflag:s24], $0x2000  }
0x1db: {  	[sflag:s24] =	ssyncset.done $0x0  }
0x1dc: {  	[sflag:s24] =	ssyncadd.s32 $0xFFFFE000  }
.LBB2_12:
0x1dd: {  	s5 =	sshrl.u32 s15, $0x2  }
.Ltmp9:
0x1de: {  	s5 =	sadd.s32 $0x280, s5;
	(pc) =	sbr.rel @p0 .LBB2_14-.Ltmp9, $4  }
0x1df: {  	[tilespmem:s14], [sflag:$0x3] =	stream.indirect.gather [hbm4b:s4+s12], $0x40, s5, s12, $0xb8;
	[tilespmem:$0x16400] =	vst v63  }
0x1e0: {  	_ =	swait.ge [sflag:s24], $0x2000  }
0x1e1: {  	[sflag:s24] =	ssyncset.done $0x0  }
0x1e2: {  	[sflag:s24] =	ssyncadd.s32 $0xFFFFE000  }
.LBB2_13:
0x1e3: {  	_ =	swait.ge [sflag:s25], $0x2000  }
0x1e4: {  	[sflag:s25] =	ssyncset.done $0x0  }
0x1e5: {  	[sflag:s25] =	ssyncadd.s32 $0xFFFFE000  }
.LBB2_14:
0x1e6: {  	s5 =	simm.s32 $0x0  }
0x1e7: {  	v0 =	vld [tilespmem:s5+$0xA5F0]  }
0x1e8: {  	v1 =	vld [tilespmem:s5+$0xA400]  }
0x1e9: {  	v2 =	vld [tilespmem:s5+$0xA410]  }
0x1ea: {  	v3 =	vld [tilespmem:s5+$0xA420]  }
0x1eb: {  	v4 =	vld [tilespmem:s5+$0xA430]  }
0x1ec: {  	v5 =	vld [tilespmem:s5+$0xA440];
	v0 =	vmul.f32 $8.000000000e+00, v0  }
0x1ed: {  	v6 =	vld [tilespmem:s5+$0xA450];
	v1 =	vmul.f32 $8.000000000e+00, v1  }
0x1ee: {  	v7 =	vld [tilespmem:s5+$0xA460];
	[tilespmem:s5+$0x125F0] =	vst v0;
	v0 =	vmul.f32 $8.000000000e+00, v2  }
0x1ef: {  	[tilespmem:s5+$0x12400] =	vst v1;
	v1 =	vld [tilespmem:s5+$0xA470];
	v2 =	vmul.f32 $8.000000000e+00, v3  }
0x1f0: {  	v3 =	vmul.f32 $8.000000000e+00, v4;
	[tilespmem:s5+$0x12410] =	vst v0;
	v0 =	vld [tilespmem:s5+$0xA480]  }
0x1f1: {  	v4 =	vmul.f32 $8.000000000e+00, v5;
	[tilespmem:s5+$0x12420] =	vst v2;
	v2 =	vld [tilespmem:s5+$0xA490]  }
0x1f2: {  	v5 =	vmul.f32 $8.000000000e+00, v6;
	[tilespmem:s5+$0x12430] =	vst v3;
	v3 =	vld [tilespmem:s5+$0xA4A0]  }
0x1f3: {  	v6 =	vmul.f32 $8.000000000e+00, v7;
	[tilespmem:s5+$0x12440] =	vst v4;
	v4 =	vld [tilespmem:s5+$0xA4B0]  }
0x1f4: {  	[tilespmem:s5+$0x12450] =	vst v5;
	v5 =	vld [tilespmem:s5+$0xA4C0];
	v1 =	vmul.f32 $8.000000000e+00, v1  }
0x1f5: {  	[tilespmem:s5+$0x12460] =	vst v6;
	v6 =	vld [tilespmem:s5+$0xA4D0];
	v0 =	vmul.f32 $8.000000000e+00, v0  }
0x1f6: {  	[tilespmem:s5+$0x12470] =	vst v1;
	v1 =	vld [tilespmem:s5+$0xA4E0];
	v2 =	vmul.f32 $8.000000000e+00, v2  }
0x1f7: {  	v3 =	vmul.f32 $8.000000000e+00, v3;
	[tilespmem:s5+$0x12480] =	vst v0;
	v0 =	vld [tilespmem:s5+$0xA4F0]  }
0x1f8: {  	v4 =	vmul.f32 $8.000000000e+00, v4;
	[tilespmem:s5+$0x12490] =	vst v2;
	v2 =	vld [tilespmem:s5+$0xA500]  }
0x1f9: {  	v5 =	vmul.f32 $8.000000000e+00, v5;
	[tilespmem:s5+$0x124A0] =	vst v3;
	v3 =	vld [tilespmem:s5+$0xA510]  }
0x1fa: {  	v6 =	vmul.f32 $8.000000000e+00, v6;
	[tilespmem:s5+$0x124B0] =	vst v4;
	v4 =	vld [tilespmem:s5+$0xA520]  }
0x1fb: {  	[tilespmem:s5+$0x124C0] =	vst v5;
	v5 =	vld [tilespmem:s5+$0xA530];
	v1 =	vmul.f32 $8.000000000e+00, v1  }
0x1fc: {  	[tilespmem:s5+$0x124D0] =	vst v6;
	v6 =	vld [tilespmem:s5+$0xA540];
	v0 =	vmul.f32 $8.000000000e+00, v0  }
0x1fd: {  	v7 =	vld [tilespmem:s5+$0xA560];
	[tilespmem:s5+$0x124E0] =	vst v1;
	v2 =	vmul.f32 $8.000000000e+00, v2  }
0x1fe: {  	v1 =	vld [tilespmem:s5+$0xA550];
	[tilespmem:s5+$0x124F0] =	vst v0;
	v0 =	vmul.f32 $8.000000000e+00, v3  }
0x1ff: {  	v8 =	vld [tilespmem:s5+$0xA570];
	[tilespmem:s5+$0x12500] =	vst v2;
	v2 =	vmul.f32 $8.000000000e+00, v4  }
0x200: {  	v4 =	vld [tilespmem:s5+$0xA580];
	[tilespmem:s5+$0x12510] =	vst v0;
	v0 =	vmul.f32 $8.000000000e+00, v5  }
0x201: {  	v3 =	vmul.f32 $8.000000000e+00, v6;
	[tilespmem:s5+$0x12520] =	vst v2;
	v2 =	vld [tilespmem:s5+$0xA590]  }
0x202: {  	v6 =	vmul.f32 $8.000000000e+00, v7;
	[tilespmem:s5+$0x12530] =	vst v0;
	v0 =	vld [tilespmem:s5+$0xA5A0]  }
0x203: {  	[tilespmem:s5+$0x12540] =	vst v3;
	v5 =	vmul.f32 $8.000000000e+00, v1;
	v1 =	vld [tilespmem:s5+$0xA5B0]  }
0x204: {  	v3 =	vld [tilespmem:s5+$0xA5C0];
	[tilespmem:s5+$0x12560] =	vst v6;
	v6 =	vmul.f32 $8.000000000e+00, v8  }
0x205: {  	s10 =	simm.s32 $0x0;
	s11 =	simm.s32 $0x800;
	[tilespmem:s5+$0x12550] =	vst v5;
	v5 =	vmul.f32 $8.000000000e+00, v4;
	v4 =	vld [tilespmem:s5+$0xA5D0]  }
.LBB2_15:
0x206: {  	s31 =	sshra.s32 s11, $0x2;
	s10 =	sadd.s32 $0x8, s10;
	[tilespmem:s5+$0x12570] =	vst v6;
	v2 =	vmul.f32 $8.000000000e+00, v2;
	v6 =	vld [tilespmem:s5+$0xA5E0]  }
0x207: {  	v7 =	vld [tilespmem:s31+$0xA5F0];
	p2 =	slt.u32 s10, $0x78;
	[tilespmem:s5+$0x12580] =	vst v5;
	v0 =	vmul.f32 $8.000000000e+00, v0  }
0x208: {  	v5 =	vld [tilespmem:s31+$0xA400];
	[tilespmem:s5+$0x12590] =	vst v2;
	v1 =	vmul.f32 $8.000000000e+00, v1  }
0x209: {  	v2 =	vld [tilespmem:s31+$0xA410];
	[tilespmem:s5+$0x125A0] =	vst v0;
	v0 =	vmul.f32 $8.000000000e+00, v3  }
0x20a: {  	v3 =	vld [tilespmem:s31+$0xA420];
	[tilespmem:s5+$0x125B0] =	vst v1;
	v1 =	vmul.f32 $8.000000000e+00, v4  }
0x20b: {  	v4 =	vld [tilespmem:s31+$0xA430];
	[tilespmem:s5+$0x125C0] =	vst v0;
	v0 =	vmul.f32 $8.000000000e+00, v6  }
0x20c: {  	v6 =	vld [tilespmem:s31+$0xA440];
	v7 =	vmul.f32 $8.000000000e+00, v7;
	[tilespmem:s5+$0x125D0] =	vst v1  }
0x20d: {  	v1 =	vmul.f32 $8.000000000e+00, v5;
	v5 =	vld [tilespmem:s31+$0xA450];
	[tilespmem:s5+$0x125E0] =	vst v0;
	s5 =	smov.u32 s31  }
0x20e: {  	v0 =	vmul.f32 $8.000000000e+00, v2;
	v2 =	vld [tilespmem:s5+$0xA460];
	[tilespmem:s5+$0x125F0] =	vst v7  }
0x20f: {  	[tilespmem:s5+$0x12400] =	vst v1;
	v1 =	vmul.f32 $8.000000000e+00, v3;
	v3 =	vld [tilespmem:s5+$0xA470]  }
0x210: {  	[tilespmem:s5+$0x12410] =	vst v0;
	v0 =	vmul.f32 $8.000000000e+00, v4;
	v4 =	vld [tilespmem:s5+$0xA480]  }
0x211: {  	[tilespmem:s5+$0x12420] =	vst v1;
	v1 =	vmul.f32 $8.000000000e+00, v6;
	v6 =	vld [tilespmem:s5+$0xA490]  }
0x212: {  	[tilespmem:s5+$0x12430] =	vst v0;
	v0 =	vmul.f32 $8.000000000e+00, v5;
	v5 =	vld [tilespmem:s5+$0xA4A0]  }
0x213: {  	[tilespmem:s5+$0x12440] =	vst v1;
	v1 =	vmul.f32 $8.000000000e+00, v2;
	v2 =	vld [tilespmem:s5+$0xA4B0]  }
0x214: {  	[tilespmem:s5+$0x12450] =	vst v0;
	v0 =	vmul.f32 $8.000000000e+00, v3;
	v3 =	vld [tilespmem:s5+$0xA4C0]  }
0x215: {  	[tilespmem:s5+$0x12460] =	vst v1;
	v1 =	vmul.f32 $8.000000000e+00, v4;
	v4 =	vld [tilespmem:s5+$0xA4D0]  }
0x216: {  	[tilespmem:s5+$0x12470] =	vst v0;
	v0 =	vmul.f32 $8.000000000e+00, v6;
	v6 =	vld [tilespmem:s5+$0xA4E0]  }
0x217: {  	[tilespmem:s5+$0x12480] =	vst v1;
	v1 =	vmul.f32 $8.000000000e+00, v5;
	v5 =	vld [tilespmem:s5+$0xA4F0]  }
0x218: {  	[tilespmem:s5+$0x12490] =	vst v0;
	v0 =	vmul.f32 $8.000000000e+00, v2;
	v2 =	vld [tilespmem:s5+$0xA500]  }
0x219: {  	[tilespmem:s5+$0x124A0] =	vst v1;
	v1 =	vmul.f32 $8.000000000e+00, v3;
	v3 =	vld [tilespmem:s5+$0xA510]  }
0x21a: {  	[tilespmem:s5+$0x124B0] =	vst v0;
	v0 =	vmul.f32 $8.000000000e+00, v4;
	v4 =	vld [tilespmem:s5+$0xA520]  }
0x21b: {  	[tilespmem:s5+$0x124C0] =	vst v1;
	v1 =	vmul.f32 $8.000000000e+00, v6;
	v6 =	vld [tilespmem:s5+$0xA530]  }
0x21c: {  	[tilespmem:s5+$0x124D0] =	vst v0;
	v0 =	vmul.f32 $8.000000000e+00, v5;
	v5 =	vld [tilespmem:s5+$0xA540]  }
0x21d: {  	[tilespmem:s5+$0x124E0] =	vst v1;
	v1 =	vmul.f32 $8.000000000e+00, v2;
	v7 =	vld [tilespmem:s5+$0xA550]  }
0x21e: {  	[tilespmem:s5+$0x124F0] =	vst v0;
	v0 =	vmul.f32 $8.000000000e+00, v3;
	v3 =	vld [tilespmem:s5+$0xA560]  }
0x21f: {  	[tilespmem:s5+$0x12500] =	vst v1;
	v1 =	vmul.f32 $8.000000000e+00, v4;
	v4 =	vld [tilespmem:s5+$0xA570]  }
0x220: {  	[tilespmem:s5+$0x12510] =	vst v0;
	v0 =	vmul.f32 $8.000000000e+00, v6;
	v8 =	vld [tilespmem:s5+$0xA580]  }
.Ltmp10:
0x221: {  	[tilespmem:s5+$0x12520] =	vst v1;
	v1 =	vmul.f32 $8.000000000e+00, v5;
	v2 =	vld [tilespmem:s5+$0xA590];
	(pc) =	sbr.rel @p2 .LBB2_15-.Ltmp10, $4  }
0x222: {  	[tilespmem:s5+$0x12530] =	vst v0;
	v5 =	vmul.f32 $8.000000000e+00, v7;
	v0 =	vld [tilespmem:s5+$0xA5A0]  }
0x223: {  	[tilespmem:s5+$0x12540] =	vst v1;
	v7 =	vmul.f32 $8.000000000e+00, v3;
	v1 =	vld [tilespmem:s5+$0xA5B0]  }
0x224: {  	[tilespmem:s5+$0x12550] =	vst v5;
	v6 =	vmul.f32 $8.000000000e+00, v4;
	v3 =	vld [tilespmem:s5+$0xA5C0]  }
0x225: {  	s11 =	sadd.s32 $0x800, s11;
	[tilespmem:s5+$0x12560] =	vst v7;
	v5 =	vmul.f32 $8.000000000e+00, v8;
	v4 =	vld [tilespmem:s5+$0xA5D0]  }
0x226: {  	[tilespmem:s5+$0x12570] =	vst v6;
	v2 =	vmul.f32 $8.000000000e+00, v2;
	v60 =	vld [tilespmem:s5+$0xA5E0]  }
0x227: {  	[tilespmem:s5+$0x12580] =	vst v5;
	v0 =	vmul.f32 $8.000000000e+00, v0  }
0x228: {  	[tilespmem:s5+$0x12590] =	vst v2;
	v1 =	vmul.f32 $8.000000000e+00, v1  }
0x229: {  	[tilespmem:s5+$0x125A0] =	vst v0;
	v61 =	vmul.f32 $8.000000000e+00, v3  }
.Ltmp11:
0x22a: {  	s10 =	sadd.s32 s17, s8;
	[tilespmem:s5+$0x125B0] =	vst v1;
	v62 =	vmul.f32 $8.000000000e+00, v4;
	(pc) =	sbr.rel @p1 .LBB2_18-.Ltmp11, $4  }
0x22b: {  	s10 =	sshll.u32 s10, $0x3;
	[tilespmem:s5+$0x125C0] =	vst v61;
	v63 =	vmul.f32 $8.000000000e+00, v60  }
0x22c: {  	s10 =	sand.u32 $0x1FFFF800, s10;
	[tilespmem:s5+$0x125D0] =	vst v62  }
0x22d: {  	s31 =	sadd.s32 s2, s10;
	[tilespmem:s5+$0x125E0] =	vst v63  }
0x22e: {  	[hbm4b:s31+s3] =	stream.linear.scatter [tilespmem:s26], [sflag:$0x8], $0x2000, $0x38;
	[tilespmem:$0x16400] =	vst v63  }
.Ltmp12:
0x22f: {  	(pc) =	sbr.rel .LBB2_19-.Ltmp12, $4  }
0x230: {  	_ = 	snop  }
0x231: {  	_ =	swait.ge [sflag:s28], $0x2000  }
0x232: {  	[sflag:s28] =	ssyncset.done $0x0  }
0x233: {  	[sflag:s28] =	ssyncadd.s32 $0xFFFFE000  }
.LBB2_18:
0x234: {  	s5 =	sshrl.u32 s15, $0x2  }
.Ltmp13:
0x235: {  	s5 =	sadd.s32 $0x300, s5;
	(pc) =	sbr.rel @p0 .LBB2_20-.Ltmp13, $4  }
0x236: {  	[tilespmem:s16], [sflag:$0x4] =	stream.indirect.gather [hbm4b:s4+s12], $0x40, s5, s12, $0xb8;
	[tilespmem:$0x16400] =	vst v63  }
0x237: {  	_ =	swait.ge [sflag:s28], $0x2000  }
0x238: {  	[sflag:s28] =	ssyncset.done $0x0  }
0x239: {  	[sflag:s28] =	ssyncadd.s32 $0xFFFFE000  }
.LBB2_19:
0x23a: {  	_ =	swait.ge [sflag:s29], $0x2000  }
0x23b: {  	[sflag:s29] =	ssyncset.done $0x0  }
0x23c: {  	[sflag:s29] =	ssyncadd.s32 $0xFFFFE000  }
.LBB2_20:
0x23d: {  	s5 =	simm.s32 $0x0  }
0x23e: {  	v0 =	vld [tilespmem:s5+$0xC5F0]  }
0x23f: {  	v1 =	vld [tilespmem:s5+$0xC400]  }
0x240: {  	v2 =	vld [tilespmem:s5+$0xC410]  }
0x241: {  	v3 =	vld [tilespmem:s5+$0xC420]  }
0x242: {  	v4 =	vld [tilespmem:s5+$0xC430]  }
0x243: {  	v5 =	vld [tilespmem:s5+$0xC440];
	v0 =	vmul.f32 $8.000000000e+00, v0  }
0x244: {  	v6 =	vld [tilespmem:s5+$0xC450];
	v1 =	vmul.f32 $8.000000000e+00, v1  }
0x245: {  	v7 =	vld [tilespmem:s5+$0xC460];
	[tilespmem:s5+$0x145F0] =	vst v0;
	v0 =	vmul.f32 $8.000000000e+00, v2  }
0x246: {  	[tilespmem:s5+$0x14400] =	vst v1;
	v1 =	vld [tilespmem:s5+$0xC470];
	v2 =	vmul.f32 $8.000000000e+00, v3  }
0x247: {  	v3 =	vmul.f32 $8.000000000e+00, v4;
	[tilespmem:s5+$0x14410] =	vst v0;
	v0 =	vld [tilespmem:s5+$0xC480]  }
0x248: {  	v4 =	vmul.f32 $8.000000000e+00, v5;
	[tilespmem:s5+$0x14420] =	vst v2;
	v2 =	vld [tilespmem:s5+$0xC490]  }
0x249: {  	v5 =	vmul.f32 $8.000000000e+00, v6;
	[tilespmem:s5+$0x14430] =	vst v3;
	v3 =	vld [tilespmem:s5+$0xC4A0]  }
0x24a: {  	v6 =	vmul.f32 $8.000000000e+00, v7;
	[tilespmem:s5+$0x14440] =	vst v4;
	v4 =	vld [tilespmem:s5+$0xC4B0]  }
0x24b: {  	[tilespmem:s5+$0x14450] =	vst v5;
	v5 =	vld [tilespmem:s5+$0xC4C0];
	v1 =	vmul.f32 $8.000000000e+00, v1  }
0x24c: {  	[tilespmem:s5+$0x14460] =	vst v6;
	v6 =	vld [tilespmem:s5+$0xC4D0];
	v0 =	vmul.f32 $8.000000000e+00, v0  }
0x24d: {  	[tilespmem:s5+$0x14470] =	vst v1;
	v1 =	vld [tilespmem:s5+$0xC4E0];
	v2 =	vmul.f32 $8.000000000e+00, v2  }
0x24e: {  	v3 =	vmul.f32 $8.000000000e+00, v3;
	[tilespmem:s5+$0x14480] =	vst v0;
	v0 =	vld [tilespmem:s5+$0xC4F0]  }
0x24f: {  	v4 =	vmul.f32 $8.000000000e+00, v4;
	[tilespmem:s5+$0x14490] =	vst v2;
	v2 =	vld [tilespmem:s5+$0xC500]  }
0x250: {  	v5 =	vmul.f32 $8.000000000e+00, v5;
	[tilespmem:s5+$0x144A0] =	vst v3;
	v3 =	vld [tilespmem:s5+$0xC510]  }
0x251: {  	v6 =	vmul.f32 $8.000000000e+00, v6;
	[tilespmem:s5+$0x144B0] =	vst v4;
	v4 =	vld [tilespmem:s5+$0xC520]  }
0x252: {  	[tilespmem:s5+$0x144C0] =	vst v5;
	v5 =	vld [tilespmem:s5+$0xC530];
	v1 =	vmul.f32 $8.000000000e+00, v1  }
0x253: {  	[tilespmem:s5+$0x144D0] =	vst v6;
	v6 =	vld [tilespmem:s5+$0xC540];
	v0 =	vmul.f32 $8.000000000e+00, v0  }
0x254: {  	v7 =	vld [tilespmem:s5+$0xC560];
	[tilespmem:s5+$0x144E0] =	vst v1;
	v2 =	vmul.f32 $8.000000000e+00, v2  }
0x255: {  	v1 =	vld [tilespmem:s5+$0xC550];
	[tilespmem:s5+$0x144F0] =	vst v0;
	v0 =	vmul.f32 $8.000000000e+00, v3  }
0x256: {  	v8 =	vld [tilespmem:s5+$0xC570];
	[tilespmem:s5+$0x14500] =	vst v2;
	v2 =	vmul.f32 $8.000000000e+00, v4  }
0x257: {  	v4 =	vld [tilespmem:s5+$0xC580];
	[tilespmem:s5+$0x14510] =	vst v0;
	v0 =	vmul.f32 $8.000000000e+00, v5  }
0x258: {  	v3 =	vmul.f32 $8.000000000e+00, v6;
	[tilespmem:s5+$0x14520] =	vst v2;
	v2 =	vld [tilespmem:s5+$0xC590]  }
0x259: {  	v6 =	vmul.f32 $8.000000000e+00, v7;
	[tilespmem:s5+$0x14530] =	vst v0;
	v0 =	vld [tilespmem:s5+$0xC5A0]  }
0x25a: {  	[tilespmem:s5+$0x14540] =	vst v3;
	v5 =	vmul.f32 $8.000000000e+00, v1;
	v1 =	vld [tilespmem:s5+$0xC5B0]  }
0x25b: {  	v3 =	vld [tilespmem:s5+$0xC5C0];
	[tilespmem:s5+$0x14560] =	vst v6;
	v6 =	vmul.f32 $8.000000000e+00, v8  }
0x25c: {  	s10 =	simm.s32 $0x0;
	s11 =	simm.s32 $0x800;
	[tilespmem:s5+$0x14550] =	vst v5;
	v5 =	vmul.f32 $8.000000000e+00, v4;
	v4 =	vld [tilespmem:s5+$0xC5D0]  }
.LBB2_21:
0x25d: {  	s31 =	sshra.s32 s11, $0x2;
	s10 =	sadd.s32 $0x8, s10;
	[tilespmem:s5+$0x14570] =	vst v6;
	v2 =	vmul.f32 $8.000000000e+00, v2;
	v6 =	vld [tilespmem:s5+$0xC5E0]  }
0x25e: {  	v7 =	vld [tilespmem:s31+$0xC5F0];
	p0 =	slt.u32 s10, $0x78;
	[tilespmem:s5+$0x14580] =	vst v5;
	v0 =	vmul.f32 $8.000000000e+00, v0  }
0x25f: {  	v5 =	vld [tilespmem:s31+$0xC400];
	[tilespmem:s5+$0x14590] =	vst v2;
	v1 =	vmul.f32 $8.000000000e+00, v1  }
0x260: {  	v2 =	vld [tilespmem:s31+$0xC410];
	[tilespmem:s5+$0x145A0] =	vst v0;
	v0 =	vmul.f32 $8.000000000e+00, v3  }
0x261: {  	v3 =	vld [tilespmem:s31+$0xC420];
	[tilespmem:s5+$0x145B0] =	vst v1;
	v1 =	vmul.f32 $8.000000000e+00, v4  }
0x262: {  	v4 =	vld [tilespmem:s31+$0xC430];
	[tilespmem:s5+$0x145C0] =	vst v0;
	v0 =	vmul.f32 $8.000000000e+00, v6  }
0x263: {  	v6 =	vld [tilespmem:s31+$0xC440];
	v7 =	vmul.f32 $8.000000000e+00, v7;
	[tilespmem:s5+$0x145D0] =	vst v1  }
0x264: {  	v1 =	vmul.f32 $8.000000000e+00, v5;
	v5 =	vld [tilespmem:s31+$0xC450];
	[tilespmem:s5+$0x145E0] =	vst v0;
	s5 =	smov.u32 s31  }
0x265: {  	v0 =	vmul.f32 $8.000000000e+00, v2;
	v2 =	vld [tilespmem:s5+$0xC460];
	[tilespmem:s5+$0x145F0] =	vst v7  }
0x266: {  	[tilespmem:s5+$0x14400] =	vst v1;
	v1 =	vmul.f32 $8.000000000e+00, v3;
	v3 =	vld [tilespmem:s5+$0xC470]  }
0x267: {  	[tilespmem:s5+$0x14410] =	vst v0;
	v0 =	vmul.f32 $8.000000000e+00, v4;
	v4 =	vld [tilespmem:s5+$0xC480]  }
0x268: {  	[tilespmem:s5+$0x14420] =	vst v1;
	v1 =	vmul.f32 $8.000000000e+00, v6;
	v6 =	vld [tilespmem:s5+$0xC490]  }
0x269: {  	[tilespmem:s5+$0x14430] =	vst v0;
	v0 =	vmul.f32 $8.000000000e+00, v5;
	v5 =	vld [tilespmem:s5+$0xC4A0]  }
0x26a: {  	[tilespmem:s5+$0x14440] =	vst v1;
	v1 =	vmul.f32 $8.000000000e+00, v2;
	v2 =	vld [tilespmem:s5+$0xC4B0]  }
0x26b: {  	[tilespmem:s5+$0x14450] =	vst v0;
	v0 =	vmul.f32 $8.000000000e+00, v3;
	v3 =	vld [tilespmem:s5+$0xC4C0]  }
0x26c: {  	[tilespmem:s5+$0x14460] =	vst v1;
	v1 =	vmul.f32 $8.000000000e+00, v4;
	v4 =	vld [tilespmem:s5+$0xC4D0]  }
0x26d: {  	[tilespmem:s5+$0x14470] =	vst v0;
	v0 =	vmul.f32 $8.000000000e+00, v6;
	v6 =	vld [tilespmem:s5+$0xC4E0]  }
0x26e: {  	[tilespmem:s5+$0x14480] =	vst v1;
	v1 =	vmul.f32 $8.000000000e+00, v5;
	v5 =	vld [tilespmem:s5+$0xC4F0]  }
0x26f: {  	[tilespmem:s5+$0x14490] =	vst v0;
	v0 =	vmul.f32 $8.000000000e+00, v2;
	v2 =	vld [tilespmem:s5+$0xC500]  }
0x270: {  	[tilespmem:s5+$0x144A0] =	vst v1;
	v1 =	vmul.f32 $8.000000000e+00, v3;
	v3 =	vld [tilespmem:s5+$0xC510]  }
0x271: {  	[tilespmem:s5+$0x144B0] =	vst v0;
	v0 =	vmul.f32 $8.000000000e+00, v4;
	v4 =	vld [tilespmem:s5+$0xC520]  }
0x272: {  	[tilespmem:s5+$0x144C0] =	vst v1;
	v1 =	vmul.f32 $8.000000000e+00, v6;
	v6 =	vld [tilespmem:s5+$0xC530]  }
0x273: {  	[tilespmem:s5+$0x144D0] =	vst v0;
	v0 =	vmul.f32 $8.000000000e+00, v5;
	v5 =	vld [tilespmem:s5+$0xC540]  }
0x274: {  	[tilespmem:s5+$0x144E0] =	vst v1;
	v1 =	vmul.f32 $8.000000000e+00, v2;
	v7 =	vld [tilespmem:s5+$0xC550]  }
0x275: {  	[tilespmem:s5+$0x144F0] =	vst v0;
	v0 =	vmul.f32 $8.000000000e+00, v3;
	v3 =	vld [tilespmem:s5+$0xC560]  }
0x276: {  	[tilespmem:s5+$0x14500] =	vst v1;
	v1 =	vmul.f32 $8.000000000e+00, v4;
	v4 =	vld [tilespmem:s5+$0xC570]  }
0x277: {  	[tilespmem:s5+$0x14510] =	vst v0;
	v0 =	vmul.f32 $8.000000000e+00, v6;
	v8 =	vld [tilespmem:s5+$0xC580]  }
.Ltmp14:
0x278: {  	[tilespmem:s5+$0x14520] =	vst v1;
	v1 =	vmul.f32 $8.000000000e+00, v5;
	v2 =	vld [tilespmem:s5+$0xC590];
	(pc) =	sbr.rel @p0 .LBB2_21-.Ltmp14, $4  }
0x279: {  	[tilespmem:s5+$0x14530] =	vst v0;
	v5 =	vmul.f32 $8.000000000e+00, v7;
	v0 =	vld [tilespmem:s5+$0xC5A0]  }
0x27a: {  	[tilespmem:s5+$0x14540] =	vst v1;
	v7 =	vmul.f32 $8.000000000e+00, v3;
	v1 =	vld [tilespmem:s5+$0xC5B0]  }
0x27b: {  	[tilespmem:s5+$0x14550] =	vst v5;
	v6 =	vmul.f32 $8.000000000e+00, v4;
	v3 =	vld [tilespmem:s5+$0xC5C0]  }
0x27c: {  	s11 =	sadd.s32 $0x800, s11;
	[tilespmem:s5+$0x14560] =	vst v7;
	v5 =	vmul.f32 $8.000000000e+00, v8;
	v4 =	vld [tilespmem:s5+$0xC5D0]  }
0x27d: {  	[tilespmem:s5+$0x14570] =	vst v6;
	v2 =	vmul.f32 $8.000000000e+00, v2;
	v60 =	vld [tilespmem:s5+$0xC5E0]  }
0x27e: {  	[tilespmem:s5+$0x14580] =	vst v5;
	v0 =	vmul.f32 $8.000000000e+00, v0  }
0x27f: {  	[tilespmem:s5+$0x14590] =	vst v2;
	v1 =	vmul.f32 $8.000000000e+00, v1  }
0x280: {  	p0 =	seq.s32 s0, $0x31;
	[tilespmem:s5+$0x145A0] =	vst v0;
	v61 =	vmul.f32 $8.000000000e+00, v3  }
.Ltmp15:
0x281: {  	s10 =	sadd.s32 s17, s9;
	[tilespmem:s5+$0x145B0] =	vst v1;
	v62 =	vmul.f32 $8.000000000e+00, v4;
	(pc) =	sbr.rel @p0 .LBB2_24-.Ltmp15, $4  }
0x282: {  	s10 =	sshll.u32 s10, $0x3;
	[tilespmem:s5+$0x145C0] =	vst v61;
	v63 =	vmul.f32 $8.000000000e+00, v60  }
0x283: {  	s10 =	sand.u32 $0x1FFFFC00, s10;
	[tilespmem:s5+$0x145D0] =	vst v62  }
0x284: {  	s31 =	sadd.s32 s2, s10;
	[tilespmem:s5+$0x145E0] =	vst v63  }
0x285: {  	[hbm4b:s31+s3] =	stream.linear.scatter [tilespmem:s30], [sflag:$0x9], $0x2000, $0x38;
	[tilespmem:$0x16400] =	vst v63  }
.Ltmp16:
0x286: {  	(pc) =	sbr.rel .LBB2_2-.Ltmp16, $4  }
0x287: {  	_ = 	snop  }
0x288: {  	s5 =	sshrl.u32 s15, $0x2  }
0x289: {  	s0 =	sadd.s32 $0x1, s0;
	s5 =	sadd.s32 $0x380, s5  }
0x28a: {  	[tilespmem:s18], [sflag:$0x5] =	stream.indirect.gather [hbm4b:s4+s12], $0x40, s5, s12, $0xb8;
	[tilespmem:$0x16400] =	vst v63  }
.LBB2_25:
0x28b: {  	_ =	sfence.sel $0x180000  }
0x28c: {  	[bflag:$0x0] =	sbarrier.arrive $0xFFFF  }
0x28d: {  	_ =	strace $0x90000047  }
0x28e: {  	s0 =	stileid.u32;
	[bflag:$0x2] =	sbarrier.arrive $0xFFFF  }
0x28f: {  	p0 =	sne.s32 s0, $0x0;
	s0 =	rddreg [dreg:$0x2]  }
0x290: {  	s0 =	sadd.s32 @!p0 $0x100000, s0  }
0x291: {  	[sflag:s0] =	ssyncadd.tile.s32 @!p0 $0x1;
	_ =	shalt  }
.Lfunc_end2:
_tile_overlayer_lowered:
.L_overlay_start_2:
0x292: {  	(tag) =	ssettag $0x2  }
0x293: {  	s0 =	rddreg [dreg:$0x0];
	s2 =	stileid.u32  }
0x294: {  	s1 =	rddreg [dreg:$0x1];
	p0 =	sne.s32 s2, $0x0  }
0x295: {  	s3 =	rddreg [dreg:$0x2];
	[bflag:$0x3] =	sbarrier.arrive $0xFFFF;
	s2 =	simm.s32 @!p0 $0x1C0A  }
0x296: {  	[timem:s3], [sflag:s2] =	dma.local @!p0 [hbm:s0], s1  }
0x297: {  	s0 =	simm.s32 @!p0 $0xA  }
0x298: {  	_ =	swait.ge @!p0 [sflag:s0], s1  }
0x299: {  	s1 =	ssub.s32 @!p0 $0x0, s1;
	[sflag:s0] =	ssyncset.done @!p0 $0x0  }
0x29a: {  	[sflag:s0] =	ssyncadd.s32 @!p0 s1  }
0x29b: {  	[bflag:$0x3] =	sbarrier.arrive $0xFFFF  }
0x29c: {  	_ =	shalt  }

// kernel: sparse-core-data-format-call.cloned.1.call-start
scs
called_computation_lowered:
.L_overlay_start_0:
0x0: {  	s2 =	sld [smem:$0x3FD9]  }
0x1: {  	s3 =	sld [smem:$0x3FFE];
	_ =	sdelay $0x1  }
0x2: {  	s1 =	srdreg.scid  }
0x3: {  	s0 =	sand.u32 $0x1, s1  }
0x4: {  	s18 =	sshll.u32 s0, $0xA;
	s2 =	sadd.s32 s3, s2  }
0x5: {  	s2 =	sadd.s32 s2, s18  }
0x6: {  	[smem:$0x3FC6] =	sst s2  }
0x7: {  	_ = 	snop  }
0x8: {  	s2 =	sld [smem:$0x3FD0];
	(tm) =	ssettm $0x1  }
0x9: {  	s19 =	sld [smem:$0x3FFB];
	_ =	sdelay $0x3  }
0xa: {  	_ =	strace s19  }
0xb: {  	s3 =	sld [smem:$0x3FFC];
	_ =	sdelay $0x3  }
0xc: {  	_ =	strace s3  }
0xd: {  	s3 =	sld [smem:$0x3FFD];
	_ =	sdelay $0x3  }
0xe: {  	_ =	strace s3  }
0xf: {  	_ =	strace $0x8FFFFFFF  }
0x10: {  	s20 =	sld [smem:$0x3FDB];
	_ =	sdelay $0x1  }
0x11: {  	s4 =	simm.s32 $_scs_section_size  }
0x12: {  	s5 =	simm.s32 $_size__tile_overlayer_lowered;
	s6 =	simm.s32 $_tile_overlayer_lowered  }
0x13: {  	s23 =	simm.s32 $0x1BFF;
	s22 =	sshll.u32 s6, $0x1;
	s3 =	sadd.s32 s4, s20  }
0x14: {  	s7 =	simm.s32 $0x0;
	s21 =	sshll.u32 s5, $0x1;
	s5 =	sadd.s32 s22, s3  }
0x15: {  	[timem:s7], [sflag:s23] =	dma.local [hbm:s5], s21  }
0x16: {  	_ =	swait.ge [sflag:s23], s21  }
0x17: {  	s4 =	ssub.s32 $0x0, s21;
	[sflag:s23] =	ssyncset.done $0x0  }
0x18: {  	[sflag:s23] =	ssyncadd.s32 s4;
	_ =	sdelay $0x1  }
0x19: {  	s24 =	simm.s32 $0x1B8B  }
0x1a: {  	_ =	swait.ge [sflag:s24], $0x1  }
0x1b: {  	[sflag:s24] =	ssyncset.done $0x0  }
0x1c: {  	s26 =	simm.s32 $0x1B8E;
	s25 =	sld [smem:$0x3FFE];
	[sflag:s24] =	ssyncadd.s32 $0xFFFFFFFF  }
0x1d: {  	s27 =	simm.s32 $execute0_lowered;
	[smem:$0x3FD2] =	sst s26  }
0x1e: {  	s5 =	sshll.u32 s27, $0x1;
	_ =	strace $0x80000049;
	[dreg:$0x1] =	wrdreg $0xFFFFFFFF  }
0x1f: {  	s28 =	simm.s32 $_size_execute0_lowered;
	s3 =	sadd.s32 s3, s5;
	[dreg:$0x0] =	wrdreg $0x0  }
0x20: {  	s5 =	sshll.u32 s28, $0x1;
	[dreg:$0x2] =	wrdreg s3  }
0x21: {  	[dreg:$0x3] =	wrdreg s5  }
0x22: {  	[dreg:$0x4] =	wrdreg $0xC0  }
0x23: {  	_ =	task [dreg:s7], $0x5FFFF  }
0x24: {  	[dreg:$0x1] =	wrdreg $0xFFFFFFFF  }
0x25: {  	[dreg:$0x0] =	wrdreg $0x60  }
0x26: {  	[dreg:$0x2] =	wrdreg s25  }
0x27: {  	[dreg:$0x3] =	wrdreg s2  }
0x28: {  	[dreg:$0x4] =	wrdreg $0x9  }
0x29: {  	_ =	task.clear_ibuf [dreg:s7], $0x5FFFF;
	_ =	strace $0x90000049  }
0x2a: {  	s29 =	simm.s32 $0x9;
	_ =	strace $0x8000004B  }
0x2b: {  	_ =	swait.ge [sflag:s29], $0x1  }
0x2c: {  	[sflag:s29] =	ssyncadd.s32 $0xFFFFFFFF  }
0x2d: {  	_ =	strace $0x9000004B  }
0x2e: {  	_ =	sfence  }
0x2f: {  	s30 =	sld [smem:$0x0];
	_ =	sdelay $0x2  }
0x30: {  	s31 =	sshll.u32 s1, $0xD;
	s1 =	sshrl.u32 s1, $0x2  }
0x31: {  	s3 =	sand.u32 $0x4000, s31;
	s1 =	sadd.s32 s1, s30  }
0x32: {  	s0 =	sor.u32 s3, s0;
	s1 =	sshll.u32 s1, $0x11  }
0x33: {  	s0 =	sor.u32 s1, s0  }
0x34: {  	s0 =	sadd.s32 $0x8F2B, s0  }
0x35: {  	[sflag:s0] =	ssyncadd.remote.s32 $0x1  }
0x36: {  	_ =	sfence.sel $0xFFFF  }
0x37: {  	[dreg:$0x0] =	wrdreg $0xFFFFFFFF;
	(pc) =	sbr.abs _section_cstart, $3  }
0x38: {  	[dreg:$0x1] =	wrdreg $0xFFFFFFFF  }
0x39: {  	_ =	task.clear_ibuf [dreg:s7], $0x2FFFF;
	_ =	strace $0x9FFFFFFF  }
0x3a: {  	(tm) =	ssettm $0x7FFFFFFF  }
0x3b: {  	_ =	shalt  }
tec
execute0_lowered:
.L_overlay_start_1:
0x0: {  	(tag) =	ssettag $0x1  }
0x1: {  	s0 =	srdreg.scid  }
0x2: {  	s1 =	sshll.u32 s0, $0x4  }
0x3: {  	s0 =	stileid.u32;
	s1 =	sand.u32 $0x10, s1  }
0x4: {  	s1 =	sor.u32 s0, s1  }
0x5: {  	s6 =	rddreg [dreg:$0x0];
	s4 =	simm.s32 $0x1;
	s2 =	sshll.u32 s1, $0x7  }
0x6: {  	s7 =	simm.s32 $0x2;
	s12 =	simm.s32 $0x0;
	s1 =	ssub.s32 $0x1000, s2  }
0x7: {  	s8 =	simm.s32 $0x8000;
	s13 =	simm.s32 $0x0;
	s3 =	sand.u32 $0xF80, s1  }
0x8: {  	s9 =	simm.s32 $0x0;
	s5 =	sshrl.u32 s1, $0xC;
	p0 =	sne.s32 s3, $0x0  }
.Ltmp0:
0x9: {  	s1 =	rddreg [dreg:$0x2];
	s4 =	simm.s32 @!p0 $0x0;
	(pc) =	sbr.rel .LBB1_1-.Ltmp0, $4  }
0xa: {  	s11 =	simm.s32 $0x0;
	s3 =	rddreg [dreg:$0x1];
	s5 =	sadd.s32 s4, s5  }
0xb: {  	_ =	strace $0x8000004A;
	s4 =	simm.s32 $0x1;
	s5 =	smul.u32 $0xC8, s5  }
0xc: {  	s6 =	sadd.s32 $0xA00, s6;
	s10 =	smov.u32 s2;
	[sflag:s4] =	ssyncpa.u1 $0x0  }
0xd: {  	p0 =	por $0x0, $0x0;
	[sflag:s7] =	ssyncpa.u1 $0x0;
	s7 =	sor.u32 $0x1, s5  }
.LBB1_4:
0xe: {  	s16 =	sshll.u32 s13, $0x3;
	s17 =	sand.u32 $0x78, s13  }
0xf: {  	s30 =	sand.u32 $0x7E00, s13;
	s12 =	sshll.u32 s12, $0xF;
	s16 =	sand.u32 $0xC00, s16  }
0x10: {  	[tilespmem:s15+$0x810 ss:$0x81] =	vst.msk $0xffff, v2;
	s31 =	sand.u32 $0x7, s13;
	s16 =	sor.u32 s17, s16;
	s17 =	sadd.s32 s3, s30  }
0x11: {  	[tilespmem:s15+$0x1020 ss:$0x81] =	vst.msk $0xffff, v0;
	s13 =	sshll.u32 s31, $0x12;
	s12 =	sadd.s32 s12, s17;
	s16 =	sshrl.u32 s16, $0x3  }
0x12: {  	[tilespmem:s15+$0x0 ss:$0x81] =	vst.msk $0xffff, v1;
	s13 =	sor.u32 $0x400, s13;
	s12 =	sadd.s32 s16, s12  }
0x13: {  	[hbm4b:s12+s13] =	stream.strided.scatter [tilespmem:s14], [sflag:$0x2], $0x2000, s8, s13, $0x20;
	[tilespmem:$0x8080] =	vst v63  }
.LBB1_5:
0x14: {  	s14 =	sadd.s32 $0x1, s9  }
0x15: {  	s12 =	sadd.s32 $0x1000, s10;
	s16 =	smov.u32 s10;
	p2 =	sgt.s32 s14, $0xC7  }
0x16: {  	s16 =	smov.u32 @p2 s12  }
0x17: {  	s14 =	simm.s32 @p2 $0x0;
	p2 =	sgt.s32 s16, $0xFFF  }
0x18: {  	s16 =	smov.u32 @p2 s2;
	p2 =	sne.s32 s11, s7  }
.Ltmp1:
0x19: {  	p1 =	slt.u32 s11, $0x2;
	(pc) =	sbr.rel @!p2 .LBB1_6-.Ltmp1, $4  }
0x1a: {  	s15 =	simm.s32 @!p1 $0x2  }
0x1b: {  	s13 =	smov.u32 s10;
	p0 =	por !p0, !p0;
	_ =	swait.ge @!p1 [sflag:s15], $0x2000  }
0x1c: {  	s12 =	smov.u32 s9;
	[sflag:s15] =	ssyncset.done @!p1 $0x0;
	s9 =	smov.u32 s14  }
0x1d: {  	s11 =	sadd.s32 $0x1, s11;
	[sflag:s15] =	ssyncadd.s32 @!p1 $0xFFFFE000;
	s10 =	smov.u32 s16  }
.LBB1_1:
0x1e: {  	p1 =	sge.u32 s11, s5  }
0x1f: {  	s14 =	sand.u32 @!p1 $0x1FFFFFF, s9  }
0x20: {  	s15 =	smulhi.u32 @!p1 $0x147AE15, s14;
	_ =	sdelay $0x1  }
0x21: {  	s15 =	smul.u32 @!p1 $0xC8, s15  }
0x22: {  	s16 =	sxor.u32 @!p1 $0xFFFFFFFF, s11;
	s17 =	smul.u32 @!p1 $0xC80, s10  }
0x23: {  	s31 =	sadd.s32 $0xFFFFFFFF, s11;
	s16 =	sshll.u32 @!p1 s16, $0xD;
	s14 =	ssub.s32 @!p1 s14, s15  }
0x24: {  	s15 =	sand.u32 @!p1 $0x2000, s16;
	s16 =	sadd.s32 @!p1 s6, s17;
	s14 =	sshll.u32 @!p1 s14, $0x4  }
0x25: {  	s17 =	simm.s32 @!p1 $0x6400;
	s14 =	sadd.s32 @!p1 s14, s16;
	s16 =	simm.s32 @!p1 $0x40  }
0x26: {  	[tilespmem:s15], [sflag:$0x1] =	stream.strided.gather @!p1 [hbm4b:s14+s16], $0x2000, s17, s16, $0x38;
	[tilespmem:$0x8080] =	vst v63  }
0x27: {  	p1 =	sge.u32 s31, s5  }
.Ltmp2:
0x28: {  	_ = 	snop;
	(pc) =	sbr.rel @p1 .LBB1_5-.Ltmp2, $1  }
0x29: {  	_ =	sdelay $0x3  }
0x2a: {  	s14 =	simm.s32 $0x1  }
0x2b: {  	_ =	swait.ge [sflag:s4], $0x2000;
	s14 =	simm.s32 @!p0 $0x0  }
0x2c: {  	[sflag:s4] =	ssyncset.done $0x0;
	s15 =	sshll.u32 s14, $0xD  }
0x2d: {  	[sflag:s4] =	ssyncadd.s32 $0xFFFFE000;
	s18 =	sor.u32 $0x20, s15  }
0x2e: {  	s14 =	smul.u32 $0x8100, s14;
	v3 =	vld [tilespmem:s18+$0x10]  }
0x2f: {  	s30 =	sand.u32 $0x1, s11;
	v2 =	vld [tilespmem:s18+$0xFFFFFFF0]  }
0x30: {  	s15 =	smul.u32 $0x8100, s30;
	s14 =	sshrl.u32 s14, $0x2;
	v0 =	vld [tilespmem:s18+$0x0]  }
0x31: {  	v1 =	vld [tilespmem:s18+$0xFFFFFFE0];
	s16 =	sor.u32 $0x4000, s14  }
0x32: {  	s31 =	sshrl.u32 s15, $0x2;
	s15 =	sadd.s32 $0x0, s16  }
0x33: {  	s17 =	simm.s32 $0x4;
	s18 =	sadd.s32 $0x40, s18;
	s14 =	sor.u32 $0x4000, s31;
	[tilespmem:s15+$0x1830 ss:$0x81] =	vst.msk $0xffff, v3  }
.LBB1_3:
0x34: {  	v3 =	vld [tilespmem:s18+$0x10];
	p1 =	sne.s32 s17, $0x1FC;
	[tilespmem:s15+$0x810 ss:$0x81] =	vst.msk $0xffff, v2;
	s19 =	smov.u32 s17;
	s17 =	sadd.s32 $0x4, s17  }
.Ltmp3:
0x35: {  	v2 =	vld [tilespmem:s18+$0xFFFFFFF0];
	[tilespmem:s15+$0x1020 ss:$0x81] =	vst.msk $0xffff, v0;
	(pc) =	sbr.rel @p1 .LBB1_3-.Ltmp3, $4  }
0x36: {  	v0 =	vld [tilespmem:s18+$0x0];
	[tilespmem:s15+$0x0 ss:$0x81] =	vst.msk $0xffff, v1  }
0x37: {  	s15 =	sshra.s32 s19, $0x2;
	v1 =	vld [tilespmem:s18+$0xFFFFFFE0]  }
0x38: {  	s15 =	sadd.s32 s15, s16  }
0x39: {  	s18 =	sadd.s32 $0x40, s18;
	[tilespmem:s15+$0x1830 ss:$0x81] =	vst.msk $0xffff, v3  }
.Ltmp4:
0x3a: {  	_ = 	snop;
	(pc) =	sbr.rel .LBB1_4-.Ltmp4, $1  }
0x3b: {  	_ =	sdelay $0x3  }
.LBB1_6:
0x3c: {  	_ =	sfence.sel $0x180000  }
0x3d: {  	s2 =	simm.s32 $0x1;
	[bflag:$0x0] =	sbarrier.arrive $0xFFFF  }
0x3e: {  	s31 =	simm.s32 $0x2;
	[sflag:s2] =	ssyncpa.u1 $0x1  }
0x3f: {  	[sflag:s31] =	ssyncpa.u1 $0x1  }
0x40: {  	p0 =	sne.s32 s0, $0x0;
	_ =	strace $0x9000004A  }
0x41: {  	s0 =	sadd.s32 @!p0 $0x100000, s1;
	[bflag:$0x2] =	sbarrier.arrive $0xFFFF  }
0x42: {  	[sflag:s0] =	ssyncadd.tile.s32 @!p0 $0x1;
	_ =	shalt  }
.Lfunc_end1:
_tile_overlayer_lowered:
.L_overlay_start_2:
0x43: {  	(tag) =	ssettag $0x2  }
0x44: {  	s0 =	rddreg [dreg:$0x0];
	s2 =	stileid.u32  }
0x45: {  	s1 =	rddreg [dreg:$0x1];
	p0 =	sne.s32 s2, $0x0  }
0x46: {  	s3 =	rddreg [dreg:$0x2];
	[bflag:$0x3] =	sbarrier.arrive $0xFFFF;
	s2 =	simm.s32 @!p0 $0x1C01  }
0x47: {  	[timem:s3], [sflag:s2] =	dma.local @!p0 [hbm:s0], s1  }
0x48: {  	s0 =	simm.s32 @!p0 $0x1  }
0x49: {  	_ =	swait.ge @!p0 [sflag:s0], s1  }
0x4a: {  	s1 =	ssub.s32 @!p0 $0x0, s1;
	[sflag:s0] =	ssyncset.done @!p0 $0x0  }
0x4b: {  	[sflag:s0] =	ssyncadd.s32 @!p0 s1  }
0x4c: {  	[bflag:$0x3] =	sbarrier.arrive $0xFFFF  }
0x4d: {  	_ =	shalt  }

</sc_bundles>
